<compile_context>
chip_gen: v7x
topology: tpu7x:2x2x1
jax: 0.10.2.dev20260603
libtpu: 0.0.44.dev20260713+nightly
codegen_flags: <defaults>
</compile_context>

<pallas_src>
import functools

import jax
import jax.numpy as jnp
from jax import lax
from jax.experimental import pallas as pl
from jax.experimental.pallas import tpu as pltpu
from jax.experimental.pallas import tpu_sc as plsc

N_NODES = 10000
N_EDGES = 320000
D_IN = 128
D_HID = 128
D_OUT = 40

NC = 2
NS = 16
NW = NC * NS
CHUNK = 128
NCHUNK_TOT = N_EDGES // CHUNK
NCHUNK_LO = NCHUNK_TOT // NW
NEXTRA = NCHUNK_TOT - NW * NCHUNK_LO
N_PAD = 10240
ROWS_PER_TILE = N_PAD // NS


@functools.lru_cache(maxsize=None)
def _make_agg(with_counts):
    D = D_HID
    mesh = plsc.VectorSubcoreMesh(core_axis_name="c", subcore_axis_name="s")

    out_type = [jax.ShapeDtypeStruct((NC, N_PAD, D), jnp.float32)]
    scratch = [
        pltpu.VMEM_SHARED((N_PAD, D), jnp.float32),
        pltpu.VMEM((3, CHUNK), jnp.int32),
        pltpu.VMEM((3, CHUNK), jnp.int32),
        pltpu.VMEM((2 * CHUNK, D), jnp.float32),
        pltpu.SemaphoreType.DMA,
        pltpu.SemaphoreType.DMA((3,)),
    ]
    if with_counts:
        out_type.append(jax.ShapeDtypeStruct((NC, N_PAD), jnp.float32))
        scratch += [
            pltpu.VMEM((N_PAD,), jnp.float32),
            pltpu.VMEM_SHARED((2, N_PAD), jnp.float32),
            pltpu.VMEM((2, ROWS_PER_TILE), jnp.float32),
            pltpu.VMEM((ROWS_PER_TILE,), jnp.float32),
        ]

    @functools.partial(
        pl.kernel,
        out_type=out_type,
        mesh=mesh,
        compiler_params=pltpu.CompilerParams(needs_layout_passes=False),
        scratch_types=scratch,
    )
    def agg(x_hbm, edges_hbm, zeros_hbm, *refs):
        if with_counts:
            (out_hbm, cnt_hbm, acc_sh, src_v, dst_v, rows_v, sem_g, sem_i,
             hist_v, hist_sh, merge_v, csum_v) = refs
        else:
            out_hbm, acc_sh, src_v, dst_v, rows_v, sem_g, sem_i = refs
        c = lax.axis_index("c")
        s = lax.axis_index("s")
        pltpu.sync_copy(zeros_hbm, acc_sh.at[pl.ds(s * ROWS_PER_TILE, ROWS_PER_TILE)])
        wid = c * NS + s
        ncw = NCHUNK_LO + jnp.where(wid < NEXTRA, 1, 0)
        base = (wid * NCHUNK_LO + jnp.minimum(wid, NEXTRA)) * CHUNK
        if with_counts:
            def zbody(i, carry):
                hist_v[pl.ds(i * 16, 16)] = jnp.zeros((16,), jnp.float32)
                return carry
            lax.fori_loop(0, N_PAD // 16, zbody, 0)
        plsc.subcore_barrier()

        def buf(b):
            return rows_v.at[pl.ds(b * CHUNK, CHUNK)]

        def idx_load(j, r):
            off = base + j * CHUNK
            pltpu.async_copy(edges_hbm.at[pl.ds(off, CHUNK)], src_v.at[r],
                             sem_i.at[r])
            pltpu.async_copy(edges_hbm.at[pl.ds(N_EDGES + off, CHUNK)],
                             dst_v.at[r], sem_i.at[r])

        def idx_wait(r):
            pltpu.make_async_copy(edges_hbm.at[pl.ds(0, CHUNK)], src_v.at[0],
                                  sem_i.at[r]).wait()
            pltpu.make_async_copy(edges_hbm.at[pl.ds(0, CHUNK)], dst_v.at[0],
                                  sem_i.at[r]).wait()

        def gather(i, b, r):
            pltpu.async_copy(x_hbm.at[src_v.at[r]], buf(b), sem_g)

        def scatter(i, b, r):
            pltpu.sync_copy(buf(b), acc_sh.at[dst_v.at[r]], add=True)
            if with_counts:
                for j in range(CHUNK // 16):
                    d16 = dst_v[r, pl.ds(j * 16, 16)]
                    c16, last = plsc.scan_count(d16)
                    plsc.addupdate_scatter(
                        hist_v, [d16], c16.astype(jnp.float32), mask=last)

        def drain_g():
            pltpu.make_async_copy(x_hbm.at[src_v.at[0]], buf(0), sem_g).wait()

        idx_load(0, 0)
        idx_load(1, 1)
        idx_wait(0)
        gather(0, 0, 0)

        def body(i, carry):
            b = lax.rem(i, 2)
            r = lax.rem(i, 3)
            drain_g()

            @pl.when(i + 2 <= ncw - 1)
            def _():
                idx_load(i + 2, lax.rem(i + 2, 3))

            @pl.when(i + 1 <= ncw - 1)
            def _():
                r1 = lax.rem(i + 1, 3)
                idx_wait(r1)
                gather(i + 1, 1 - b, r1)

            scatter(i, b, r)
            return carry

        lax.fori_loop(0, ncw, body, 0)
        plsc.subcore_barrier()
        pltpu.sync_copy(acc_sh.at[pl.ds(s * ROWS_PER_TILE, ROWS_PER_TILE)],
                        out_hbm.at[c, pl.ds(s * ROWS_PER_TILE, ROWS_PER_TILE)])
        if with_counts:
            for r in range(8):
                @pl.when(lax.div(s, 2) == r)
                def _():
                    pltpu.sync_copy(hist_v, hist_sh.at[lax.rem(s, 2)])
                plsc.subcore_barrier()
                pltpu.sync_copy(
                    hist_sh.at[:, pl.ds(s * ROWS_PER_TILE, ROWS_PER_TILE)],
                    merge_v)

                def mbody(g, carry):
                    acc = jnp.zeros((16,), jnp.float32)
                    for rr in range(2):
                        acc = acc + merge_v[rr, pl.ds(g * 16, 16)]
                    if r:
                        acc = acc + csum_v[pl.ds(g * 16, 16)]
                    csum_v[pl.ds(g * 16, 16)] = acc
                    return carry

                lax.fori_loop(0, ROWS_PER_TILE // 16, mbody, 0)
                plsc.subcore_barrier()
            pltpu.sync_copy(
                csum_v,
                cnt_hbm.at[c, pl.ds(s * ROWS_PER_TILE, ROWS_PER_TILE)])

    return agg


def _dot_t(a, w):
    return lax.dot_general(a, w, (((1,), (1,)), ((), ())),
                           preferred_element_type=jnp.float32)


def _dense0_body(p_ref, cnt_ref, x_ref, wl0_ref, bl0_ref, wr0_ref,
                 h0_ref, inv_ref):
    s = p_ref[0] + p_ref[1]
    inv = 1.0 / jnp.maximum(cnt_ref[...], 1.0)
    mean = s * inv
    h0 = (_dot_t(mean, wl0_ref[...]) + bl0_ref[...]
          + _dot_t(x_ref[...], wr0_ref[...]))
    h0_ref[...] = h0
    inv_ref[...] = inv


def _dense1_body(p_ref, inv_ref, h0_ref, wl1_ref, bl1_ref, wr1_ref,
                 w1_ref, b1_ref, w2_ref, b2_ref, out_ref):
    s = p_ref[0] + p_ref[1]
    mean = s * inv_ref[...]
    h1 = (_dot_t(mean, wl1_ref[...]) + bl1_ref[...]
          + _dot_t(h0_ref[...], wr1_ref[...]))
    z = (_dot_t(h0_ref[...], w1_ref[:, :D_HID])
         + _dot_t(h1, w1_ref[:, D_HID:])
         + b1_ref[...])
    z = jnp.maximum(z, 0.0)
    o = _dot_t(z, w2_ref[...]) + b2_ref[...]
    m = jnp.max(o, axis=1, keepdims=True)
    e = jnp.exp(o - m)
    lse = jnp.log(jnp.sum(e, axis=1, keepdims=True))
    out_ref[...] = o - m - lse


_BLK = 2000
_GRID = N_NODES // _BLK


def _row_spec(d):
    return pl.BlockSpec((_BLK, d), lambda i: (i, 0))


def _part_spec(d):
    return pl.BlockSpec((NC, _BLK, d), lambda i: (0, i, 0))


def _full_spec(r, c):
    return pl.BlockSpec((r, c), lambda i: (0, 0))


def _dense0(p0, cnt_col, x, wl0, bl0r, wr0):
    return pl.pallas_call(
        _dense0_body,
        grid=(_GRID,),
        in_specs=[
            _part_spec(D_IN),
            _row_spec(1),
            _row_spec(D_IN),
            _full_spec(D_HID, D_IN),
            _full_spec(1, D_HID),
            _full_spec(D_HID, D_IN),
        ],
        out_specs=[_row_spec(D_HID), _row_spec(1)],
        out_shape=[
            jax.ShapeDtypeStruct((N_NODES, D_HID), jnp.float32),
            jax.ShapeDtypeStruct((N_NODES, 1), jnp.float32),
        ],
    )(p0, cnt_col, x, wl0, bl0r, wr0)


def _dense1(p1, inv, h0, wl1, bl1r, wr1, w1, b1r, w2, b2r):
    return pl.pallas_call(
        _dense1_body,
        grid=(_GRID,),
        in_specs=[
            _part_spec(D_HID),
            _row_spec(1),
            _row_spec(D_HID),
            _full_spec(D_HID, D_HID),
            _full_spec(1, D_HID),
            _full_spec(D_HID, D_HID),
            _full_spec(D_HID, 2 * D_HID),
            _full_spec(1, D_HID),
            _full_spec(D_OUT, D_HID),
            _full_spec(1, D_OUT),
        ],
        out_specs=pl.BlockSpec((_BLK, D_OUT), lambda i: (i, 0)),
        out_shape=jax.ShapeDtypeStruct((N_NODES, D_OUT), jnp.float32),
    )(p1, inv, h0, wl1, bl1r, wr1, w1, b1r, w2, b2r)


def kernel(x, edge_index, Wl0, bl0, Wr0, Wl1, bl1, Wr1, W1, b1, W2, b2):
    edges = edge_index.astype(jnp.int32).reshape(2 * N_EDGES)
    z_hid = jnp.zeros((ROWS_PER_TILE, D_HID), jnp.float32)

    p0, cnt = _make_agg(True)(x, edges, z_hid)
    cnt_col = (cnt[0] + cnt[1]).reshape(N_PAD, 1)
    h0, inv = _dense0(p0, cnt_col, x, Wl0, bl0.reshape(1, -1), Wr0)
    p1 = _make_agg(False)(h0, edges, z_hid)[0]
    return _dense1(p1, inv, h0, Wl1, bl1.reshape(1, -1), Wr1,
                   W1, b1.reshape(1, -1), W2, b2.reshape(1, -1))

# --- scband reference (transcript-rebuilt; emitter-appended) ---
"""Pipeline reference for scband-graph-sagenet-5050881540299 (READ-ONLY COPY).

The authoritative reference and input builder live on the scoring server;
editing this copy changes nothing except your own understanding.
"""

import jax, jax.numpy as jnp
import numpy as np

N_NODES = 10000
N_EDGES = 320000
D_IN = 128
D_HID = 128
D_OUT = 40


def setup_inputs(seed: int = 0) -> dict:
    key = jax.random.key(seed)
    ks = jax.random.split(key, 12)
    x = jax.random.normal(ks[0], (N_NODES, D_IN), dtype=jnp.float32)
    edge_index = jax.random.randint(ks[1], (2, N_EDGES), 0, N_NODES, dtype=jnp.int64)
    s = 0.05
    # SAGEConv layer 0 (in_channels -> hidden): lin_l (neighbors, with bias), lin_r (self, no bias)
    Wl0 = jax.random.normal(ks[2], (D_HID, D_IN), dtype=jnp.float32) * s
    bl0 = jnp.zeros((D_HID,), dtype=jnp.float32)
    Wr0 = jax.random.normal(ks[3], (D_HID, D_IN), dtype=jnp.float32) * s
    # SAGEConv layer 1 (hidden -> hidden)
    Wl1 = jax.random.normal(ks[4], (D_HID, D_HID), dtype=jnp.float32) * s
    bl1 = jnp.zeros((D_HID,), dtype=jnp.float32)
    Wr1 = jax.random.normal(ks[5], (D_HID, D_HID), dtype=jnp.float32) * s
    # fc1: (num_layers*hidden -> hidden)
    W1 = jax.random.normal(ks[6], (D_HID, 2 * D_HID), dtype=jnp.float32) * s
    b1 = jnp.zeros((D_HID,), dtype=jnp.float32)
    # fc2: (hidden -> out)
    W2 = jax.random.normal(ks[7], (D_OUT, D_HID), dtype=jnp.float32) * s
    b2 = jnp.zeros((D_OUT,), dtype=jnp.float32)
    return {"x": x, "edge_index": edge_index, "Wl0": Wl0, "bl0": bl0, "Wr0": Wr0,
            "Wl1": Wl1, "bl1": bl1, "Wr1": Wr1, "W1": W1, "b1": b1, "W2": W2, "b2": b2}


def _sage_conv_mean(x, edge_index, Wl, bl, Wr):
    # PyG SAGEConv with aggr='mean': out = lin_l(mean_{j in N(i)} x_j) + lin_r(x_i)
    src = edge_index[0]
    dst = edge_index[1]
    n = x.shape[0]
    msg = jnp.take(x, src, axis=0)                      # gather (SparseCore)
    summed = jax.ops.segment_sum(msg, dst, num_segments=n)   # scatter-add
    cnt = jax.ops.segment_sum(jnp.ones((src.shape[0],), dtype=x.dtype), dst, num_segments=n)
    mean = summed / jnp.clip(cnt, 1.0, None)[:, None]
    return mean @ Wl.T + bl + x @ Wr.T


def reference(x, edge_index, Wl0, bl0, Wr0, Wl1, bl1, Wr1, W1, b1, W2, b2):
    x_all = []
    h = _sage_conv_mean(x, edge_index, Wl0, bl0, Wr0)
    x_all.append(h)
    h = _sage_conv_mean(h, edge_index, Wl1, bl1, Wr1)
    x_all.append(h)
    hc = jnp.concatenate(x_all, axis=1)
    hc = jax.nn.relu(hc @ W1.T + b1)
    out = hc @ W2.T + b2
    return jax.nn.log_softmax(out, axis=1)

if __name__ == "__main__":
    import jax
    _d = setup_inputs()
    print(jax.jit(kernel)(*tuple(_d.values())))

</pallas_src>

<mosaic_0001>
#map = affine_map<(d0, d1) -> (0, 0)>
#map1 = affine_map<(d0, d1) -> (0)>
#map2 = affine_map<(d0, d1) -> (0, 0, 0)>
module attributes {stable_mosaic.version = 14 : i64} {
  func.func @agg(%arg0: i32, %arg1: i32, %arg2: memref<10000x128xf32, #tpu.memory_space<hbm>>, %arg3: memref<640000xi32, #tpu.memory_space<hbm>>, %arg4: memref<640x128xf32, #tpu.memory_space<hbm>>, %arg5: memref<2x10240x128xf32, #tpu.memory_space<hbm>>, %arg6: memref<10240x128xf32, #tpu.memory_space<vmem_shared>>, %arg7: memref<3x128xi32, #tpu.memory_space<vmem>>, %arg8: memref<3x128xi32, #tpu.memory_space<vmem>>, %arg9: memref<256x128xf32, #tpu.memory_space<vmem>>, %arg10: memref<!tpu.dma_semaphore, #tpu.memory_space<semaphore_mem>>, %arg11: memref<3x!tpu.dma_semaphore, #tpu.memory_space<semaphore_mem>>) attributes {dimension_semantics = [#tpu.dimension_semantics<core_parallel>, #tpu.dimension_semantics<subcore_parallel>], iteration_bounds = array<i64: 2, 16>, scalar_prefetch = 0 : i64, scratch_operands = 6 : i64, tpu.core_type = #tpu.core_type<sc_vector_subcore>, window_params = [{transform_indices = #map}, {transform_indices = #map1}, {transform_indices = #map}, {transform_indices = #map2}]} {
    %mul3A = arith.constant 640 : i32
    %mul3A_0 = arith.muli %arg1, %mul3A : i32
    "tpu.region"() ({
      %run_scoped3A = tpu.sem_alloc : memref<!tpu.dma_semaphore, #tpu.memory_space<semaphore_mem>>
      %dma_start3A_119 = arith.constant 0 : i32
      %dma_start3A_120 = tpu.memref_slice %arg6[%mul3A_0, %dma_start3A_119] : memref<10240x128xf32, #tpu.memory_space<vmem_shared>> -> memref<640x128xf32, #tpu.memory_space<vmem_shared>>
      tpu.enqueue_dma source(%arg4 : memref<640x128xf32, #tpu.memory_space<hbm>>) target(%dma_start3A_120 : memref<640x128xf32, #tpu.memory_space<vmem_shared>>) target_semaphore(%run_scoped3A : memref<!tpu.dma_semaphore, #tpu.memory_space<semaphore_mem>>)
      %dma_wait3A_121 = arith.constant 0 : i32
      %dma_wait3A_122 = tpu.memref_slice %arg6[%mul3A_0, %dma_wait3A_121] : memref<10240x128xf32, #tpu.memory_space<vmem_shared>> -> memref<640x128xf32, #tpu.memory_space<vmem_shared>>
      tpu.wait_dma2 semaphore(%run_scoped3A : memref<!tpu.dma_semaphore, #tpu.memory_space<semaphore_mem>>) src(%arg4 : memref<640x128xf32, #tpu.memory_space<hbm>>) dst(%dma_wait3A_122 : memref<640x128xf32, #tpu.memory_space<vmem_shared>>)
      tpu.yield
    }) : () -> ()
    %mul3A_1 = arith.constant 16 : i32
    %mul3A_2 = arith.muli %arg0, %mul3A_1 : i32
    %add3A = arith.addi %mul3A_2, %arg1 : i32
    %lt3A = arith.constant 4 : i32
    %lt3A_3 = arith.cmpi slt, %add3A, %lt3A : i32
    %jit3A = arith.constant 1 : i32
    %jit3A_4 = arith.constant 0 : i32
    %select_n3A = arith.select %lt3A_3, %jit3A, %jit3A_4 : i32
    %add3A_5 = arith.constant 78 : i32
    %add3A_6 = arith.addi %add3A_5, %select_n3A : i32
    %mul3A_7 = arith.constant 78 : i32
    %mul3A_8 = arith.muli %add3A, %mul3A_7 : i32
    %min3A = arith.constant 4 : i32
    %min3A_9 = arith.minsi %add3A, %min3A : i32
    %add3A_10 = arith.addi %mul3A_8, %min3A_9 : i32
    %mul3A_11 = arith.constant 128 : i32
    %mul3A_12 = arith.muli %add3A_10, %mul3A_11 : i32
    %barrier3A = arith.constant 0 : index
    tpu.barrier barrier_id(%barrier3A)
    %add3A_13 = arith.constant 0 : i32
    %add3A_14 = arith.addi %mul3A_12, %add3A_13 : i32
    %dma_start3A = arith.constant 0 : i32
    %dma_start3A_15 = arith.constant 0 : i32
    %dma_start3A_16 = arith.constant 0 : i32
    %dma_start3A_17 = tpu.memref_slice %arg7[%dma_start3A, %dma_start3A_16] : memref<3x128xi32, #tpu.memory_space<vmem>> -> memref<1x128xi32, #tpu.memory_space<vmem>>
    %dma_start3A_18 = tpu.memref_squeeze %dma_start3A_17 : memref<1x128xi32, #tpu.memory_space<vmem>> -> memref<128xi32, #tpu.memory_space<vmem>>
    %dma_start3A_19 = tpu.memref_slice %arg3[%add3A_14] : memref<640000xi32, #tpu.memory_space<hbm>> -> memref<128xi32, #tpu.memory_space<hbm>>
    %dma_start3A_20 = tpu.memref_slice %arg11[%dma_start3A_15] : memref<3x!tpu.dma_semaphore, #tpu.memory_space<semaphore_mem>> -> memref<1x!tpu.dma_semaphore, #tpu.memory_space<semaphore_mem>>
    %dma_start3A_21 = tpu.memref_squeeze %dma_start3A_20 : memref<1x!tpu.dma_semaphore, #tpu.memory_space<semaphore_mem>> -> memref<!tpu.dma_semaphore, #tpu.memory_space<semaphore_mem>>
    %dma_start3A_22 = arith.constant 0 : i32
    %dma_start3A_23 = tpu.memref_slice %arg7[%dma_start3A, %dma_start3A_22] : memref<3x128xi32, #tpu.memory_space<vmem>> -> memref<1x128xi32, #tpu.memory_space<vmem>>
    %dma_start3A_24 = tpu.memref_squeeze %dma_start3A_23 : memref<1x128xi32, #tpu.memory_space<vmem>> -> memref<128xi32, #tpu.memory_space<vmem>>
    %dma_start3A_25 = tpu.memref_slice %arg3[%add3A_14] : memref<640000xi32, #tpu.memory_space<hbm>> -> memref<128xi32, #tpu.memory_space<hbm>>
    tpu.enqueue_dma source(%dma_start3A_25 : memref<128xi32, #tpu.memory_space<hbm>>) target(%dma_start3A_24 : memref<128xi32, #tpu.memory_space<vmem>>) target_semaphore(%dma_start3A_21 : memref<!tpu.dma_semaphore, #tpu.memory_space<semaphore_mem>>)
    %add3A_26 = arith.constant 320000 : i32
    %add3A_27 = arith.addi %add3A_26, %add3A_14 : i32
    %dma_start3A_28 = arith.constant 0 : i32
    %dma_start3A_29 = arith.constant 0 : i32
    %dma_start3A_30 = arith.constant 0 : i32
    %dma_start3A_31 = tpu.memref_slice %arg8[%dma_start3A_28, %dma_start3A_30] : memref<3x128xi32, #tpu.memory_space<vmem>> -> memref<1x128xi32, #tpu.memory_space<vmem>>
    %dma_start3A_32 = tpu.memref_squeeze %dma_start3A_31 : memref<1x128xi32, #tpu.memory_space<vmem>> -> memref<128xi32, #tpu.memory_space<vmem>>
    %dma_start3A_33 = tpu.memref_slice %arg3[%add3A_27] : memref<640000xi32, #tpu.memory_space<hbm>> -> memref<128xi32, #tpu.memory_space<hbm>>
    %dma_start3A_34 = tpu.memref_slice %arg11[%dma_start3A_29] : memref<3x!tpu.dma_semaphore, #tpu.memory_space<semaphore_mem>> -> memref<1x!tpu.dma_semaphore, #tpu.memory_space<semaphore_mem>>
    %dma_start3A_35 = tpu.memref_squeeze %dma_start3A_34 : memref<1x!tpu.dma_semaphore, #tpu.memory_space<semaphore_mem>> -> memref<!tpu.dma_semaphore, #tpu.memory_space<semaphore_mem>>
    %dma_start3A_36 = arith.constant 0 : i32
    %dma_start3A_37 = tpu.memref_slice %arg8[%dma_start3A_28, %dma_start3A_36] : memref<3x128xi32, #tpu.memory_space<vmem>> -> memref<1x128xi32, #tpu.memory_space<vmem>>
    %dma_start3A_38 = tpu.memref_squeeze %dma_start3A_37 : memref<1x128xi32, #tpu.memory_space<vmem>> -> memref<128xi32, #tpu.memory_space<vmem>>
    %dma_start3A_39 = tpu.memref_slice %arg3[%add3A_27] : memref<640000xi32, #tpu.memory_space<hbm>> -> memref<128xi32, #tpu.memory_space<hbm>>
    tpu.enqueue_dma source(%dma_start3A_39 : memref<128xi32, #tpu.memory_space<hbm>>) target(%dma_start3A_38 : memref<128xi32, #tpu.memory_space<vmem>>) target_semaphore(%dma_start3A_35 : memref<!tpu.dma_semaphore, #tpu.memory_space<semaphore_mem>>)
    %add3A_40 = arith.constant 128 : i32
    %add3A_41 = arith.addi %mul3A_12, %add3A_40 : i32
    %dma_start3A_42 = arith.constant 1 : i32
    %dma_start3A_43 = arith.constant 1 : i32
    %dma_start3A_44 = arith.constant 0 : i32
    %dma_start3A_45 = tpu.memref_slice %arg7[%dma_start3A_42, %dma_start3A_44] : memref<3x128xi32, #tpu.memory_space<vmem>> -> memref<1x128xi32, #tpu.memory_space<vmem>>
    %dma_start3A_46 = tpu.memref_squeeze %dma_start3A_45 : memref<1x128xi32, #tpu.memory_space<vmem>> -> memref<128xi32, #tpu.memory_space<vmem>>
    %dma_start3A_47 = tpu.memref_slice %arg3[%add3A_41] : memref<640000xi32, #tpu.memory_space<hbm>> -> memref<128xi32, #tpu.memory_space<hbm>>
    %dma_start3A_48 = tpu.memref_slice %arg11[%dma_start3A_43] : memref<3x!tpu.dma_semaphore, #tpu.memory_space<semaphore_mem>> -> memref<1x!tpu.dma_semaphore, #tpu.memory_space<semaphore_mem>>
    %dma_start3A_49 = tpu.memref_squeeze %dma_start3A_48 : memref<1x!tpu.dma_semaphore, #tpu.memory_space<semaphore_mem>> -> memref<!tpu.dma_semaphore, #tpu.memory_space<semaphore_mem>>
    %dma_start3A_50 = arith.constant 0 : i32
    %dma_start3A_51 = tpu.memref_slice %arg7[%dma_start3A_42, %dma_start3A_50] : memref<3x128xi32, #tpu.memory_space<vmem>> -> memref<1x128xi32, #tpu.memory_space<vmem>>
    %dma_start3A_52 = tpu.memref_squeeze %dma_start3A_51 : memref<1x128xi32, #tpu.memory_space<vmem>> -> memref<128xi32, #tpu.memory_space<vmem>>
    %dma_start3A_53 = tpu.memref_slice %arg3[%add3A_41] : memref<640000xi32, #tpu.memory_space<hbm>> -> memref<128xi32, #tpu.memory_space<hbm>>
    tpu.enqueue_dma source(%dma_start3A_53 : memref<128xi32, #tpu.memory_space<hbm>>) target(%dma_start3A_52 : memref<128xi32, #tpu.memory_space<vmem>>) target_semaphore(%dma_start3A_49 : memref<!tpu.dma_semaphore, #tpu.memory_space<semaphore_mem>>)
    %add3A_54 = arith.constant 320000 : i32
    %add3A_55 = arith.addi %add3A_54, %add3A_41 : i32
    %dma_start3A_56 = arith.constant 1 : i32
    %dma_start3A_57 = arith.constant 1 : i32
    %dma_start3A_58 = arith.constant 0 : i32
    %dma_start3A_59 = tpu.memref_slice %arg8[%dma_start3A_56, %dma_start3A_58] : memref<3x128xi32, #tpu.memory_space<vmem>> -> memref<1x128xi32, #tpu.memory_space<vmem>>
    %dma_start3A_60 = tpu.memref_squeeze %dma_start3A_59 : memref<1x128xi32, #tpu.memory_space<vmem>> -> memref<128xi32, #tpu.memory_space<vmem>>
    %dma_start3A_61 = tpu.memref_slice %arg3[%add3A_55] : memref<640000xi32, #tpu.memory_space<hbm>> -> memref<128xi32, #tpu.memory_space<hbm>>
    %dma_start3A_62 = tpu.memref_slice %arg11[%dma_start3A_57] : memref<3x!tpu.dma_semaphore, #tpu.memory_space<semaphore_mem>> -> memref<1x!tpu.dma_semaphore, #tpu.memory_space<semaphore_mem>>
    %dma_start3A_63 = tpu.memref_squeeze %dma_start3A_62 : memref<1x!tpu.dma_semaphore, #tpu.memory_space<semaphore_mem>> -> memref<!tpu.dma_semaphore, #tpu.memory_space<semaphore_mem>>
    %dma_start3A_64 = arith.constant 0 : i32
    %dma_start3A_65 = tpu.memref_slice %arg8[%dma_start3A_56, %dma_start3A_64] : memref<3x128xi32, #tpu.memory_space<vmem>> -> memref<1x128xi32, #tpu.memory_space<vmem>>
    %dma_start3A_66 = tpu.memref_squeeze %dma_start3A_65 : memref<1x128xi32, #tpu.memory_space<vmem>> -> memref<128xi32, #tpu.memory_space<vmem>>
    %dma_start3A_67 = tpu.memref_slice %arg3[%add3A_55] : memref<640000xi32, #tpu.memory_space<hbm>> -> memref<128xi32, #tpu.memory_space<hbm>>
    tpu.enqueue_dma source(%dma_start3A_67 : memref<128xi32, #tpu.memory_space<hbm>>) target(%dma_start3A_66 : memref<128xi32, #tpu.memory_space<vmem>>) target_semaphore(%dma_start3A_63 : memref<!tpu.dma_semaphore, #tpu.memory_space<semaphore_mem>>)
    %dma_wait3A = arith.constant 0 : i32
    %dma_wait3A_68 = arith.constant 0 : i32
    %dma_wait3A_69 = arith.constant 0 : i32
    %dma_wait3A_70 = tpu.memref_slice %arg7[%dma_wait3A, %dma_wait3A_69] : memref<3x128xi32, #tpu.memory_space<vmem>> -> memref<1x128xi32, #tpu.memory_space<vmem>>
    %dma_wait3A_71 = tpu.memref_squeeze %dma_wait3A_70 : memref<1x128xi32, #tpu.memory_space<vmem>> -> memref<128xi32, #tpu.memory_space<vmem>>
    %dma_wait3A_72 = arith.constant 0 : i32
    %dma_wait3A_73 = tpu.memref_slice %arg3[%dma_wait3A_72] : memref<640000xi32, #tpu.memory_space<hbm>> -> memref<128xi32, #tpu.memory_space<hbm>>
    %dma_wait3A_74 = tpu.memref_slice %arg11[%dma_wait3A_68] : memref<3x!tpu.dma_semaphore, #tpu.memory_space<semaphore_mem>> -> memref<1x!tpu.dma_semaphore, #tpu.memory_space<semaphore_mem>>
    %dma_wait3A_75 = tpu.memref_squeeze %dma_wait3A_74 : memref<1x!tpu.dma_semaphore, #tpu.memory_space<semaphore_mem>> -> memref<!tpu.dma_semaphore, #tpu.memory_space<semaphore_mem>>
    %dma_wait3A_76 = arith.constant 0 : i32
    %dma_wait3A_77 = tpu.memref_slice %arg7[%dma_wait3A, %dma_wait3A_76] : memref<3x128xi32, #tpu.memory_space<vmem>> -> memref<1x128xi32, #tpu.memory_space<vmem>>
    %dma_wait3A_78 = tpu.memref_squeeze %dma_wait3A_77 : memref<1x128xi32, #tpu.memory_space<vmem>> -> memref<128xi32, #tpu.memory_space<vmem>>
    %dma_wait3A_79 = arith.constant 0 : i32
    %dma_wait3A_80 = tpu.memref_slice %arg3[%dma_wait3A_79] : memref<640000xi32, #tpu.memory_space<hbm>> -> memref<128xi32, #tpu.memory_space<hbm>>
    tpu.wait_dma2 semaphore(%dma_wait3A_75 : memref<!tpu.dma_semaphore, #tpu.memory_space<semaphore_mem>>) src(%dma_wait3A_80 : memref<128xi32, #tpu.memory_space<hbm>>) dst(%dma_wait3A_78 : memref<128xi32, #tpu.memory_space<vmem>>)
    %dma_wait3A_81 = arith.constant 0 : i32
    %dma_wait3A_82 = arith.constant 0 : i32
    %dma_wait3A_83 = arith.constant 0 : i32
    %dma_wait3A_84 = tpu.memref_slice %arg8[%dma_wait3A_81, %dma_wait3A_83] : memref<3x128xi32, #tpu.memory_space<vmem>> -> memref<1x128xi32, #tpu.memory_space<vmem>>
    %dma_wait3A_85 = tpu.memref_squeeze %dma_wait3A_84 : memref<1x128xi32, #tpu.memory_space<vmem>> -> memref<128xi32, #tpu.memory_space<vmem>>
    %dma_wait3A_86 = arith.constant 0 : i32
    %dma_wait3A_87 = tpu.memref_slice %arg3[%dma_wait3A_86] : memref<640000xi32, #tpu.memory_space<hbm>> -> memref<128xi32, #tpu.memory_space<hbm>>
    %dma_wait3A_88 = tpu.memref_slice %arg11[%dma_wait3A_82] : memref<3x!tpu.dma_semaphore, #tpu.memory_space<semaphore_mem>> -> memref<1x!tpu.dma_semaphore, #tpu.memory_space<semaphore_mem>>
    %dma_wait3A_89 = tpu.memref_squeeze %dma_wait3A_88 : memref<1x!tpu.dma_semaphore, #tpu.memory_space<semaphore_mem>> -> memref<!tpu.dma_semaphore, #tpu.memory_space<semaphore_mem>>
    %dma_wait3A_90 = arith.constant 0 : i32
    %dma_wait3A_91 = tpu.memref_slice %arg8[%dma_wait3A_81, %dma_wait3A_90] : memref<3x128xi32, #tpu.memory_space<vmem>> -> memref<1x128xi32, #tpu.memory_space<vmem>>
    %dma_wait3A_92 = tpu.memref_squeeze %dma_wait3A_91 : memref<1x128xi32, #tpu.memory_space<vmem>> -> memref<128xi32, #tpu.memory_space<vmem>>
    %dma_wait3A_93 = arith.constant 0 : i32
    %dma_wait3A_94 = tpu.memref_slice %arg3[%dma_wait3A_93] : memref<640000xi32, #tpu.memory_space<hbm>> -> memref<128xi32, #tpu.memory_space<hbm>>
    tpu.wait_dma2 semaphore(%dma_wait3A_89 : memref<!tpu.dma_semaphore, #tpu.memory_space<semaphore_mem>>) src(%dma_wait3A_94 : memref<128xi32, #tpu.memory_space<hbm>>) dst(%dma_wait3A_92 : memref<128xi32, #tpu.memory_space<vmem>>)
    %dma_start3A_95 = arith.constant 0 : i32
    %dma_start3A_96 = arith.constant 0 : i32
    %dma_start3A_97 = arith.constant 0 : i32
    %dma_start3A_98 = tpu.memref_slice %arg9[%dma_start3A_96, %dma_start3A_97] : memref<256x128xf32, #tpu.memory_space<vmem>> -> memref<128x128xf32, #tpu.memory_space<vmem>>
    %dma_start3A_99 = arith.constant 0 : i32
    %dma_start3A_100 = tpu.memref_slice %arg7[%dma_start3A_95, %dma_start3A_99] : memref<3x128xi32, #tpu.memory_space<vmem>> -> memref<1x128xi32, #tpu.memory_space<vmem>>
    %dma_start3A_101 = tpu.memref_squeeze %dma_start3A_100 : memref<1x128xi32, #tpu.memory_space<vmem>> -> memref<128xi32, #tpu.memory_space<vmem>>
    %dma_start3A_102 = arith.constant 0 : i32
    %dma_start3A_103 = arith.constant 0 : i32
    %dma_start3A_104 = tpu.memref_slice %arg2[%dma_start3A_102, %dma_start3A_103] : memref<10000x128xf32, #tpu.memory_space<hbm>> -> memref<10000x128xf32, #tpu.memory_space<hbm>>
    tpu.enqueue_indirect_dma source(%dma_start3A_104 : memref<10000x128xf32, #tpu.memory_space<hbm>>) target(%dma_start3A_98 : memref<128x128xf32, #tpu.memory_space<vmem>>) offsets(%dma_start3A_101 : memref<128xi32, #tpu.memory_space<vmem>>) semaphore(%arg10 : memref<!tpu.dma_semaphore, #tpu.memory_space<semaphore_mem>>)
    %while3A = arith.constant 0 : i32
    %while3A_105 = arith.constant 0 : i32
    %while3A_106 = arith.subi %add3A_6, %while3A_105 : i32
    %while3A_107 = arith.addi %while3A_105, %while3A_106 : i32
    %while3A_108 = arith.constant 1 : i32
    %while3A_109 = arith.divsi %while3A_106, %while3A_108 : i32
    %while3A_110 = arith.muli %while3A_109, %while3A_108 : i32
    %while3A_111 = arith.addi %while3A_105, %while3A_110 : i32
    %while3A_112 = arith.constant 1 : i32
    scf.for %while3A_119 = %while3A_105 to %while3A_111 step %while3A_112  : i32 {
      %rem3A = arith.constant 2 : i32
      %rem3A_120 = arith.remsi %while3A_119, %rem3A : i32
      %rem3A_121 = arith.constant 3 : i32
      %rem3A_122 = arith.remsi %while3A_119, %rem3A_121 : i32
      %dma_wait3A_123 = arith.constant 0 : i32
      %dma_wait3A_124 = arith.constant 0 : i32
      %dma_wait3A_125 = arith.constant 0 : i32
      %dma_wait3A_126 = tpu.memref_slice %arg9[%dma_wait3A_124, %dma_wait3A_125] : memref<256x128xf32, #tpu.memory_space<vmem>> -> memref<128x128xf32, #tpu.memory_space<vmem>>
      %dma_wait3A_127 = arith.constant 0 : i32
      %dma_wait3A_128 = tpu.memref_slice %arg7[%dma_wait3A_123, %dma_wait3A_127] : memref<3x128xi32, #tpu.memory_space<vmem>> -> memref<1x128xi32, #tpu.memory_space<vmem>>
      %dma_wait3A_129 = tpu.memref_squeeze %dma_wait3A_128 : memref<1x128xi32, #tpu.memory_space<vmem>> -> memref<128xi32, #tpu.memory_space<vmem>>
      %dma_wait3A_130 = arith.constant 0 : i32
      %dma_wait3A_131 = arith.constant 0 : i32
      %dma_wait3A_132 = tpu.memref_slice %arg2[%dma_wait3A_130, %dma_wait3A_131] : memref<10000x128xf32, #tpu.memory_space<hbm>> -> memref<10000x128xf32, #tpu.memory_space<hbm>>
      tpu.wait_indirect_dma semaphore(%arg10 : memref<!tpu.dma_semaphore, #tpu.memory_space<semaphore_mem>>) src(%dma_wait3A_132 : memref<10000x128xf32, #tpu.memory_space<hbm>>) dst(%dma_wait3A_126 : memref<128x128xf32, #tpu.memory_space<vmem>>)
      %add3A_133 = arith.constant 2 : i32
      %add3A_134 = arith.addi %while3A_119, %add3A_133 : i32
      %sub3A = arith.constant 1 : i32
      %sub3A_135 = arith.subi %add3A_6, %sub3A : i32
      %le3A = arith.cmpi sle, %add3A_134, %sub3A_135 : i32
      %convert_element_type3A = arith.extui %le3A : i1 to i32
      %cond3A = arith.constant 0 : i32
      %cond3A_136 = arith.cmpi ne, %convert_element_type3A, %cond3A : i32
      scf.if %cond3A_136 {
        %add3A_147 = arith.constant 2 : i32
        %add3A_148 = arith.addi %while3A_119, %add3A_147 : i32
        %add3A_149 = arith.constant 2 : i32
        %add3A_150 = arith.addi %while3A_119, %add3A_149 : i32
        %rem3A_151 = arith.constant 3 : i32
        %rem3A_152 = arith.remsi %add3A_150, %rem3A_151 : i32
        %mul3A_153 = arith.constant 128 : i32
        %mul3A_154 = arith.muli %add3A_148, %mul3A_153 : i32
        %add3A_155 = arith.addi %mul3A_12, %mul3A_154 : i32
        %dma_start3A_156 = arith.constant 0 : i32
        %dma_start3A_157 = tpu.memref_slice %arg7[%rem3A_152, %dma_start3A_156] : memref<3x128xi32, #tpu.memory_space<vmem>> -> memref<1x128xi32, #tpu.memory_space<vmem>>
        %dma_start3A_158 = tpu.memref_squeeze %dma_start3A_157 : memref<1x128xi32, #tpu.memory_space<vmem>> -> memref<128xi32, #tpu.memory_space<vmem>>
        %dma_start3A_159 = tpu.memref_slice %arg3[%add3A_155] : memref<640000xi32, #tpu.memory_space<hbm>> -> memref<128xi32, #tpu.memory_space<hbm>>
        %dma_start3A_160 = tpu.memref_slice %arg11[%rem3A_152] : memref<3x!tpu.dma_semaphore, #tpu.memory_space<semaphore_mem>> -> memref<1x!tpu.dma_semaphore, #tpu.memory_space<semaphore_mem>>
        %dma_start3A_161 = tpu.memref_squeeze %dma_start3A_160 : memref<1x!tpu.dma_semaphore, #tpu.memory_space<semaphore_mem>> -> memref<!tpu.dma_semaphore, #tpu.memory_space<semaphore_mem>>
        %dma_start3A_162 = arith.constant 0 : i32
        %dma_start3A_163 = tpu.memref_slice %arg7[%rem3A_152, %dma_start3A_162] : memref<3x128xi32, #tpu.memory_space<vmem>> -> memref<1x128xi32, #tpu.memory_space<vmem>>
        %dma_start3A_164 = tpu.memref_squeeze %dma_start3A_163 : memref<1x128xi32, #tpu.memory_space<vmem>> -> memref<128xi32, #tpu.memory_space<vmem>>
        %dma_start3A_165 = tpu.memref_slice %arg3[%add3A_155] : memref<640000xi32, #tpu.memory_space<hbm>> -> memref<128xi32, #tpu.memory_space<hbm>>
        tpu.enqueue_dma source(%dma_start3A_165 : memref<128xi32, #tpu.memory_space<hbm>>) target(%dma_start3A_164 : memref<128xi32, #tpu.memory_space<vmem>>) target_semaphore(%dma_start3A_161 : memref<!tpu.dma_semaphore, #tpu.memory_space<semaphore_mem>>)
        %add3A_166 = arith.constant 320000 : i32
        %add3A_167 = arith.addi %add3A_166, %add3A_155 : i32
        %dma_start3A_168 = arith.constant 0 : i32
        %dma_start3A_169 = tpu.memref_slice %arg8[%rem3A_152, %dma_start3A_168] : memref<3x128xi32, #tpu.memory_space<vmem>> -> memref<1x128xi32, #tpu.memory_space<vmem>>
        %dma_start3A_170 = tpu.memref_squeeze %dma_start3A_169 : memref<1x128xi32, #tpu.memory_space<vmem>> -> memref<128xi32, #tpu.memory_space<vmem>>
        %dma_start3A_171 = tpu.memref_slice %arg3[%add3A_167] : memref<640000xi32, #tpu.memory_space<hbm>> -> memref<128xi32, #tpu.memory_space<hbm>>
        %dma_start3A_172 = tpu.memref_slice %arg11[%rem3A_152] : memref<3x!tpu.dma_semaphore, #tpu.memory_space<semaphore_mem>> -> memref<1x!tpu.dma_semaphore, #tpu.memory_space<semaphore_mem>>
        %dma_start3A_173 = tpu.memref_squeeze %dma_start3A_172 : memref<1x!tpu.dma_semaphore, #tpu.memory_space<semaphore_mem>> -> memref<!tpu.dma_semaphore, #tpu.memory_space<semaphore_mem>>
        %dma_start3A_174 = arith.constant 0 : i32
        %dma_start3A_175 = tpu.memref_slice %arg8[%rem3A_152, %dma_start3A_174] : memref<3x128xi32, #tpu.memory_space<vmem>> -> memref<1x128xi32, #tpu.memory_space<vmem>>
        %dma_start3A_176 = tpu.memref_squeeze %dma_start3A_175 : memref<1x128xi32, #tpu.memory_space<vmem>> -> memref<128xi32, #tpu.memory_space<vmem>>
        %dma_start3A_177 = tpu.memref_slice %arg3[%add3A_167] : memref<640000xi32, #tpu.memory_space<hbm>> -> memref<128xi32, #tpu.memory_space<hbm>>
        tpu.enqueue_dma source(%dma_start3A_177 : memref<128xi32, #tpu.memory_space<hbm>>) target(%dma_start3A_176 : memref<128xi32, #tpu.memory_space<vmem>>) target_semaphore(%dma_start3A_173 : memref<!tpu.dma_semaphore, #tpu.memory_space<semaphore_mem>>)
      } else {
      }
      %add3A_137 = arith.constant 1 : i32
      %add3A_138 = arith.addi %while3A_119, %add3A_137 : i32
      %sub3A_139 = arith.constant 1 : i32
      %sub3A_140 = arith.subi %add3A_6, %sub3A_139 : i32
      %le3A_141 = arith.cmpi sle, %add3A_138, %sub3A_140 : i32
      %convert_element_type3A_142 = arith.extui %le3A_141 : i1 to i32
      %cond3A_143 = arith.constant 0 : i32
      %cond3A_144 = arith.cmpi ne, %convert_element_type3A_142, %cond3A_143 : i32
      scf.if %cond3A_144 {
        %add3A_147 = arith.constant 1 : i32
        %add3A_148 = arith.addi %while3A_119, %add3A_147 : i32
        %rem3A_149 = arith.constant 3 : i32
        %rem3A_150 = arith.remsi %add3A_148, %rem3A_149 : i32
        %dma_wait3A_151 = arith.constant 0 : i32
        %dma_wait3A_152 = arith.constant 0 : i32
        %dma_wait3A_153 = tpu.memref_slice %arg7[%dma_wait3A_151, %dma_wait3A_152] : memref<3x128xi32, #tpu.memory_space<vmem>> -> memref<1x128xi32, #tpu.memory_space<vmem>>
        %dma_wait3A_154 = tpu.memref_squeeze %dma_wait3A_153 : memref<1x128xi32, #tpu.memory_space<vmem>> -> memref<128xi32, #tpu.memory_space<vmem>>
        %dma_wait3A_155 = arith.constant 0 : i32
        %dma_wait3A_156 = tpu.memref_slice %arg3[%dma_wait3A_155] : memref<640000xi32, #tpu.memory_space<hbm>> -> memref<128xi32, #tpu.memory_space<hbm>>
        %dma_wait3A_157 = tpu.memref_slice %arg11[%rem3A_150] : memref<3x!tpu.dma_semaphore, #tpu.memory_space<semaphore_mem>> -> memref<1x!tpu.dma_semaphore, #tpu.memory_space<semaphore_mem>>
        %dma_wait3A_158 = tpu.memref_squeeze %dma_wait3A_157 : memref<1x!tpu.dma_semaphore, #tpu.memory_space<semaphore_mem>> -> memref<!tpu.dma_semaphore, #tpu.memory_space<semaphore_mem>>
        %dma_wait3A_159 = arith.constant 0 : i32
        %dma_wait3A_160 = tpu.memref_slice %arg7[%dma_wait3A_151, %dma_wait3A_159] : memref<3x128xi32, #tpu.memory_space<vmem>> -> memref<1x128xi32, #tpu.memory_space<vmem>>
        %dma_wait3A_161 = tpu.memref_squeeze %dma_wait3A_160 : memref<1x128xi32, #tpu.memory_space<vmem>> -> memref<128xi32, #tpu.memory_space<vmem>>
        %dma_wait3A_162 = arith.constant 0 : i32
        %dma_wait3A_163 = tpu.memref_slice %arg3[%dma_wait3A_162] : memref<640000xi32, #tpu.memory_space<hbm>> -> memref<128xi32, #tpu.memory_space<hbm>>
        tpu.wait_dma2 semaphore(%dma_wait3A_158 : memref<!tpu.dma_semaphore, #tpu.memory_space<semaphore_mem>>) src(%dma_wait3A_163 : memref<128xi32, #tpu.memory_space<hbm>>) dst(%dma_wait3A_161 : memref<128xi32, #tpu.memory_space<vmem>>)
        %dma_wait3A_164 = arith.constant 0 : i32
        %dma_wait3A_165 = arith.constant 0 : i32
        %dma_wait3A_166 = tpu.memref_slice %arg8[%dma_wait3A_164, %dma_wait3A_165] : memref<3x128xi32, #tpu.memory_space<vmem>> -> memref<1x128xi32, #tpu.memory_space<vmem>>
        %dma_wait3A_167 = tpu.memref_squeeze %dma_wait3A_166 : memref<1x128xi32, #tpu.memory_space<vmem>> -> memref<128xi32, #tpu.memory_space<vmem>>
        %dma_wait3A_168 = arith.constant 0 : i32
        %dma_wait3A_169 = tpu.memref_slice %arg3[%dma_wait3A_168] : memref<640000xi32, #tpu.memory_space<hbm>> -> memref<128xi32, #tpu.memory_space<hbm>>
        %dma_wait3A_170 = tpu.memref_slice %arg11[%rem3A_150] : memref<3x!tpu.dma_semaphore, #tpu.memory_space<semaphore_mem>> -> memref<1x!tpu.dma_semaphore, #tpu.memory_space<semaphore_mem>>
        %dma_wait3A_171 = tpu.memref_squeeze %dma_wait3A_170 : memref<1x!tpu.dma_semaphore, #tpu.memory_space<semaphore_mem>> -> memref<!tpu.dma_semaphore, #tpu.memory_space<semaphore_mem>>
        %dma_wait3A_172 = arith.constant 0 : i32
        %dma_wait3A_173 = tpu.memref_slice %arg8[%dma_wait3A_164, %dma_wait3A_172] : memref<3x128xi32, #tpu.memory_space<vmem>> -> memref<1x128xi32, #tpu.memory_space<vmem>>
        %dma_wait3A_174 = tpu.memref_squeeze %dma_wait3A_173 : memref<1x128xi32, #tpu.memory_space<vmem>> -> memref<128xi32, #tpu.memory_space<vmem>>
        %dma_wait3A_175 = arith.constant 0 : i32
        %dma_wait3A_176 = tpu.memref_slice %arg3[%dma_wait3A_175] : memref<640000xi32, #tpu.memory_space<hbm>> -> memref<128xi32, #tpu.memory_space<hbm>>
        tpu.wait_dma2 semaphore(%dma_wait3A_171 : memref<!tpu.dma_semaphore, #tpu.memory_space<semaphore_mem>>) src(%dma_wait3A_176 : memref<128xi32, #tpu.memory_space<hbm>>) dst(%dma_wait3A_174 : memref<128xi32, #tpu.memory_space<vmem>>)
        %add3A_177 = arith.constant 1 : i32
        %add3A_178 = arith.addi %while3A_119, %add3A_177 : i32
        %sub3A_179 = arith.constant 1 : i32
        %sub3A_180 = arith.subi %sub3A_179, %rem3A_120 : i32
        %mul3A_181 = arith.constant 128 : i32
        %mul3A_182 = arith.muli %sub3A_180, %mul3A_181 : i32
        %dma_start3A_183 = arith.constant 0 : i32
        %dma_start3A_184 = tpu.memref_slice %arg9[%mul3A_182, %dma_start3A_183] : memref<256x128xf32, #tpu.memory_space<vmem>> -> memref<128x128xf32, #tpu.memory_space<vmem>>
        %dma_start3A_185 = arith.constant 0 : i32
        %dma_start3A_186 = tpu.memref_slice %arg7[%rem3A_150, %dma_start3A_185] : memref<3x128xi32, #tpu.memory_space<vmem>> -> memref<1x128xi32, #tpu.memory_space<vmem>>
        %dma_start3A_187 = tpu.memref_squeeze %dma_start3A_186 : memref<1x128xi32, #tpu.memory_space<vmem>> -> memref<128xi32, #tpu.memory_space<vmem>>
        %dma_start3A_188 = arith.constant 0 : i32
        %dma_start3A_189 = arith.constant 0 : i32
        %dma_start3A_190 = tpu.memref_slice %arg2[%dma_start3A_188, %dma_start3A_189] : memref<10000x128xf32, #tpu.memory_space<hbm>> -> memref<10000x128xf32, #tpu.memory_space<hbm>>
        tpu.enqueue_indirect_dma source(%dma_start3A_190 : memref<10000x128xf32, #tpu.memory_space<hbm>>) target(%dma_start3A_184 : memref<128x128xf32, #tpu.memory_space<vmem>>) offsets(%dma_start3A_187 : memref<128xi32, #tpu.memory_space<vmem>>) semaphore(%arg10 : memref<!tpu.dma_semaphore, #tpu.memory_space<semaphore_mem>>)
      } else {
      }
      %mul3A_145 = arith.constant 128 : i32
      %mul3A_146 = arith.muli %rem3A_120, %mul3A_145 : i32
      "tpu.region"() ({
        %run_scoped3A = tpu.sem_alloc : memref<!tpu.dma_semaphore, #tpu.memory_space<semaphore_mem>>
        %dma_start3A_147 = arith.constant 0 : i32
        %dma_start3A_148 = tpu.memref_slice %arg9[%mul3A_146, %dma_start3A_147] : memref<256x128xf32, #tpu.memory_space<vmem>> -> memref<128x128xf32, #tpu.memory_space<vmem>>
        %dma_start3A_149 = arith.constant 0 : i32
        %dma_start3A_150 = tpu.memref_slice %arg8[%rem3A_122, %dma_start3A_149] : memref<3x128xi32, #tpu.memory_space<vmem>> -> memref<1x128xi32, #tpu.memory_space<vmem>>
        %dma_start3A_151 = tpu.memref_squeeze %dma_start3A_150 : memref<1x128xi32, #tpu.memory_space<vmem>> -> memref<128xi32, #tpu.memory_space<vmem>>
        %dma_start3A_152 = arith.constant 0 : i32
        %dma_start3A_153 = arith.constant 0 : i32
        %dma_start3A_154 = tpu.memref_slice %arg6[%dma_start3A_152, %dma_start3A_153] : memref<10240x128xf32, #tpu.memory_space<vmem_shared>> -> memref<10240x128xf32, #tpu.memory_space<vmem_shared>>
        tpu.enqueue_indirect_dma source(%dma_start3A_148 : memref<128x128xf32, #tpu.memory_space<vmem>>) target(%dma_start3A_154 : memref<10240x128xf32, #tpu.memory_space<vmem_shared>>) offsets(%dma_start3A_151 : memref<128xi32, #tpu.memory_space<vmem>>) semaphore(%run_scoped3A : memref<!tpu.dma_semaphore, #tpu.memory_space<semaphore_mem>>) {add = true}
        %dma_wait3A_155 = arith.constant 0 : i32
        %dma_wait3A_156 = tpu.memref_slice %arg9[%mul3A_146, %dma_wait3A_155] : memref<256x128xf32, #tpu.memory_space<vmem>> -> memref<128x128xf32, #tpu.memory_space<vmem>>
        %dma_wait3A_157 = arith.constant 0 : i32
        %dma_wait3A_158 = tpu.memref_slice %arg8[%rem3A_122, %dma_wait3A_157] : memref<3x128xi32, #tpu.memory_space<vmem>> -> memref<1x128xi32, #tpu.memory_space<vmem>>
        %dma_wait3A_159 = tpu.memref_squeeze %dma_wait3A_158 : memref<1x128xi32, #tpu.memory_space<vmem>> -> memref<128xi32, #tpu.memory_space<vmem>>
        %dma_wait3A_160 = arith.constant 0 : i32
        %dma_wait3A_161 = arith.constant 0 : i32
        %dma_wait3A_162 = tpu.memref_slice %arg6[%dma_wait3A_160, %dma_wait3A_161] : memref<10240x128xf32, #tpu.memory_space<vmem_shared>> -> memref<10240x128xf32, #tpu.memory_space<vmem_shared>>
        tpu.wait_indirect_dma semaphore(%run_scoped3A : memref<!tpu.dma_semaphore, #tpu.memory_space<semaphore_mem>>) src(%dma_wait3A_156 : memref<128x128xf32, #tpu.memory_space<vmem>>) dst(%dma_wait3A_162 : memref<10240x128xf32, #tpu.memory_space<vmem_shared>>)
        tpu.yield
      }) : () -> ()
    }
    %while3A_113 = arith.constant 1 : i32
    scf.for %while3A_119 = %while3A_111 to %while3A_107 step %while3A_113  : i32 {
      %rem3A = arith.constant 2 : i32
      %rem3A_120 = arith.remsi %while3A_119, %rem3A : i32
      %rem3A_121 = arith.constant 3 : i32
      %rem3A_122 = arith.remsi %while3A_119, %rem3A_121 : i32
      %dma_wait3A_123 = arith.constant 0 : i32
      %dma_wait3A_124 = arith.constant 0 : i32
      %dma_wait3A_125 = arith.constant 0 : i32
      %dma_wait3A_126 = tpu.memref_slice %arg9[%dma_wait3A_124, %dma_wait3A_125] : memref<256x128xf32, #tpu.memory_space<vmem>> -> memref<128x128xf32, #tpu.memory_space<vmem>>
      %dma_wait3A_127 = arith.constant 0 : i32
      %dma_wait3A_128 = tpu.memref_slice %arg7[%dma_wait3A_123, %dma_wait3A_127] : memref<3x128xi32, #tpu.memory_space<vmem>> -> memref<1x128xi32, #tpu.memory_space<vmem>>
      %dma_wait3A_129 = tpu.memref_squeeze %dma_wait3A_128 : memref<1x128xi32, #tpu.memory_space<vmem>> -> memref<128xi32, #tpu.memory_space<vmem>>
      %dma_wait3A_130 = arith.constant 0 : i32
      %dma_wait3A_131 = arith.constant 0 : i32
      %dma_wait3A_132 = tpu.memref_slice %arg2[%dma_wait3A_130, %dma_wait3A_131] : memref<10000x128xf32, #tpu.memory_space<hbm>> -> memref<10000x128xf32, #tpu.memory_space<hbm>>
      tpu.wait_indirect_dma semaphore(%arg10 : memref<!tpu.dma_semaphore, #tpu.memory_space<semaphore_mem>>) src(%dma_wait3A_132 : memref<10000x128xf32, #tpu.memory_space<hbm>>) dst(%dma_wait3A_126 : memref<128x128xf32, #tpu.memory_space<vmem>>)
      %add3A_133 = arith.constant 2 : i32
      %add3A_134 = arith.addi %while3A_119, %add3A_133 : i32
      %sub3A = arith.constant 1 : i32
      %sub3A_135 = arith.subi %add3A_6, %sub3A : i32
      %le3A = arith.cmpi sle, %add3A_134, %sub3A_135 : i32
      %convert_element_type3A = arith.extui %le3A : i1 to i32
      %cond3A = arith.constant 0 : i32
      %cond3A_136 = arith.cmpi ne, %convert_element_type3A, %cond3A : i32
      scf.if %cond3A_136 {
        %add3A_147 = arith.constant 2 : i32
        %add3A_148 = arith.addi %while3A_119, %add3A_147 : i32
        %add3A_149 = arith.constant 2 : i32
        %add3A_150 = arith.addi %while3A_119, %add3A_149 : i32
        %rem3A_151 = arith.constant 3 : i32
        %rem3A_152 = arith.remsi %add3A_150, %rem3A_151 : i32
        %mul3A_153 = arith.constant 128 : i32
        %mul3A_154 = arith.muli %add3A_148, %mul3A_153 : i32
        %add3A_155 = arith.addi %mul3A_12, %mul3A_154 : i32
        %dma_start3A_156 = arith.constant 0 : i32
        %dma_start3A_157 = tpu.memref_slice %arg7[%rem3A_152, %dma_start3A_156] : memref<3x128xi32, #tpu.memory_space<vmem>> -> memref<1x128xi32, #tpu.memory_space<vmem>>
        %dma_start3A_158 = tpu.memref_squeeze %dma_start3A_157 : memref<1x128xi32, #tpu.memory_space<vmem>> -> memref<128xi32, #tpu.memory_space<vmem>>
        %dma_start3A_159 = tpu.memref_slice %arg3[%add3A_155] : memref<640000xi32, #tpu.memory_space<hbm>> -> memref<128xi32, #tpu.memory_space<hbm>>
        %dma_start3A_160 = tpu.memref_slice %arg11[%rem3A_152] : memref<3x!tpu.dma_semaphore, #tpu.memory_space<semaphore_mem>> -> memref<1x!tpu.dma_semaphore, #tpu.memory_space<semaphore_mem>>
        %dma_start3A_161 = tpu.memref_squeeze %dma_start3A_160 : memref<1x!tpu.dma_semaphore, #tpu.memory_space<semaphore_mem>> -> memref<!tpu.dma_semaphore, #tpu.memory_space<semaphore_mem>>
        %dma_start3A_162 = arith.constant 0 : i32
        %dma_start3A_163 = tpu.memref_slice %arg7[%rem3A_152, %dma_start3A_162] : memref<3x128xi32, #tpu.memory_space<vmem>> -> memref<1x128xi32, #tpu.memory_space<vmem>>
        %dma_start3A_164 = tpu.memref_squeeze %dma_start3A_163 : memref<1x128xi32, #tpu.memory_space<vmem>> -> memref<128xi32, #tpu.memory_space<vmem>>
        %dma_start3A_165 = tpu.memref_slice %arg3[%add3A_155] : memref<640000xi32, #tpu.memory_space<hbm>> -> memref<128xi32, #tpu.memory_space<hbm>>
        tpu.enqueue_dma source(%dma_start3A_165 : memref<128xi32, #tpu.memory_space<hbm>>) target(%dma_start3A_164 : memref<128xi32, #tpu.memory_space<vmem>>) target_semaphore(%dma_start3A_161 : memref<!tpu.dma_semaphore, #tpu.memory_space<semaphore_mem>>)
        %add3A_166 = arith.constant 320000 : i32
        %add3A_167 = arith.addi %add3A_166, %add3A_155 : i32
        %dma_start3A_168 = arith.constant 0 : i32
        %dma_start3A_169 = tpu.memref_slice %arg8[%rem3A_152, %dma_start3A_168] : memref<3x128xi32, #tpu.memory_space<vmem>> -> memref<1x128xi32, #tpu.memory_space<vmem>>
        %dma_start3A_170 = tpu.memref_squeeze %dma_start3A_169 : memref<1x128xi32, #tpu.memory_space<vmem>> -> memref<128xi32, #tpu.memory_space<vmem>>
        %dma_start3A_171 = tpu.memref_slice %arg3[%add3A_167] : memref<640000xi32, #tpu.memory_space<hbm>> -> memref<128xi32, #tpu.memory_space<hbm>>
        %dma_start3A_172 = tpu.memref_slice %arg11[%rem3A_152] : memref<3x!tpu.dma_semaphore, #tpu.memory_space<semaphore_mem>> -> memref<1x!tpu.dma_semaphore, #tpu.memory_space<semaphore_mem>>
        %dma_start3A_173 = tpu.memref_squeeze %dma_start3A_172 : memref<1x!tpu.dma_semaphore, #tpu.memory_space<semaphore_mem>> -> memref<!tpu.dma_semaphore, #tpu.memory_space<semaphore_mem>>
        %dma_start3A_174 = arith.constant 0 : i32
        %dma_start3A_175 = tpu.memref_slice %arg8[%rem3A_152, %dma_start3A_174] : memref<3x128xi32, #tpu.memory_space<vmem>> -> memref<1x128xi32, #tpu.memory_space<vmem>>
        %dma_start3A_176 = tpu.memref_squeeze %dma_start3A_175 : memref<1x128xi32, #tpu.memory_space<vmem>> -> memref<128xi32, #tpu.memory_space<vmem>>
        %dma_start3A_177 = tpu.memref_slice %arg3[%add3A_167] : memref<640000xi32, #tpu.memory_space<hbm>> -> memref<128xi32, #tpu.memory_space<hbm>>
        tpu.enqueue_dma source(%dma_start3A_177 : memref<128xi32, #tpu.memory_space<hbm>>) target(%dma_start3A_176 : memref<128xi32, #tpu.memory_space<vmem>>) target_semaphore(%dma_start3A_173 : memref<!tpu.dma_semaphore, #tpu.memory_space<semaphore_mem>>)
      } else {
      }
      %add3A_137 = arith.constant 1 : i32
      %add3A_138 = arith.addi %while3A_119, %add3A_137 : i32
      %sub3A_139 = arith.constant 1 : i32
      %sub3A_140 = arith.subi %add3A_6, %sub3A_139 : i32
      %le3A_141 = arith.cmpi sle, %add3A_138, %sub3A_140 : i32
      %convert_element_type3A_142 = arith.extui %le3A_141 : i1 to i32
      %cond3A_143 = arith.constant 0 : i32
      %cond3A_144 = arith.cmpi ne, %convert_element_type3A_142, %cond3A_143 : i32
      scf.if %cond3A_144 {
        %add3A_147 = arith.constant 1 : i32
        %add3A_148 = arith.addi %while3A_119, %add3A_147 : i32
        %rem3A_149 = arith.constant 3 : i32
        %rem3A_150 = arith.remsi %add3A_148, %rem3A_149 : i32
        %dma_wait3A_151 = arith.constant 0 : i32
        %dma_wait3A_152 = arith.constant 0 : i32
        %dma_wait3A_153 = tpu.memref_slice %arg7[%dma_wait3A_151, %dma_wait3A_152] : memref<3x128xi32, #tpu.memory_space<vmem>> -> memref<1x128xi32, #tpu.memory_space<vmem>>
        %dma_wait3A_154 = tpu.memref_squeeze %dma_wait3A_153 : memref<1x128xi32, #tpu.memory_space<vmem>> -> memref<128xi32, #tpu.memory_space<vmem>>
        %dma_wait3A_155 = arith.constant 0 : i32
        %dma_wait3A_156 = tpu.memref_slice %arg3[%dma_wait3A_155] : memref<640000xi32, #tpu.memory_space<hbm>> -> memref<128xi32, #tpu.memory_space<hbm>>
        %dma_wait3A_157 = tpu.memref_slice %arg11[%rem3A_150] : memref<3x!tpu.dma_semaphore, #tpu.memory_space<semaphore_mem>> -> memref<1x!tpu.dma_semaphore, #tpu.memory_space<semaphore_mem>>
        %dma_wait3A_158 = tpu.memref_squeeze %dma_wait3A_157 : memref<1x!tpu.dma_semaphore, #tpu.memory_space<semaphore_mem>> -> memref<!tpu.dma_semaphore, #tpu.memory_space<semaphore_mem>>
        %dma_wait3A_159 = arith.constant 0 : i32
        %dma_wait3A_160 = tpu.memref_slice %arg7[%dma_wait3A_151, %dma_wait3A_159] : memref<3x128xi32, #tpu.memory_space<vmem>> -> memref<1x128xi32, #tpu.memory_space<vmem>>
        %dma_wait3A_161 = tpu.memref_squeeze %dma_wait3A_160 : memref<1x128xi32, #tpu.memory_space<vmem>> -> memref<128xi32, #tpu.memory_space<vmem>>
        %dma_wait3A_162 = arith.constant 0 : i32
        %dma_wait3A_163 = tpu.memref_slice %arg3[%dma_wait3A_162] : memref<640000xi32, #tpu.memory_space<hbm>> -> memref<128xi32, #tpu.memory_space<hbm>>
        tpu.wait_dma2 semaphore(%dma_wait3A_158 : memref<!tpu.dma_semaphore, #tpu.memory_space<semaphore_mem>>) src(%dma_wait3A_163 : memref<128xi32, #tpu.memory_space<hbm>>) dst(%dma_wait3A_161 : memref<128xi32, #tpu.memory_space<vmem>>)
        %dma_wait3A_164 = arith.constant 0 : i32
        %dma_wait3A_165 = arith.constant 0 : i32
        %dma_wait3A_166 = tpu.memref_slice %arg8[%dma_wait3A_164, %dma_wait3A_165] : memref<3x128xi32, #tpu.memory_space<vmem>> -> memref<1x128xi32, #tpu.memory_space<vmem>>
        %dma_wait3A_167 = tpu.memref_squeeze %dma_wait3A_166 : memref<1x128xi32, #tpu.memory_space<vmem>> -> memref<128xi32, #tpu.memory_space<vmem>>
        %dma_wait3A_168 = arith.constant 0 : i32
        %dma_wait3A_169 = tpu.memref_slice %arg3[%dma_wait3A_168] : memref<640000xi32, #tpu.memory_space<hbm>> -> memref<128xi32, #tpu.memory_space<hbm>>
        %dma_wait3A_170 = tpu.memref_slice %arg11[%rem3A_150] : memref<3x!tpu.dma_semaphore, #tpu.memory_space<semaphore_mem>> -> memref<1x!tpu.dma_semaphore, #tpu.memory_space<semaphore_mem>>
        %dma_wait3A_171 = tpu.memref_squeeze %dma_wait3A_170 : memref<1x!tpu.dma_semaphore, #tpu.memory_space<semaphore_mem>> -> memref<!tpu.dma_semaphore, #tpu.memory_space<semaphore_mem>>
        %dma_wait3A_172 = arith.constant 0 : i32
        %dma_wait3A_173 = tpu.memref_slice %arg8[%dma_wait3A_164, %dma_wait3A_172] : memref<3x128xi32, #tpu.memory_space<vmem>> -> memref<1x128xi32, #tpu.memory_space<vmem>>
        %dma_wait3A_174 = tpu.memref_squeeze %dma_wait3A_173 : memref<1x128xi32, #tpu.memory_space<vmem>> -> memref<128xi32, #tpu.memory_space<vmem>>
        %dma_wait3A_175 = arith.constant 0 : i32
        %dma_wait3A_176 = tpu.memref_slice %arg3[%dma_wait3A_175] : memref<640000xi32, #tpu.memory_space<hbm>> -> memref<128xi32, #tpu.memory_space<hbm>>
        tpu.wait_dma2 semaphore(%dma_wait3A_171 : memref<!tpu.dma_semaphore, #tpu.memory_space<semaphore_mem>>) src(%dma_wait3A_176 : memref<128xi32, #tpu.memory_space<hbm>>) dst(%dma_wait3A_174 : memref<128xi32, #tpu.memory_space<vmem>>)
        %add3A_177 = arith.constant 1 : i32
        %add3A_178 = arith.addi %while3A_119, %add3A_177 : i32
        %sub3A_179 = arith.constant 1 : i32
        %sub3A_180 = arith.subi %sub3A_179, %rem3A_120 : i32
        %mul3A_181 = arith.constant 128 : i32
        %mul3A_182 = arith.muli %sub3A_180, %mul3A_181 : i32
        %dma_start3A_183 = arith.constant 0 : i32
        %dma_start3A_184 = tpu.memref_slice %arg9[%mul3A_182, %dma_start3A_183] : memref<256x128xf32, #tpu.memory_space<vmem>> -> memref<128x128xf32, #tpu.memory_space<vmem>>
        %dma_start3A_185 = arith.constant 0 : i32
        %dma_start3A_186 = tpu.memref_slice %arg7[%rem3A_150, %dma_start3A_185] : memref<3x128xi32, #tpu.memory_space<vmem>> -> memref<1x128xi32, #tpu.memory_space<vmem>>
        %dma_start3A_187 = tpu.memref_squeeze %dma_start3A_186 : memref<1x128xi32, #tpu.memory_space<vmem>> -> memref<128xi32, #tpu.memory_space<vmem>>
        %dma_start3A_188 = arith.constant 0 : i32
        %dma_start3A_189 = arith.constant 0 : i32
        %dma_start3A_190 = tpu.memref_slice %arg2[%dma_start3A_188, %dma_start3A_189] : memref<10000x128xf32, #tpu.memory_space<hbm>> -> memref<10000x128xf32, #tpu.memory_space<hbm>>
        tpu.enqueue_indirect_dma source(%dma_start3A_190 : memref<10000x128xf32, #tpu.memory_space<hbm>>) target(%dma_start3A_184 : memref<128x128xf32, #tpu.memory_space<vmem>>) offsets(%dma_start3A_187 : memref<128xi32, #tpu.memory_space<vmem>>) semaphore(%arg10 : memref<!tpu.dma_semaphore, #tpu.memory_space<semaphore_mem>>)
      } else {
      }
      %mul3A_145 = arith.constant 128 : i32
      %mul3A_146 = arith.muli %rem3A_120, %mul3A_145 : i32
      "tpu.region"() ({
        %run_scoped3A = tpu.sem_alloc : memref<!tpu.dma_semaphore, #tpu.memory_space<semaphore_mem>>
        %dma_start3A_147 = arith.constant 0 : i32
        %dma_start3A_148 = tpu.memref_slice %arg9[%mul3A_146, %dma_start3A_147] : memref<256x128xf32, #tpu.memory_space<vmem>> -> memref<128x128xf32, #tpu.memory_space<vmem>>
        %dma_start3A_149 = arith.constant 0 : i32
        %dma_start3A_150 = tpu.memref_slice %arg8[%rem3A_122, %dma_start3A_149] : memref<3x128xi32, #tpu.memory_space<vmem>> -> memref<1x128xi32, #tpu.memory_space<vmem>>
        %dma_start3A_151 = tpu.memref_squeeze %dma_start3A_150 : memref<1x128xi32, #tpu.memory_space<vmem>> -> memref<128xi32, #tpu.memory_space<vmem>>
        %dma_start3A_152 = arith.constant 0 : i32
        %dma_start3A_153 = arith.constant 0 : i32
        %dma_start3A_154 = tpu.memref_slice %arg6[%dma_start3A_152, %dma_start3A_153] : memref<10240x128xf32, #tpu.memory_space<vmem_shared>> -> memref<10240x128xf32, #tpu.memory_space<vmem_shared>>
        tpu.enqueue_indirect_dma source(%dma_start3A_148 : memref<128x128xf32, #tpu.memory_space<vmem>>) target(%dma_start3A_154 : memref<10240x128xf32, #tpu.memory_space<vmem_shared>>) offsets(%dma_start3A_151 : memref<128xi32, #tpu.memory_space<vmem>>) semaphore(%run_scoped3A : memref<!tpu.dma_semaphore, #tpu.memory_space<semaphore_mem>>) {add = true}
        %dma_wait3A_155 = arith.constant 0 : i32
        %dma_wait3A_156 = tpu.memref_slice %arg9[%mul3A_146, %dma_wait3A_155] : memref<256x128xf32, #tpu.memory_space<vmem>> -> memref<128x128xf32, #tpu.memory_space<vmem>>
        %dma_wait3A_157 = arith.constant 0 : i32
        %dma_wait3A_158 = tpu.memref_slice %arg8[%rem3A_122, %dma_wait3A_157] : memref<3x128xi32, #tpu.memory_space<vmem>> -> memref<1x128xi32, #tpu.memory_space<vmem>>
        %dma_wait3A_159 = tpu.memref_squeeze %dma_wait3A_158 : memref<1x128xi32, #tpu.memory_space<vmem>> -> memref<128xi32, #tpu.memory_space<vmem>>
        %dma_wait3A_160 = arith.constant 0 : i32
        %dma_wait3A_161 = arith.constant 0 : i32
        %dma_wait3A_162 = tpu.memref_slice %arg6[%dma_wait3A_160, %dma_wait3A_161] : memref<10240x128xf32, #tpu.memory_space<vmem_shared>> -> memref<10240x128xf32, #tpu.memory_space<vmem_shared>>
        tpu.wait_indirect_dma semaphore(%run_scoped3A : memref<!tpu.dma_semaphore, #tpu.memory_space<semaphore_mem>>) src(%dma_wait3A_156 : memref<128x128xf32, #tpu.memory_space<vmem>>) dst(%dma_wait3A_162 : memref<10240x128xf32, #tpu.memory_space<vmem_shared>>)
        tpu.yield
      }) : () -> ()
    }
    %barrier3A_114 = arith.constant 0 : index
    tpu.barrier barrier_id(%barrier3A_114)
    %mul3A_115 = arith.constant 640 : i32
    %mul3A_116 = arith.muli %arg1, %mul3A_115 : i32
    %mul3A_117 = arith.constant 640 : i32
    %mul3A_118 = arith.muli %arg1, %mul3A_117 : i32
    "tpu.region"() ({
      %run_scoped3A = tpu.sem_alloc : memref<!tpu.dma_semaphore, #tpu.memory_space<semaphore_mem>>
      %dma_start3A_119 = arith.constant 0 : i32
      %dma_start3A_120 = tpu.memref_slice %arg5[%arg0, %mul3A_118, %dma_start3A_119] : memref<2x10240x128xf32, #tpu.memory_space<hbm>> -> memref<1x640x128xf32, #tpu.memory_space<hbm>>
      %dma_start3A_121 = tpu.memref_squeeze %dma_start3A_120 : memref<1x640x128xf32, #tpu.memory_space<hbm>> -> memref<640x128xf32, #tpu.memory_space<hbm>>
      %dma_start3A_122 = arith.constant 0 : i32
      %dma_start3A_123 = tpu.memref_slice %arg6[%mul3A_116, %dma_start3A_122] : memref<10240x128xf32, #tpu.memory_space<vmem_shared>> -> memref<640x128xf32, #tpu.memory_space<vmem_shared>>
      tpu.enqueue_dma source(%dma_start3A_123 : memref<640x128xf32, #tpu.memory_space<vmem_shared>>) target(%dma_start3A_121 : memref<640x128xf32, #tpu.memory_space<hbm>>) target_semaphore(%run_scoped3A : memref<!tpu.dma_semaphore, #tpu.memory_space<semaphore_mem>>)
      %dma_wait3A_124 = arith.constant 0 : i32
      %dma_wait3A_125 = tpu.memref_slice %arg5[%arg0, %mul3A_118, %dma_wait3A_124] : memref<2x10240x128xf32, #tpu.memory_space<hbm>> -> memref<1x640x128xf32, #tpu.memory_space<hbm>>
      %dma_wait3A_126 = tpu.memref_squeeze %dma_wait3A_125 : memref<1x640x128xf32, #tpu.memory_space<hbm>> -> memref<640x128xf32, #tpu.memory_space<hbm>>
      %dma_wait3A_127 = arith.constant 0 : i32
      %dma_wait3A_128 = tpu.memref_slice %arg6[%mul3A_116, %dma_wait3A_127] : memref<10240x128xf32, #tpu.memory_space<vmem_shared>> -> memref<640x128xf32, #tpu.memory_space<vmem_shared>>
      tpu.wait_dma2 semaphore(%run_scoped3A : memref<!tpu.dma_semaphore, #tpu.memory_space<semaphore_mem>>) src(%dma_wait3A_128 : memref<640x128xf32, #tpu.memory_space<vmem_shared>>) dst(%dma_wait3A_126 : memref<640x128xf32, #tpu.memory_space<hbm>>)
      tpu.yield
    }) : () -> ()
    return
  }
}

#map = affine_map<(d0, d1) -> (0, 0)>
#map1 = affine_map<(d0, d1) -> (0)>
#map2 = affine_map<(d0, d1) -> (0, 0, 0)>
module attributes {stable_mosaic.version = 14 : i64} {
  func.func @agg(%arg0: i32, %arg1: i32, %arg2: memref<10000x128xf32, #tpu.memory_space<hbm>>, %arg3: memref<640000xi32, #tpu.memory_space<hbm>>, %arg4: memref<640x128xf32, #tpu.memory_space<hbm>>, %arg5: memref<2x10240x128xf32, #tpu.memory_space<hbm>>, %arg6: memref<2x10240xf32, #tpu.memory_space<hbm>>, %arg7: memref<10240x128xf32, #tpu.memory_space<vmem_shared>>, %arg8: memref<3x128xi32, #tpu.memory_space<vmem>>, %arg9: memref<3x128xi32, #tpu.memory_space<vmem>>, %arg10: memref<256x128xf32, #tpu.memory_space<vmem>>, %arg11: memref<!tpu.dma_semaphore, #tpu.memory_space<semaphore_mem>>, %arg12: memref<3x!tpu.dma_semaphore, #tpu.memory_space<semaphore_mem>>, %arg13: memref<10240xf32, #tpu.memory_space<vmem>>, %arg14: memref<2x10240xf32, #tpu.memory_space<vmem_shared>>, %arg15: memref<2x640xf32, #tpu.memory_space<vmem>>, %arg16: memref<640xf32, #tpu.memory_space<vmem>>) attributes {dimension_semantics = [#tpu.dimension_semantics<core_parallel>, #tpu.dimension_semantics<subcore_parallel>], iteration_bounds = array<i64: 2, 16>, scalar_prefetch = 0 : i64, scratch_operands = 10 : i64, tpu.core_type = #tpu.core_type<sc_vector_subcore>, window_params = [{transform_indices = #map}, {transform_indices = #map1}, {transform_indices = #map}, {transform_indices = #map2}, {transform_indices = #map}]} {
    %mul3A = arith.constant 640 : i32
    %mul3A_0 = arith.muli %arg1, %mul3A : i32
    "tpu.region"() ({
      %run_scoped3A = tpu.sem_alloc : memref<!tpu.dma_semaphore, #tpu.memory_space<semaphore_mem>>
      %dma_start3A_258 = arith.constant 0 : i32
      %dma_start3A_259 = tpu.memref_slice %arg7[%mul3A_0, %dma_start3A_258] : memref<10240x128xf32, #tpu.memory_space<vmem_shared>> -> memref<640x128xf32, #tpu.memory_space<vmem_shared>>
      tpu.enqueue_dma source(%arg4 : memref<640x128xf32, #tpu.memory_space<hbm>>) target(%dma_start3A_259 : memref<640x128xf32, #tpu.memory_space<vmem_shared>>) target_semaphore(%run_scoped3A : memref<!tpu.dma_semaphore, #tpu.memory_space<semaphore_mem>>)
      %dma_wait3A_260 = arith.constant 0 : i32
      %dma_wait3A_261 = tpu.memref_slice %arg7[%mul3A_0, %dma_wait3A_260] : memref<10240x128xf32, #tpu.memory_space<vmem_shared>> -> memref<640x128xf32, #tpu.memory_space<vmem_shared>>
      tpu.wait_dma2 semaphore(%run_scoped3A : memref<!tpu.dma_semaphore, #tpu.memory_space<semaphore_mem>>) src(%arg4 : memref<640x128xf32, #tpu.memory_space<hbm>>) dst(%dma_wait3A_261 : memref<640x128xf32, #tpu.memory_space<vmem_shared>>)
      tpu.yield
    }) : () -> ()
    %mul3A_1 = arith.constant 16 : i32
    %mul3A_2 = arith.muli %arg0, %mul3A_1 : i32
    %add3A = arith.addi %mul3A_2, %arg1 : i32
    %lt3A = arith.constant 4 : i32
    %lt3A_3 = arith.cmpi slt, %add3A, %lt3A : i32
    %jit3A = arith.constant 1 : i32
    %jit3A_4 = arith.constant 0 : i32
    %select_n3A = arith.select %lt3A_3, %jit3A, %jit3A_4 : i32
    %add3A_5 = arith.constant 78 : i32
    %add3A_6 = arith.addi %add3A_5, %select_n3A : i32
    %mul3A_7 = arith.constant 78 : i32
    %mul3A_8 = arith.muli %add3A, %mul3A_7 : i32
    %min3A = arith.constant 4 : i32
    %min3A_9 = arith.minsi %add3A, %min3A : i32
    %add3A_10 = arith.addi %mul3A_8, %min3A_9 : i32
    %mul3A_11 = arith.constant 128 : i32
    %mul3A_12 = arith.muli %add3A_10, %mul3A_11 : i32
    %scan3A = arith.constant 0 : i32
    %scan3A_13 = arith.constant 0 : i32
    %scan3A_14 = arith.constant 640 : i32
    %scan3A_15 = arith.addi %scan3A_13, %scan3A_14 : i32
    %scan3A_16 = arith.constant 1 : i32
    scf.for %scan3A_258 = %scan3A_13 to %scan3A_15 step %scan3A_16  : i32 {
      %broadcast_in_dim3A = arith.constant 0.000000e+00 : f32
      %broadcast_in_dim3A_259 = vector.broadcast %broadcast_in_dim3A : f32 to vector<16xf32>
      %mul3A_260 = arith.constant 16 : i32
      %mul3A_261 = arith.muli %scan3A_258, %mul3A_260 : i32
      %swap3A = arith.index_cast %mul3A_261 : i32 to index
      %swap3A_262 = tpu.vector_load %arg13[%swap3A] {strides = array<i32>} : memref<10240xf32, #tpu.memory_space<vmem>>, vector<16xf32>,
      tpu.vector_store %arg13[%swap3A], %broadcast_in_dim3A_259 {strides = array<i32>} : memref<10240xf32, #tpu.memory_space<vmem>>, vector<16xf32>,
    }
    %scan3A_17 = arith.constant 640 : i32
    %barrier3A = arith.constant 0 : index
    tpu.barrier barrier_id(%barrier3A)
    %add3A_18 = arith.constant 0 : i32
    %add3A_19 = arith.addi %mul3A_12, %add3A_18 : i32
    %dma_start3A = arith.constant 0 : i32
    %dma_start3A_20 = arith.constant 0 : i32
    %dma_start3A_21 = arith.constant 0 : i32
    %dma_start3A_22 = tpu.memref_slice %arg8[%dma_start3A, %dma_start3A_21] : memref<3x128xi32, #tpu.memory_space<vmem>> -> memref<1x128xi32, #tpu.memory_space<vmem>>
    %dma_start3A_23 = tpu.memref_squeeze %dma_start3A_22 : memref<1x128xi32, #tpu.memory_space<vmem>> -> memref<128xi32, #tpu.memory_space<vmem>>
    %dma_start3A_24 = tpu.memref_slice %arg3[%add3A_19] : memref<640000xi32, #tpu.memory_space<hbm>> -> memref<128xi32, #tpu.memory_space<hbm>>
    %dma_start3A_25 = tpu.memref_slice %arg12[%dma_start3A_20] : memref<3x!tpu.dma_semaphore, #tpu.memory_space<semaphore_mem>> -> memref<1x!tpu.dma_semaphore, #tpu.memory_space<semaphore_mem>>
    %dma_start3A_26 = tpu.memref_squeeze %dma_start3A_25 : memref<1x!tpu.dma_semaphore, #tpu.memory_space<semaphore_mem>> -> memref<!tpu.dma_semaphore, #tpu.memory_space<semaphore_mem>>
    %dma_start3A_27 = arith.constant 0 : i32
    %dma_start3A_28 = tpu.memref_slice %arg8[%dma_start3A, %dma_start3A_27] : memref<3x128xi32, #tpu.memory_space<vmem>> -> memref<1x128xi32, #tpu.memory_space<vmem>>
    %dma_start3A_29 = tpu.memref_squeeze %dma_start3A_28 : memref<1x128xi32, #tpu.memory_space<vmem>> -> memref<128xi32, #tpu.memory_space<vmem>>
    %dma_start3A_30 = tpu.memref_slice %arg3[%add3A_19] : memref<640000xi32, #tpu.memory_space<hbm>> -> memref<128xi32, #tpu.memory_space<hbm>>
    tpu.enqueue_dma source(%dma_start3A_30 : memref<128xi32, #tpu.memory_space<hbm>>) target(%dma_start3A_29 : memref<128xi32, #tpu.memory_space<vmem>>) target_semaphore(%dma_start3A_26 : memref<!tpu.dma_semaphore, #tpu.memory_space<semaphore_mem>>)
    %add3A_31 = arith.constant 320000 : i32
    %add3A_32 = arith.addi %add3A_31, %add3A_19 : i32
    %dma_start3A_33 = arith.constant 0 : i32
    %dma_start3A_34 = arith.constant 0 : i32
    %dma_start3A_35 = arith.constant 0 : i32
    %dma_start3A_36 = tpu.memref_slice %arg9[%dma_start3A_33, %dma_start3A_35] : memref<3x128xi32, #tpu.memory_space<vmem>> -> memref<1x128xi32, #tpu.memory_space<vmem>>
    %dma_start3A_37 = tpu.memref_squeeze %dma_start3A_36 : memref<1x128xi32, #tpu.memory_space<vmem>> -> memref<128xi32, #tpu.memory_space<vmem>>
    %dma_start3A_38 = tpu.memref_slice %arg3[%add3A_32] : memref<640000xi32, #tpu.memory_space<hbm>> -> memref<128xi32, #tpu.memory_space<hbm>>
    %dma_start3A_39 = tpu.memref_slice %arg12[%dma_start3A_34] : memref<3x!tpu.dma_semaphore, #tpu.memory_space<semaphore_mem>> -> memref<1x!tpu.dma_semaphore, #tpu.memory_space<semaphore_mem>>
    %dma_start3A_40 = tpu.memref_squeeze %dma_start3A_39 : memref<1x!tpu.dma_semaphore, #tpu.memory_space<semaphore_mem>> -> memref<!tpu.dma_semaphore, #tpu.memory_space<semaphore_mem>>
    %dma_start3A_41 = arith.constant 0 : i32
    %dma_start3A_42 = tpu.memref_slice %arg9[%dma_start3A_33, %dma_start3A_41] : memref<3x128xi32, #tpu.memory_space<vmem>> -> memref<1x128xi32, #tpu.memory_space<vmem>>
    %dma_start3A_43 = tpu.memref_squeeze %dma_start3A_42 : memref<1x128xi32, #tpu.memory_space<vmem>> -> memref<128xi32, #tpu.memory_space<vmem>>
    %dma_start3A_44 = tpu.memref_slice %arg3[%add3A_32] : memref<640000xi32, #tpu.memory_space<hbm>> -> memref<128xi32, #tpu.memory_space<hbm>>
    tpu.enqueue_dma source(%dma_start3A_44 : memref<128xi32, #tpu.memory_space<hbm>>) target(%dma_start3A_43 : memref<128xi32, #tpu.memory_space<vmem>>) target_semaphore(%dma_start3A_40 : memref<!tpu.dma_semaphore, #tpu.memory_space<semaphore_mem>>)
    %add3A_45 = arith.constant 128 : i32
    %add3A_46 = arith.addi %mul3A_12, %add3A_45 : i32
    %dma_start3A_47 = arith.constant 1 : i32
    %dma_start3A_48 = arith.constant 1 : i32
    %dma_start3A_49 = arith.constant 0 : i32
    %dma_start3A_50 = tpu.memref_slice %arg8[%dma_start3A_47, %dma_start3A_49] : memref<3x128xi32, #tpu.memory_space<vmem>> -> memref<1x128xi32, #tpu.memory_space<vmem>>
    %dma_start3A_51 = tpu.memref_squeeze %dma_start3A_50 : memref<1x128xi32, #tpu.memory_space<vmem>> -> memref<128xi32, #tpu.memory_space<vmem>>
    %dma_start3A_52 = tpu.memref_slice %arg3[%add3A_46] : memref<640000xi32, #tpu.memory_space<hbm>> -> memref<128xi32, #tpu.memory_space<hbm>>
    %dma_start3A_53 = tpu.memref_slice %arg12[%dma_start3A_48] : memref<3x!tpu.dma_semaphore, #tpu.memory_space<semaphore_mem>> -> memref<1x!tpu.dma_semaphore, #tpu.memory_space<semaphore_mem>>
    %dma_start3A_54 = tpu.memref_squeeze %dma_start3A_53 : memref<1x!tpu.dma_semaphore, #tpu.memory_space<semaphore_mem>> -> memref<!tpu.dma_semaphore, #tpu.memory_space<semaphore_mem>>
    %dma_start3A_55 = arith.constant 0 : i32
    %dma_start3A_56 = tpu.memref_slice %arg8[%dma_start3A_47, %dma_start3A_55] : memref<3x128xi32, #tpu.memory_space<vmem>> -> memref<1x128xi32, #tpu.memory_space<vmem>>
    %dma_start3A_57 = tpu.memref_squeeze %dma_start3A_56 : memref<1x128xi32, #tpu.memory_space<vmem>> -> memref<128xi32, #tpu.memory_space<vmem>>
    %dma_start3A_58 = tpu.memref_slice %arg3[%add3A_46] : memref<640000xi32, #tpu.memory_space<hbm>> -> memref<128xi32, #tpu.memory_space<hbm>>
    tpu.enqueue_dma source(%dma_start3A_58 : memref<128xi32, #tpu.memory_space<hbm>>) target(%dma_start3A_57 : memref<128xi32, #tpu.memory_space<vmem>>) target_semaphore(%dma_start3A_54 : memref<!tpu.dma_semaphore, #tpu.memory_space<semaphore_mem>>)
    %add3A_59 = arith.constant 320000 : i32
    %add3A_60 = arith.addi %add3A_59, %add3A_46 : i32
    %dma_start3A_61 = arith.constant 1 : i32
    %dma_start3A_62 = arith.constant 1 : i32
    %dma_start3A_63 = arith.constant 0 : i32
    %dma_start3A_64 = tpu.memref_slice %arg9[%dma_start3A_61, %dma_start3A_63] : memref<3x128xi32, #tpu.memory_space<vmem>> -> memref<1x128xi32, #tpu.memory_space<vmem>>
    %dma_start3A_65 = tpu.memref_squeeze %dma_start3A_64 : memref<1x128xi32, #tpu.memory_space<vmem>> -> memref<128xi32, #tpu.memory_space<vmem>>
    %dma_start3A_66 = tpu.memref_slice %arg3[%add3A_60] : memref<640000xi32, #tpu.memory_space<hbm>> -> memref<128xi32, #tpu.memory_space<hbm>>
    %dma_start3A_67 = tpu.memref_slice %arg12[%dma_start3A_62] : memref<3x!tpu.dma_semaphore, #tpu.memory_space<semaphore_mem>> -> memref<1x!tpu.dma_semaphore, #tpu.memory_space<semaphore_mem>>
    %dma_start3A_68 = tpu.memref_squeeze %dma_start3A_67 : memref<1x!tpu.dma_semaphore, #tpu.memory_space<semaphore_mem>> -> memref<!tpu.dma_semaphore, #tpu.memory_space<semaphore_mem>>
    %dma_start3A_69 = arith.constant 0 : i32
    %dma_start3A_70 = tpu.memref_slice %arg9[%dma_start3A_61, %dma_start3A_69] : memref<3x128xi32, #tpu.memory_space<vmem>> -> memref<1x128xi32, #tpu.memory_space<vmem>>
    %dma_start3A_71 = tpu.memref_squeeze %dma_start3A_70 : memref<1x128xi32, #tpu.memory_space<vmem>> -> memref<128xi32, #tpu.memory_space<vmem>>
    %dma_start3A_72 = tpu.memref_slice %arg3[%add3A_60] : memref<640000xi32, #tpu.memory_space<hbm>> -> memref<128xi32, #tpu.memory_space<hbm>>
    tpu.enqueue_dma source(%dma_start3A_72 : memref<128xi32, #tpu.memory_space<hbm>>) target(%dma_start3A_71 : memref<128xi32, #tpu.memory_space<vmem>>) target_semaphore(%dma_start3A_68 : memref<!tpu.dma_semaphore, #tpu.memory_space<semaphore_mem>>)
    %dma_wait3A = arith.constant 0 : i32
    %dma_wait3A_73 = arith.constant 0 : i32
    %dma_wait3A_74 = arith.constant 0 : i32
    %dma_wait3A_75 = tpu.memref_slice %arg8[%dma_wait3A, %dma_wait3A_74] : memref<3x128xi32, #tpu.memory_space<vmem>> -> memref<1x128xi32, #tpu.memory_space<vmem>>
    %dma_wait3A_76 = tpu.memref_squeeze %dma_wait3A_75 : memref<1x128xi32, #tpu.memory_space<vmem>> -> memref<128xi32, #tpu.memory_space<vmem>>
    %dma_wait3A_77 = arith.constant 0 : i32
    %dma_wait3A_78 = tpu.memref_slice %arg3[%dma_wait3A_77] : memref<640000xi32, #tpu.memory_space<hbm>> -> memref<128xi32, #tpu.memory_space<hbm>>
    %dma_wait3A_79 = tpu.memref_slice %arg12[%dma_wait3A_73] : memref<3x!tpu.dma_semaphore, #tpu.memory_space<semaphore_mem>> -> memref<1x!tpu.dma_semaphore, #tpu.memory_space<semaphore_mem>>
    %dma_wait3A_80 = tpu.memref_squeeze %dma_wait3A_79 : memref<1x!tpu.dma_semaphore, #tpu.memory_space<semaphore_mem>> -> memref<!tpu.dma_semaphore, #tpu.memory_space<semaphore_mem>>
    %dma_wait3A_81 = arith.constant 0 : i32
    %dma_wait3A_82 = tpu.memref_slice %arg8[%dma_wait3A, %dma_wait3A_81] : memref<3x128xi32, #tpu.memory_space<vmem>> -> memref<1x128xi32, #tpu.memory_space<vmem>>
    %dma_wait3A_83 = tpu.memref_squeeze %dma_wait3A_82 : memref<1x128xi32, #tpu.memory_space<vmem>> -> memref<128xi32, #tpu.memory_space<vmem>>
    %dma_wait3A_84 = arith.constant 0 : i32
    %dma_wait3A_85 = tpu.memref_slice %arg3[%dma_wait3A_84] : memref<640000xi32, #tpu.memory_space<hbm>> -> memref<128xi32, #tpu.memory_space<hbm>>
    tpu.wait_dma2 semaphore(%dma_wait3A_80 : memref<!tpu.dma_semaphore, #tpu.memory_space<semaphore_mem>>) src(%dma_wait3A_85 : memref<128xi32, #tpu.memory_space<hbm>>) dst(%dma_wait3A_83 : memref<128xi32, #tpu.memory_space<vmem>>)
    %dma_wait3A_86 = arith.constant 0 : i32
    %dma_wait3A_87 = arith.constant 0 : i32
    %dma_wait3A_88 = arith.constant 0 : i32
    %dma_wait3A_89 = tpu.memref_slice %arg9[%dma_wait3A_86, %dma_wait3A_88] : memref<3x128xi32, #tpu.memory_space<vmem>> -> memref<1x128xi32, #tpu.memory_space<vmem>>
    %dma_wait3A_90 = tpu.memref_squeeze %dma_wait3A_89 : memref<1x128xi32, #tpu.memory_space<vmem>> -> memref<128xi32, #tpu.memory_space<vmem>>
    %dma_wait3A_91 = arith.constant 0 : i32
    %dma_wait3A_92 = tpu.memref_slice %arg3[%dma_wait3A_91] : memref<640000xi32, #tpu.memory_space<hbm>> -> memref<128xi32, #tpu.memory_space<hbm>>
    %dma_wait3A_93 = tpu.memref_slice %arg12[%dma_wait3A_87] : memref<3x!tpu.dma_semaphore, #tpu.memory_space<semaphore_mem>> -> memref<1x!tpu.dma_semaphore, #tpu.memory_space<semaphore_mem>>
    %dma_wait3A_94 = tpu.memref_squeeze %dma_wait3A_93 : memref<1x!tpu.dma_semaphore, #tpu.memory_space<semaphore_mem>> -> memref<!tpu.dma_semaphore, #tpu.memory_space<semaphore_mem>>
    %dma_wait3A_95 = arith.constant 0 : i32
    %dma_wait3A_96 = tpu.memref_slice %arg9[%dma_wait3A_86, %dma_wait3A_95] : memref<3x128xi32, #tpu.memory_space<vmem>> -> memref<1x128xi32, #tpu.memory_space<vmem>>
    %dma_wait3A_97 = tpu.memref_squeeze %dma_wait3A_96 : memref<1x128xi32, #tpu.memory_space<vmem>> -> memref<128xi32, #tpu.memory_space<vmem>>
    %dma_wait3A_98 = arith.constant 0 : i32
    %dma_wait3A_99 = tpu.memref_slice %arg3[%dma_wait3A_98] : memref<640000xi32, #tpu.memory_space<hbm>> -> memref<128xi32, #tpu.memory_space<hbm>>
    tpu.wait_dma2 semaphore(%dma_wait3A_94 : memref<!tpu.dma_semaphore, #tpu.memory_space<semaphore_mem>>) src(%dma_wait3A_99 : memref<128xi32, #tpu.memory_space<hbm>>) dst(%dma_wait3A_97 : memref<128xi32, #tpu.memory_space<vmem>>)
    %dma_start3A_100 = arith.constant 0 : i32
    %dma_start3A_101 = arith.constant 0 : i32
    %dma_start3A_102 = arith.constant 0 : i32
    %dma_start3A_103 = tpu.memref_slice %arg10[%dma_start3A_101, %dma_start3A_102] : memref<256x128xf32, #tpu.memory_space<vmem>> -> memref<128x128xf32, #tpu.memory_space<vmem>>
    %dma_start3A_104 = arith.constant 0 : i32
    %dma_start3A_105 = tpu.memref_slice %arg8[%dma_start3A_100, %dma_start3A_104] : memref<3x128xi32, #tpu.memory_space<vmem>> -> memref<1x128xi32, #tpu.memory_space<vmem>>
    %dma_start3A_106 = tpu.memref_squeeze %dma_start3A_105 : memref<1x128xi32, #tpu.memory_space<vmem>> -> memref<128xi32, #tpu.memory_space<vmem>>
    %dma_start3A_107 = arith.constant 0 : i32
    %dma_start3A_108 = arith.constant 0 : i32
    %dma_start3A_109 = tpu.memref_slice %arg2[%dma_start3A_107, %dma_start3A_108] : memref<10000x128xf32, #tpu.memory_space<hbm>> -> memref<10000x128xf32, #tpu.memory_space<hbm>>
    tpu.enqueue_indirect_dma source(%dma_start3A_109 : memref<10000x128xf32, #tpu.memory_space<hbm>>) target(%dma_start3A_103 : memref<128x128xf32, #tpu.memory_space<vmem>>) offsets(%dma_start3A_106 : memref<128xi32, #tpu.memory_space<vmem>>) semaphore(%arg11 : memref<!tpu.dma_semaphore, #tpu.memory_space<semaphore_mem>>)
    %while3A = arith.constant 0 : i32
    %while3A_110 = arith.constant 0 : i32
    %while3A_111 = arith.subi %add3A_6, %while3A_110 : i32
    %while3A_112 = arith.addi %while3A_110, %while3A_111 : i32
    %while3A_113 = arith.constant 1 : i32
    %while3A_114 = arith.divsi %while3A_111, %while3A_113 : i32
    %while3A_115 = arith.muli %while3A_114, %while3A_113 : i32
    %while3A_116 = arith.addi %while3A_110, %while3A_115 : i32
    %while3A_117 = arith.constant 1 : i32
    scf.for %while3A_258 = %while3A_110 to %while3A_116 step %while3A_117  : i32 {
      %rem3A = arith.constant 2 : i32
      %rem3A_259 = arith.remsi %while3A_258, %rem3A : i32
      %rem3A_260 = arith.constant 3 : i32
      %rem3A_261 = arith.remsi %while3A_258, %rem3A_260 : i32
      %dma_wait3A_262 = arith.constant 0 : i32
      %dma_wait3A_263 = arith.constant 0 : i32
      %dma_wait3A_264 = arith.constant 0 : i32
      %dma_wait3A_265 = tpu.memref_slice %arg10[%dma_wait3A_263, %dma_wait3A_264] : memref<256x128xf32, #tpu.memory_space<vmem>> -> memref<128x128xf32, #tpu.memory_space<vmem>>
      %dma_wait3A_266 = arith.constant 0 : i32
      %dma_wait3A_267 = tpu.memref_slice %arg8[%dma_wait3A_262, %dma_wait3A_266] : memref<3x128xi32, #tpu.memory_space<vmem>> -> memref<1x128xi32, #tpu.memory_space<vmem>>
      %dma_wait3A_268 = tpu.memref_squeeze %dma_wait3A_267 : memref<1x128xi32, #tpu.memory_space<vmem>> -> memref<128xi32, #tpu.memory_space<vmem>>
      %dma_wait3A_269 = arith.constant 0 : i32
      %dma_wait3A_270 = arith.constant 0 : i32
      %dma_wait3A_271 = tpu.memref_slice %arg2[%dma_wait3A_269, %dma_wait3A_270] : memref<10000x128xf32, #tpu.memory_space<hbm>> -> memref<10000x128xf32, #tpu.memory_space<hbm>>
      tpu.wait_indirect_dma semaphore(%arg11 : memref<!tpu.dma_semaphore, #tpu.memory_space<semaphore_mem>>) src(%dma_wait3A_271 : memref<10000x128xf32, #tpu.memory_space<hbm>>) dst(%dma_wait3A_265 : memref<128x128xf32, #tpu.memory_space<vmem>>)
      %add3A_272 = arith.constant 2 : i32
      %add3A_273 = arith.addi %while3A_258, %add3A_272 : i32
      %sub3A = arith.constant 1 : i32
      %sub3A_274 = arith.subi %add3A_6, %sub3A : i32
      %le3A = arith.cmpi sle, %add3A_273, %sub3A_274 : i32
      %convert_element_type3A_275 = arith.extui %le3A : i1 to i32
      %cond3A_276 = arith.constant 0 : i32
      %cond3A_277 = arith.cmpi ne, %convert_element_type3A_275, %cond3A_276 : i32
      scf.if %cond3A_277 {
        %add3A_349 = arith.constant 2 : i32
        %add3A_350 = arith.addi %while3A_258, %add3A_349 : i32
        %add3A_351 = arith.constant 2 : i32
        %add3A_352 = arith.addi %while3A_258, %add3A_351 : i32
        %rem3A_353 = arith.constant 3 : i32
        %rem3A_354 = arith.remsi %add3A_352, %rem3A_353 : i32
        %mul3A_355 = arith.constant 128 : i32
        %mul3A_356 = arith.muli %add3A_350, %mul3A_355 : i32
        %add3A_357 = arith.addi %mul3A_12, %mul3A_356 : i32
        %dma_start3A_358 = arith.constant 0 : i32
        %dma_start3A_359 = tpu.memref_slice %arg8[%rem3A_354, %dma_start3A_358] : memref<3x128xi32, #tpu.memory_space<vmem>> -> memref<1x128xi32, #tpu.memory_space<vmem>>
        %dma_start3A_360 = tpu.memref_squeeze %dma_start3A_359 : memref<1x128xi32, #tpu.memory_space<vmem>> -> memref<128xi32, #tpu.memory_space<vmem>>
        %dma_start3A_361 = tpu.memref_slice %arg3[%add3A_357] : memref<640000xi32, #tpu.memory_space<hbm>> -> memref<128xi32, #tpu.memory_space<hbm>>
        %dma_start3A_362 = tpu.memref_slice %arg12[%rem3A_354] : memref<3x!tpu.dma_semaphore, #tpu.memory_space<semaphore_mem>> -> memref<1x!tpu.dma_semaphore, #tpu.memory_space<semaphore_mem>>
        %dma_start3A_363 = tpu.memref_squeeze %dma_start3A_362 : memref<1x!tpu.dma_semaphore, #tpu.memory_space<semaphore_mem>> -> memref<!tpu.dma_semaphore, #tpu.memory_space<semaphore_mem>>
        %dma_start3A_364 = arith.constant 0 : i32
        %dma_start3A_365 = tpu.memref_slice %arg8[%rem3A_354, %dma_start3A_364] : memref<3x128xi32, #tpu.memory_space<vmem>> -> memref<1x128xi32, #tpu.memory_space<vmem>>
        %dma_start3A_366 = tpu.memref_squeeze %dma_start3A_365 : memref<1x128xi32, #tpu.memory_space<vmem>> -> memref<128xi32, #tpu.memory_space<vmem>>
        %dma_start3A_367 = tpu.memref_slice %arg3[%add3A_357] : memref<640000xi32, #tpu.memory_space<hbm>> -> memref<128xi32, #tpu.memory_space<hbm>>
        tpu.enqueue_dma source(%dma_start3A_367 : memref<128xi32, #tpu.memory_space<hbm>>) target(%dma_start3A_366 : memref<128xi32, #tpu.memory_space<vmem>>) target_semaphore(%dma_start3A_363 : memref<!tpu.dma_semaphore, #tpu.memory_space<semaphore_mem>>)
        %add3A_368 = arith.constant 320000 : i32
        %add3A_369 = arith.addi %add3A_368, %add3A_357 : i32
        %dma_start3A_370 = arith.constant 0 : i32
        %dma_start3A_371 = tpu.memref_slice %arg9[%rem3A_354, %dma_start3A_370] : memref<3x128xi32, #tpu.memory_space<vmem>> -> memref<1x128xi32, #tpu.memory_space<vmem>>
        %dma_start3A_372 = tpu.memref_squeeze %dma_start3A_371 : memref<1x128xi32, #tpu.memory_space<vmem>> -> memref<128xi32, #tpu.memory_space<vmem>>
        %dma_start3A_373 = tpu.memref_slice %arg3[%add3A_369] : memref<640000xi32, #tpu.memory_space<hbm>> -> memref<128xi32, #tpu.memory_space<hbm>>
        %dma_start3A_374 = tpu.memref_slice %arg12[%rem3A_354] : memref<3x!tpu.dma_semaphore, #tpu.memory_space<semaphore_mem>> -> memref<1x!tpu.dma_semaphore, #tpu.memory_space<semaphore_mem>>
        %dma_start3A_375 = tpu.memref_squeeze %dma_start3A_374 : memref<1x!tpu.dma_semaphore, #tpu.memory_space<semaphore_mem>> -> memref<!tpu.dma_semaphore, #tpu.memory_space<semaphore_mem>>
        %dma_start3A_376 = arith.constant 0 : i32
        %dma_start3A_377 = tpu.memref_slice %arg9[%rem3A_354, %dma_start3A_376] : memref<3x128xi32, #tpu.memory_space<vmem>> -> memref<1x128xi32, #tpu.memory_space<vmem>>
        %dma_start3A_378 = tpu.memref_squeeze %dma_start3A_377 : memref<1x128xi32, #tpu.memory_space<vmem>> -> memref<128xi32, #tpu.memory_space<vmem>>
        %dma_start3A_379 = tpu.memref_slice %arg3[%add3A_369] : memref<640000xi32, #tpu.memory_space<hbm>> -> memref<128xi32, #tpu.memory_space<hbm>>
        tpu.enqueue_dma source(%dma_start3A_379 : memref<128xi32, #tpu.memory_space<hbm>>) target(%dma_start3A_378 : memref<128xi32, #tpu.memory_space<vmem>>) target_semaphore(%dma_start3A_375 : memref<!tpu.dma_semaphore, #tpu.memory_space<semaphore_mem>>)
      } else {
      }
      %add3A_278 = arith.constant 1 : i32
      %add3A_279 = arith.addi %while3A_258, %add3A_278 : i32
      %sub3A_280 = arith.constant 1 : i32
      %sub3A_281 = arith.subi %add3A_6, %sub3A_280 : i32
      %le3A_282 = arith.cmpi sle, %add3A_279, %sub3A_281 : i32
      %convert_element_type3A_283 = arith.extui %le3A_282 : i1 to i32
      %cond3A_284 = arith.constant 0 : i32
      %cond3A_285 = arith.cmpi ne, %convert_element_type3A_283, %cond3A_284 : i32
      scf.if %cond3A_285 {
        %add3A_349 = arith.constant 1 : i32
        %add3A_350 = arith.addi %while3A_258, %add3A_349 : i32
        %rem3A_351 = arith.constant 3 : i32
        %rem3A_352 = arith.remsi %add3A_350, %rem3A_351 : i32
        %dma_wait3A_353 = arith.constant 0 : i32
        %dma_wait3A_354 = arith.constant 0 : i32
        %dma_wait3A_355 = tpu.memref_slice %arg8[%dma_wait3A_353, %dma_wait3A_354] : memref<3x128xi32, #tpu.memory_space<vmem>> -> memref<1x128xi32, #tpu.memory_space<vmem>>
        %dma_wait3A_356 = tpu.memref_squeeze %dma_wait3A_355 : memref<1x128xi32, #tpu.memory_space<vmem>> -> memref<128xi32, #tpu.memory_space<vmem>>
        %dma_wait3A_357 = arith.constant 0 : i32
        %dma_wait3A_358 = tpu.memref_slice %arg3[%dma_wait3A_357] : memref<640000xi32, #tpu.memory_space<hbm>> -> memref<128xi32, #tpu.memory_space<hbm>>
        %dma_wait3A_359 = tpu.memref_slice %arg12[%rem3A_352] : memref<3x!tpu.dma_semaphore, #tpu.memory_space<semaphore_mem>> -> memref<1x!tpu.dma_semaphore, #tpu.memory_space<semaphore_mem>>
        %dma_wait3A_360 = tpu.memref_squeeze %dma_wait3A_359 : memref<1x!tpu.dma_semaphore, #tpu.memory_space<semaphore_mem>> -> memref<!tpu.dma_semaphore, #tpu.memory_space<semaphore_mem>>
        %dma_wait3A_361 = arith.constant 0 : i32
        %dma_wait3A_362 = tpu.memref_slice %arg8[%dma_wait3A_353, %dma_wait3A_361] : memref<3x128xi32, #tpu.memory_space<vmem>> -> memref<1x128xi32, #tpu.memory_space<vmem>>
        %dma_wait3A_363 = tpu.memref_squeeze %dma_wait3A_362 : memref<1x128xi32, #tpu.memory_space<vmem>> -> memref<128xi32, #tpu.memory_space<vmem>>
        %dma_wait3A_364 = arith.constant 0 : i32
        %dma_wait3A_365 = tpu.memref_slice %arg3[%dma_wait3A_364] : memref<640000xi32, #tpu.memory_space<hbm>> -> memref<128xi32, #tpu.memory_space<hbm>>
        tpu.wait_dma2 semaphore(%dma_wait3A_360 : memref<!tpu.dma_semaphore, #tpu.memory_space<semaphore_mem>>) src(%dma_wait3A_365 : memref<128xi32, #tpu.memory_space<hbm>>) dst(%dma_wait3A_363 : memref<128xi32, #tpu.memory_space<vmem>>)
        %dma_wait3A_366 = arith.constant 0 : i32
        %dma_wait3A_367 = arith.constant 0 : i32
        %dma_wait3A_368 = tpu.memref_slice %arg9[%dma_wait3A_366, %dma_wait3A_367] : memref<3x128xi32, #tpu.memory_space<vmem>> -> memref<1x128xi32, #tpu.memory_space<vmem>>
        %dma_wait3A_369 = tpu.memref_squeeze %dma_wait3A_368 : memref<1x128xi32, #tpu.memory_space<vmem>> -> memref<128xi32, #tpu.memory_space<vmem>>
        %dma_wait3A_370 = arith.constant 0 : i32
        %dma_wait3A_371 = tpu.memref_slice %arg3[%dma_wait3A_370] : memref<640000xi32, #tpu.memory_space<hbm>> -> memref<128xi32, #tpu.memory_space<hbm>>
        %dma_wait3A_372 = tpu.memref_slice %arg12[%rem3A_352] : memref<3x!tpu.dma_semaphore, #tpu.memory_space<semaphore_mem>> -> memref<1x!tpu.dma_semaphore, #tpu.memory_space<semaphore_mem>>
        %dma_wait3A_373 = tpu.memref_squeeze %dma_wait3A_372 : memref<1x!tpu.dma_semaphore, #tpu.memory_space<semaphore_mem>> -> memref<!tpu.dma_semaphore, #tpu.memory_space<semaphore_mem>>
        %dma_wait3A_374 = arith.constant 0 : i32
        %dma_wait3A_375 = tpu.memref_slice %arg9[%dma_wait3A_366, %dma_wait3A_374] : memref<3x128xi32, #tpu.memory_space<vmem>> -> memref<1x128xi32, #tpu.memory_space<vmem>>
        %dma_wait3A_376 = tpu.memref_squeeze %dma_wait3A_375 : memref<1x128xi32, #tpu.memory_space<vmem>> -> memref<128xi32, #tpu.memory_space<vmem>>
        %dma_wait3A_377 = arith.constant 0 : i32
        %dma_wait3A_378 = tpu.memref_slice %arg3[%dma_wait3A_377] : memref<640000xi32, #tpu.memory_space<hbm>> -> memref<128xi32, #tpu.memory_space<hbm>>
        tpu.wait_dma2 semaphore(%dma_wait3A_373 : memref<!tpu.dma_semaphore, #tpu.memory_space<semaphore_mem>>) src(%dma_wait3A_378 : memref<128xi32, #tpu.memory_space<hbm>>) dst(%dma_wait3A_376 : memref<128xi32, #tpu.memory_space<vmem>>)
        %add3A_379 = arith.constant 1 : i32
        %add3A_380 = arith.addi %while3A_258, %add3A_379 : i32
        %sub3A_381 = arith.constant 1 : i32
        %sub3A_382 = arith.subi %sub3A_381, %rem3A_259 : i32
        %mul3A_383 = arith.constant 128 : i32
        %mul3A_384 = arith.muli %sub3A_382, %mul3A_383 : i32
        %dma_start3A_385 = arith.constant 0 : i32
        %dma_start3A_386 = tpu.memref_slice %arg10[%mul3A_384, %dma_start3A_385] : memref<256x128xf32, #tpu.memory_space<vmem>> -> memref<128x128xf32, #tpu.memory_space<vmem>>
        %dma_start3A_387 = arith.constant 0 : i32
        %dma_start3A_388 = tpu.memref_slice %arg8[%rem3A_352, %dma_start3A_387] : memref<3x128xi32, #tpu.memory_space<vmem>> -> memref<1x128xi32, #tpu.memory_space<vmem>>
        %dma_start3A_389 = tpu.memref_squeeze %dma_start3A_388 : memref<1x128xi32, #tpu.memory_space<vmem>> -> memref<128xi32, #tpu.memory_space<vmem>>
        %dma_start3A_390 = arith.constant 0 : i32
        %dma_start3A_391 = arith.constant 0 : i32
        %dma_start3A_392 = tpu.memref_slice %arg2[%dma_start3A_390, %dma_start3A_391] : memref<10000x128xf32, #tpu.memory_space<hbm>> -> memref<10000x128xf32, #tpu.memory_space<hbm>>
        tpu.enqueue_indirect_dma source(%dma_start3A_392 : memref<10000x128xf32, #tpu.memory_space<hbm>>) target(%dma_start3A_386 : memref<128x128xf32, #tpu.memory_space<vmem>>) offsets(%dma_start3A_389 : memref<128xi32, #tpu.memory_space<vmem>>) semaphore(%arg11 : memref<!tpu.dma_semaphore, #tpu.memory_space<semaphore_mem>>)
      } else {
      }
      %mul3A_286 = arith.constant 128 : i32
      %mul3A_287 = arith.muli %rem3A_259, %mul3A_286 : i32
      "tpu.region"() ({
        %run_scoped3A = tpu.sem_alloc : memref<!tpu.dma_semaphore, #tpu.memory_space<semaphore_mem>>
        %dma_start3A_349 = arith.constant 0 : i32
        %dma_start3A_350 = tpu.memref_slice %arg10[%mul3A_287, %dma_start3A_349] : memref<256x128xf32, #tpu.memory_space<vmem>> -> memref<128x128xf32, #tpu.memory_space<vmem>>
        %dma_start3A_351 = arith.constant 0 : i32
        %dma_start3A_352 = tpu.memref_slice %arg9[%rem3A_261, %dma_start3A_351] : memref<3x128xi32, #tpu.memory_space<vmem>> -> memref<1x128xi32, #tpu.memory_space<vmem>>
        %dma_start3A_353 = tpu.memref_squeeze %dma_start3A_352 : memref<1x128xi32, #tpu.memory_space<vmem>> -> memref<128xi32, #tpu.memory_space<vmem>>
        %dma_start3A_354 = arith.constant 0 : i32
        %dma_start3A_355 = arith.constant 0 : i32
        %dma_start3A_356 = tpu.memref_slice %arg7[%dma_start3A_354, %dma_start3A_355] : memref<10240x128xf32, #tpu.memory_space<vmem_shared>> -> memref<10240x128xf32, #tpu.memory_space<vmem_shared>>
        tpu.enqueue_indirect_dma source(%dma_start3A_350 : memref<128x128xf32, #tpu.memory_space<vmem>>) target(%dma_start3A_356 : memref<10240x128xf32, #tpu.memory_space<vmem_shared>>) offsets(%dma_start3A_353 : memref<128xi32, #tpu.memory_space<vmem>>) semaphore(%run_scoped3A : memref<!tpu.dma_semaphore, #tpu.memory_space<semaphore_mem>>) {add = true}
        %dma_wait3A_357 = arith.constant 0 : i32
        %dma_wait3A_358 = tpu.memref_slice %arg10[%mul3A_287, %dma_wait3A_357] : memref<256x128xf32, #tpu.memory_space<vmem>> -> memref<128x128xf32, #tpu.memory_space<vmem>>
        %dma_wait3A_359 = arith.constant 0 : i32
        %dma_wait3A_360 = tpu.memref_slice %arg9[%rem3A_261, %dma_wait3A_359] : memref<3x128xi32, #tpu.memory_space<vmem>> -> memref<1x128xi32, #tpu.memory_space<vmem>>
        %dma_wait3A_361 = tpu.memref_squeeze %dma_wait3A_360 : memref<1x128xi32, #tpu.memory_space<vmem>> -> memref<128xi32, #tpu.memory_space<vmem>>
        %dma_wait3A_362 = arith.constant 0 : i32
        %dma_wait3A_363 = arith.constant 0 : i32
        %dma_wait3A_364 = tpu.memref_slice %arg7[%dma_wait3A_362, %dma_wait3A_363] : memref<10240x128xf32, #tpu.memory_space<vmem_shared>> -> memref<10240x128xf32, #tpu.memory_space<vmem_shared>>
        tpu.wait_indirect_dma semaphore(%run_scoped3A : memref<!tpu.dma_semaphore, #tpu.memory_space<semaphore_mem>>) src(%dma_wait3A_358 : memref<128x128xf32, #tpu.memory_space<vmem>>) dst(%dma_wait3A_364 : memref<10240x128xf32, #tpu.memory_space<vmem_shared>>)
        tpu.yield
      }) : () -> ()
      %get3A = arith.index_cast %rem3A_261 : i32 to index
      %get3A_288 = arith.constant 0 : index
      %get3A_289 = tpu.vector_load %arg9[%get3A, %get3A_288] {strides = array<i32>} : memref<3x128xi32, #tpu.memory_space<vmem>>, vector<16xi32>,
      %broadcast_in_dim3A = arith.constant true
      %broadcast_in_dim3A_290 = vector.broadcast %broadcast_in_dim3A : i1 to vector<16xi1>
      %unique3A, %unique3A_291 = tpu.scan_count mask(%broadcast_in_dim3A_290 : vector<16xi1>) value(%get3A_289 : vector<16xi32>) : vector<16xi1>, vector<16xi32>
      %convert_element_type3A_292 = arith.sitofp %unique3A_291 : vector<16xi32> to vector<16xf32>
      tpu.vector_store_idx %arg13[%get3A_289], %convert_element_type3A_292 masked %unique3A {add = true} : memref<10240xf32, #tpu.memory_space<vmem>>[vector<16xi32>], vector<16xf32>, vector<16xi1>
      %get3A_293 = arith.index_cast %rem3A_261 : i32 to index
      %get3A_294 = arith.constant 16 : index
      %get3A_295 = tpu.vector_load %arg9[%get3A_293, %get3A_294] {strides = array<i32>} : memref<3x128xi32, #tpu.memory_space<vmem>>, vector<16xi32>,
      %broadcast_in_dim3A_296 = arith.constant true
      %broadcast_in_dim3A_297 = vector.broadcast %broadcast_in_dim3A_296 : i1 to vector<16xi1>
      %unique3A_298, %unique3A_299 = tpu.scan_count mask(%broadcast_in_dim3A_297 : vector<16xi1>) value(%get3A_295 : vector<16xi32>) : vector<16xi1>, vector<16xi32>
      %convert_element_type3A_300 = arith.sitofp %unique3A_299 : vector<16xi32> to vector<16xf32>
      tpu.vector_store_idx %arg13[%get3A_295], %convert_element_type3A_300 masked %unique3A_298 {add = true} : memref<10240xf32, #tpu.memory_space<vmem>>[vector<16xi32>], vector<16xf32>, vector<16xi1>
      %get3A_301 = arith.index_cast %rem3A_261 : i32 to index
      %get3A_302 = arith.constant 32 : index
      %get3A_303 = tpu.vector_load %arg9[%get3A_301, %get3A_302] {strides = array<i32>} : memref<3x128xi32, #tpu.memory_space<vmem>>, vector<16xi32>,
      %broadcast_in_dim3A_304 = arith.constant true
      %broadcast_in_dim3A_305 = vector.broadcast %broadcast_in_dim3A_304 : i1 to vector<16xi1>
      %unique3A_306, %unique3A_307 = tpu.scan_count mask(%broadcast_in_dim3A_305 : vector<16xi1>) value(%get3A_303 : vector<16xi32>) : vector<16xi1>, vector<16xi32>
      %convert_element_type3A_308 = arith.sitofp %unique3A_307 : vector<16xi32> to vector<16xf32>
      tpu.vector_store_idx %arg13[%get3A_303], %convert_element_type3A_308 masked %unique3A_306 {add = true} : memref<10240xf32, #tpu.memory_space<vmem>>[vector<16xi32>], vector<16xf32>, vector<16xi1>
      %get3A_309 = arith.index_cast %rem3A_261 : i32 to index
      %get3A_310 = arith.constant 48 : index
      %get3A_311 = tpu.vector_load %arg9[%get3A_309, %get3A_310] {strides = array<i32>} : memref<3x128xi32, #tpu.memory_space<vmem>>, vector<16xi32>,
      %broadcast_in_dim3A_312 = arith.constant true
      %broadcast_in_dim3A_313 = vector.broadcast %broadcast_in_dim3A_312 : i1 to vector<16xi1>
      %unique3A_314, %unique3A_315 = tpu.scan_count mask(%broadcast_in_dim3A_313 : vector<16xi1>) value(%get3A_311 : vector<16xi32>) : vector<16xi1>, vector<16xi32>
      %convert_element_type3A_316 = arith.sitofp %unique3A_315 : vector<16xi32> to vector<16xf32>
      tpu.vector_store_idx %arg13[%get3A_311], %convert_element_type3A_316 masked %unique3A_314 {add = true} : memref<10240xf32, #tpu.memory_space<vmem>>[vector<16xi32>], vector<16xf32>, vector<16xi1>
      %get3A_317 = arith.index_cast %rem3A_261 : i32 to index
      %get3A_318 = arith.constant 64 : index
      %get3A_319 = tpu.vector_load %arg9[%get3A_317, %get3A_318] {strides = array<i32>} : memref<3x128xi32, #tpu.memory_space<vmem>>, vector<16xi32>,
      %broadcast_in_dim3A_320 = arith.constant true
      %broadcast_in_dim3A_321 = vector.broadcast %broadcast_in_dim3A_320 : i1 to vector<16xi1>
      %unique3A_322, %unique3A_323 = tpu.scan_count mask(%broadcast_in_dim3A_321 : vector<16xi1>) value(%get3A_319 : vector<16xi32>) : vector<16xi1>, vector<16xi32>
      %convert_element_type3A_324 = arith.sitofp %unique3A_323 : vector<16xi32> to vector<16xf32>
      tpu.vector_store_idx %arg13[%get3A_319], %convert_element_type3A_324 masked %unique3A_322 {add = true} : memref<10240xf32, #tpu.memory_space<vmem>>[vector<16xi32>], vector<16xf32>, vector<16xi1>
      %get3A_325 = arith.index_cast %rem3A_261 : i32 to index
      %get3A_326 = arith.constant 80 : index
      %get3A_327 = tpu.vector_load %arg9[%get3A_325, %get3A_326] {strides = array<i32>} : memref<3x128xi32, #tpu.memory_space<vmem>>, vector<16xi32>,
      %broadcast_in_dim3A_328 = arith.constant true
      %broadcast_in_dim3A_329 = vector.broadcast %broadcast_in_dim3A_328 : i1 to vector<16xi1>
      %unique3A_330, %unique3A_331 = tpu.scan_count mask(%broadcast_in_dim3A_329 : vector<16xi1>) value(%get3A_327 : vector<16xi32>) : vector<16xi1>, vector<16xi32>
      %convert_element_type3A_332 = arith.sitofp %unique3A_331 : vector<16xi32> to vector<16xf32>
      tpu.vector_store_idx %arg13[%get3A_327], %convert_element_type3A_332 masked %unique3A_330 {add = true} : memref<10240xf32, #tpu.memory_space<vmem>>[vector<16xi32>], vector<16xf32>, vector<16xi1>
      %get3A_333 = arith.index_cast %rem3A_261 : i32 to index
      %get3A_334 = arith.constant 96 : index
      %get3A_335 = tpu.vector_load %arg9[%get3A_333, %get3A_334] {strides = array<i32>} : memref<3x128xi32, #tpu.memory_space<vmem>>, vector<16xi32>,
      %broadcast_in_dim3A_336 = arith.constant true
      %broadcast_in_dim3A_337 = vector.broadcast %broadcast_in_dim3A_336 : i1 to vector<16xi1>
      %unique3A_338, %unique3A_339 = tpu.scan_count mask(%broadcast_in_dim3A_337 : vector<16xi1>) value(%get3A_335 : vector<16xi32>) : vector<16xi1>, vector<16xi32>
      %convert_element_type3A_340 = arith.sitofp %unique3A_339 : vector<16xi32> to vector<16xf32>
      tpu.vector_store_idx %arg13[%get3A_335], %convert_element_type3A_340 masked %unique3A_338 {add = true} : memref<10240xf32, #tpu.memory_space<vmem>>[vector<16xi32>], vector<16xf32>, vector<16xi1>
      %get3A_341 = arith.index_cast %rem3A_261 : i32 to index
      %get3A_342 = arith.constant 112 : index
      %get3A_343 = tpu.vector_load %arg9[%get3A_341, %get3A_342] {strides = array<i32>} : memref<3x128xi32, #tpu.memory_space<vmem>>, vector<16xi32>,
      %broadcast_in_dim3A_344 = arith.constant true
      %broadcast_in_dim3A_345 = vector.broadcast %broadcast_in_dim3A_344 : i1 to vector<16xi1>
      %unique3A_346, %unique3A_347 = tpu.scan_count mask(%broadcast_in_dim3A_345 : vector<16xi1>) value(%get3A_343 : vector<16xi32>) : vector<16xi1>, vector<16xi32>
      %convert_element_type3A_348 = arith.sitofp %unique3A_347 : vector<16xi32> to vector<16xf32>
      tpu.vector_store_idx %arg13[%get3A_343], %convert_element_type3A_348 masked %unique3A_346 {add = true} : memref<10240xf32, #tpu.memory_space<vmem>>[vector<16xi32>], vector<16xf32>, vector<16xi1>
    }
    %while3A_118 = arith.constant 1 : i32
    scf.for %while3A_258 = %while3A_116 to %while3A_112 step %while3A_118  : i32 {
      %rem3A = arith.constant 2 : i32
      %rem3A_259 = arith.remsi %while3A_258, %rem3A : i32
      %rem3A_260 = arith.constant 3 : i32
      %rem3A_261 = arith.remsi %while3A_258, %rem3A_260 : i32
      %dma_wait3A_262 = arith.constant 0 : i32
      %dma_wait3A_263 = arith.constant 0 : i32
      %dma_wait3A_264 = arith.constant 0 : i32
      %dma_wait3A_265 = tpu.memref_slice %arg10[%dma_wait3A_263, %dma_wait3A_264] : memref<256x128xf32, #tpu.memory_space<vmem>> -> memref<128x128xf32, #tpu.memory_space<vmem>>
      %dma_wait3A_266 = arith.constant 0 : i32
      %dma_wait3A_267 = tpu.memref_slice %arg8[%dma_wait3A_262, %dma_wait3A_266] : memref<3x128xi32, #tpu.memory_space<vmem>> -> memref<1x128xi32, #tpu.memory_space<vmem>>
      %dma_wait3A_268 = tpu.memref_squeeze %dma_wait3A_267 : memref<1x128xi32, #tpu.memory_space<vmem>> -> memref<128xi32, #tpu.memory_space<vmem>>
      %dma_wait3A_269 = arith.constant 0 : i32
      %dma_wait3A_270 = arith.constant 0 : i32
      %dma_wait3A_271 = tpu.memref_slice %arg2[%dma_wait3A_269, %dma_wait3A_270] : memref<10000x128xf32, #tpu.memory_space<hbm>> -> memref<10000x128xf32, #tpu.memory_space<hbm>>
      tpu.wait_indirect_dma semaphore(%arg11 : memref<!tpu.dma_semaphore, #tpu.memory_space<semaphore_mem>>) src(%dma_wait3A_271 : memref<10000x128xf32, #tpu.memory_space<hbm>>) dst(%dma_wait3A_265 : memref<128x128xf32, #tpu.memory_space<vmem>>)
      %add3A_272 = arith.constant 2 : i32
      %add3A_273 = arith.addi %while3A_258, %add3A_272 : i32
      %sub3A = arith.constant 1 : i32
      %sub3A_274 = arith.subi %add3A_6, %sub3A : i32
      %le3A = arith.cmpi sle, %add3A_273, %sub3A_274 : i32
      %convert_element_type3A_275 = arith.extui %le3A : i1 to i32
      %cond3A_276 = arith.constant 0 : i32
      %cond3A_277 = arith.cmpi ne, %convert_element_type3A_275, %cond3A_276 : i32
      scf.if %cond3A_277 {
        %add3A_349 = arith.constant 2 : i32
        %add3A_350 = arith.addi %while3A_258, %add3A_349 : i32
        %add3A_351 = arith.constant 2 : i32
        %add3A_352 = arith.addi %while3A_258, %add3A_351 : i32
        %rem3A_353 = arith.constant 3 : i32
        %rem3A_354 = arith.remsi %add3A_352, %rem3A_353 : i32
        %mul3A_355 = arith.constant 128 : i32
        %mul3A_356 = arith.muli %add3A_350, %mul3A_355 : i32
        %add3A_357 = arith.addi %mul3A_12, %mul3A_356 : i32
        %dma_start3A_358 = arith.constant 0 : i32
        %dma_start3A_359 = tpu.memref_slice %arg8[%rem3A_354, %dma_start3A_358] : memref<3x128xi32, #tpu.memory_space<vmem>> -> memref<1x128xi32, #tpu.memory_space<vmem>>
        %dma_start3A_360 = tpu.memref_squeeze %dma_start3A_359 : memref<1x128xi32, #tpu.memory_space<vmem>> -> memref<128xi32, #tpu.memory_space<vmem>>
        %dma_start3A_361 = tpu.memref_slice %arg3[%add3A_357] : memref<640000xi32, #tpu.memory_space<hbm>> -> memref<128xi32, #tpu.memory_space<hbm>>
        %dma_start3A_362 = tpu.memref_slice %arg12[%rem3A_354] : memref<3x!tpu.dma_semaphore, #tpu.memory_space<semaphore_mem>> -> memref<1x!tpu.dma_semaphore, #tpu.memory_space<semaphore_mem>>
        %dma_start3A_363 = tpu.memref_squeeze %dma_start3A_362 : memref<1x!tpu.dma_semaphore, #tpu.memory_space<semaphore_mem>> -> memref<!tpu.dma_semaphore, #tpu.memory_space<semaphore_mem>>
        %dma_start3A_364 = arith.constant 0 : i32
        %dma_start3A_365 = tpu.memref_slice %arg8[%rem3A_354, %dma_start3A_364] : memref<3x128xi32, #tpu.memory_space<vmem>> -> memref<1x128xi32, #tpu.memory_space<vmem>>
        %dma_start3A_366 = tpu.memref_squeeze %dma_start3A_365 : memref<1x128xi32, #tpu.memory_space<vmem>> -> memref<128xi32, #tpu.memory_space<vmem>>
        %dma_start3A_367 = tpu.memref_slice %arg3[%add3A_357] : memref<640000xi32, #tpu.memory_space<hbm>> -> memref<128xi32, #tpu.memory_space<hbm>>
        tpu.enqueue_dma source(%dma_start3A_367 : memref<128xi32, #tpu.memory_space<hbm>>) target(%dma_start3A_366 : memref<128xi32, #tpu.memory_space<vmem>>) target_semaphore(%dma_start3A_363 : memref<!tpu.dma_semaphore, #tpu.memory_space<semaphore_mem>>)
        %add3A_368 = arith.constant 320000 : i32
        %add3A_369 = arith.addi %add3A_368, %add3A_357 : i32
        %dma_start3A_370 = arith.constant 0 : i32
        %dma_start3A_371 = tpu.memref_slice %arg9[%rem3A_354, %dma_start3A_370] : memref<3x128xi32, #tpu.memory_space<vmem>> -> memref<1x128xi32, #tpu.memory_space<vmem>>
        %dma_start3A_372 = tpu.memref_squeeze %dma_start3A_371 : memref<1x128xi32, #tpu.memory_space<vmem>> -> memref<128xi32, #tpu.memory_space<vmem>>
        %dma_start3A_373 = tpu.memref_slice %arg3[%add3A_369] : memref<640000xi32, #tpu.memory_space<hbm>> -> memref<128xi32, #tpu.memory_space<hbm>>
        %dma_start3A_374 = tpu.memref_slice %arg12[%rem3A_354] : memref<3x!tpu.dma_semaphore, #tpu.memory_space<semaphore_mem>> -> memref<1x!tpu.dma_semaphore, #tpu.memory_space<semaphore_mem>>
        %dma_start3A_375 = tpu.memref_squeeze %dma_start3A_374 : memref<1x!tpu.dma_semaphore, #tpu.memory_space<semaphore_mem>> -> memref<!tpu.dma_semaphore, #tpu.memory_space<semaphore_mem>>
        %dma_start3A_376 = arith.constant 0 : i32
        %dma_start3A_377 = tpu.memref_slice %arg9[%rem3A_354, %dma_start3A_376] : memref<3x128xi32, #tpu.memory_space<vmem>> -> memref<1x128xi32, #tpu.memory_space<vmem>>
        %dma_start3A_378 = tpu.memref_squeeze %dma_start3A_377 : memref<1x128xi32, #tpu.memory_space<vmem>> -> memref<128xi32, #tpu.memory_space<vmem>>
        %dma_start3A_379 = tpu.memref_slice %arg3[%add3A_369] : memref<640000xi32, #tpu.memory_space<hbm>> -> memref<128xi32, #tpu.memory_space<hbm>>
        tpu.enqueue_dma source(%dma_start3A_379 : memref<128xi32, #tpu.memory_space<hbm>>) target(%dma_start3A_378 : memref<128xi32, #tpu.memory_space<vmem>>) target_semaphore(%dma_start3A_375 : memref<!tpu.dma_semaphore, #tpu.memory_space<semaphore_mem>>)
      } else {
      }
      %add3A_278 = arith.constant 1 : i32
      %add3A_279 = arith.addi %while3A_258, %add3A_278 : i32
      %sub3A_280 = arith.constant 1 : i32
      %sub3A_281 = arith.subi %add3A_6, %sub3A_280 : i32
      %le3A_282 = arith.cmpi sle, %add3A_279, %sub3A_281 : i32
      %convert_element_type3A_283 = arith.extui %le3A_282 : i1 to i32
      %cond3A_284 = arith.constant 0 : i32
      %cond3A_285 = arith.cmpi ne, %convert_element_type3A_283, %cond3A_284 : i32
      scf.if %cond3A_285 {
        %add3A_349 = arith.constant 1 : i32
        %add3A_350 = arith.addi %while3A_258, %add3A_349 : i32
        %rem3A_351 = arith.constant 3 : i32
        %rem3A_352 = arith.remsi %add3A_350, %rem3A_351 : i32
        %dma_wait3A_353 = arith.constant 0 : i32
        %dma_wait3A_354 = arith.constant 0 : i32
        %dma_wait3A_355 = tpu.memref_slice %arg8[%dma_wait3A_353, %dma_wait3A_354] : memref<3x128xi32, #tpu.memory_space<vmem>> -> memref<1x128xi32, #tpu.memory_space<vmem>>
        %dma_wait3A_356 = tpu.memref_squeeze %dma_wait3A_355 : memref<1x128xi32, #tpu.memory_space<vmem>> -> memref<128xi32, #tpu.memory_space<vmem>>
        %dma_wait3A_357 = arith.constant 0 : i32
        %dma_wait3A_358 = tpu.memref_slice %arg3[%dma_wait3A_357] : memref<640000xi32, #tpu.memory_space<hbm>> -> memref<128xi32, #tpu.memory_space<hbm>>
        %dma_wait3A_359 = tpu.memref_slice %arg12[%rem3A_352] : memref<3x!tpu.dma_semaphore, #tpu.memory_space<semaphore_mem>> -> memref<1x!tpu.dma_semaphore, #tpu.memory_space<semaphore_mem>>
        %dma_wait3A_360 = tpu.memref_squeeze %dma_wait3A_359 : memref<1x!tpu.dma_semaphore, #tpu.memory_space<semaphore_mem>> -> memref<!tpu.dma_semaphore, #tpu.memory_space<semaphore_mem>>
        %dma_wait3A_361 = arith.constant 0 : i32
        %dma_wait3A_362 = tpu.memref_slice %arg8[%dma_wait3A_353, %dma_wait3A_361] : memref<3x128xi32, #tpu.memory_space<vmem>> -> memref<1x128xi32, #tpu.memory_space<vmem>>
        %dma_wait3A_363 = tpu.memref_squeeze %dma_wait3A_362 : memref<1x128xi32, #tpu.memory_space<vmem>> -> memref<128xi32, #tpu.memory_space<vmem>>
        %dma_wait3A_364 = arith.constant 0 : i32
        %dma_wait3A_365 = tpu.memref_slice %arg3[%dma_wait3A_364] : memref<640000xi32, #tpu.memory_space<hbm>> -> memref<128xi32, #tpu.memory_space<hbm>>
        tpu.wait_dma2 semaphore(%dma_wait3A_360 : memref<!tpu.dma_semaphore, #tpu.memory_space<semaphore_mem>>) src(%dma_wait3A_365 : memref<128xi32, #tpu.memory_space<hbm>>) dst(%dma_wait3A_363 : memref<128xi32, #tpu.memory_space<vmem>>)
        %dma_wait3A_366 = arith.constant 0 : i32
        %dma_wait3A_367 = arith.constant 0 : i32
        %dma_wait3A_368 = tpu.memref_slice %arg9[%dma_wait3A_366, %dma_wait3A_367] : memref<3x128xi32, #tpu.memory_space<vmem>> -> memref<1x128xi32, #tpu.memory_space<vmem>>
        %dma_wait3A_369 = tpu.memref_squeeze %dma_wait3A_368 : memref<1x128xi32, #tpu.memory_space<vmem>> -> memref<128xi32, #tpu.memory_space<vmem>>
        %dma_wait3A_370 = arith.constant 0 : i32
        %dma_wait3A_371 = tpu.memref_slice %arg3[%dma_wait3A_370] : memref<640000xi32, #tpu.memory_space<hbm>> -> memref<128xi32, #tpu.memory_space<hbm>>
        %dma_wait3A_372 = tpu.memref_slice %arg12[%rem3A_352] : memref<3x!tpu.dma_semaphore, #tpu.memory_space<semaphore_mem>> -> memref<1x!tpu.dma_semaphore, #tpu.memory_space<semaphore_mem>>
        %dma_wait3A_373 = tpu.memref_squeeze %dma_wait3A_372 : memref<1x!tpu.dma_semaphore, #tpu.memory_space<semaphore_mem>> -> memref<!tpu.dma_semaphore, #tpu.memory_space<semaphore_mem>>
        %dma_wait3A_374 = arith.constant 0 : i32
        %dma_wait3A_375 = tpu.memref_slice %arg9[%dma_wait3A_366, %dma_wait3A_374] : memref<3x128xi32, #tpu.memory_space<vmem>> -> memref<1x128xi32, #tpu.memory_space<vmem>>
        %dma_wait3A_376 = tpu.memref_squeeze %dma_wait3A_375 : memref<1x128xi32, #tpu.memory_space<vmem>> -> memref<128xi32, #tpu.memory_space<vmem>>
        %dma_wait3A_377 = arith.constant 0 : i32
        %dma_wait3A_378 = tpu.memref_slice %arg3[%dma_wait3A_377] : memref<640000xi32, #tpu.memory_space<hbm>> -> memref<128xi32, #tpu.memory_space<hbm>>
        tpu.wait_dma2 semaphore(%dma_wait3A_373 : memref<!tpu.dma_semaphore, #tpu.memory_space<semaphore_mem>>) src(%dma_wait3A_378 : memref<128xi32, #tpu.memory_space<hbm>>) dst(%dma_wait3A_376 : memref<128xi32, #tpu.memory_space<vmem>>)
        %add3A_379 = arith.constant 1 : i32
        %add3A_380 = arith.addi %while3A_258, %add3A_379 : i32
        %sub3A_381 = arith.constant 1 : i32
        %sub3A_382 = arith.subi %sub3A_381, %rem3A_259 : i32
        %mul3A_383 = arith.constant 128 : i32
        %mul3A_384 = arith.muli %sub3A_382, %mul3A_383 : i32
        %dma_start3A_385 = arith.constant 0 : i32
        %dma_start3A_386 = tpu.memref_slice %arg10[%mul3A_384, %dma_start3A_385] : memref<256x128xf32, #tpu.memory_space<vmem>> -> memref<128x128xf32, #tpu.memory_space<vmem>>
        %dma_start3A_387 = arith.constant 0 : i32
        %dma_start3A_388 = tpu.memref_slice %arg8[%rem3A_352, %dma_start3A_387] : memref<3x128xi32, #tpu.memory_space<vmem>> -> memref<1x128xi32, #tpu.memory_space<vmem>>
        %dma_start3A_389 = tpu.memref_squeeze %dma_start3A_388 : memref<1x128xi32, #tpu.memory_space<vmem>> -> memref<128xi32, #tpu.memory_space<vmem>>
        %dma_start3A_390 = arith.constant 0 : i32
        %dma_start3A_391 = arith.constant 0 : i32
        %dma_start3A_392 = tpu.memref_slice %arg2[%dma_start3A_390, %dma_start3A_391] : memref<10000x128xf32, #tpu.memory_space<hbm>> -> memref<10000x128xf32, #tpu.memory_space<hbm>>
        tpu.enqueue_indirect_dma source(%dma_start3A_392 : memref<10000x128xf32, #tpu.memory_space<hbm>>) target(%dma_start3A_386 : memref<128x128xf32, #tpu.memory_space<vmem>>) offsets(%dma_start3A_389 : memref<128xi32, #tpu.memory_space<vmem>>) semaphore(%arg11 : memref<!tpu.dma_semaphore, #tpu.memory_space<semaphore_mem>>)
      } else {
      }
      %mul3A_286 = arith.constant 128 : i32
      %mul3A_287 = arith.muli %rem3A_259, %mul3A_286 : i32
      "tpu.region"() ({
        %run_scoped3A = tpu.sem_alloc : memref<!tpu.dma_semaphore, #tpu.memory_space<semaphore_mem>>
        %dma_start3A_349 = arith.constant 0 : i32
        %dma_start3A_350 = tpu.memref_slice %arg10[%mul3A_287, %dma_start3A_349] : memref<256x128xf32, #tpu.memory_space<vmem>> -> memref<128x128xf32, #tpu.memory_space<vmem>>
        %dma_start3A_351 = arith.constant 0 : i32
        %dma_start3A_352 = tpu.memref_slice %arg9[%rem3A_261, %dma_start3A_351] : memref<3x128xi32, #tpu.memory_space<vmem>> -> memref<1x128xi32, #tpu.memory_space<vmem>>
        %dma_start3A_353 = tpu.memref_squeeze %dma_start3A_352 : memref<1x128xi32, #tpu.memory_space<vmem>> -> memref<128xi32, #tpu.memory_space<vmem>>
        %dma_start3A_354 = arith.constant 0 : i32
        %dma_start3A_355 = arith.constant 0 : i32
        %dma_start3A_356 = tpu.memref_slice %arg7[%dma_start3A_354, %dma_start3A_355] : memref<10240x128xf32, #tpu.memory_space<vmem_shared>> -> memref<10240x128xf32, #tpu.memory_space<vmem_shared>>
        tpu.enqueue_indirect_dma source(%dma_start3A_350 : memref<128x128xf32, #tpu.memory_space<vmem>>) target(%dma_start3A_356 : memref<10240x128xf32, #tpu.memory_space<vmem_shared>>) offsets(%dma_start3A_353 : memref<128xi32, #tpu.memory_space<vmem>>) semaphore(%run_scoped3A : memref<!tpu.dma_semaphore, #tpu.memory_space<semaphore_mem>>) {add = true}
        %dma_wait3A_357 = arith.constant 0 : i32
        %dma_wait3A_358 = tpu.memref_slice %arg10[%mul3A_287, %dma_wait3A_357] : memref<256x128xf32, #tpu.memory_space<vmem>> -> memref<128x128xf32, #tpu.memory_space<vmem>>
        %dma_wait3A_359 = arith.constant 0 : i32
        %dma_wait3A_360 = tpu.memref_slice %arg9[%rem3A_261, %dma_wait3A_359] : memref<3x128xi32, #tpu.memory_space<vmem>> -> memref<1x128xi32, #tpu.memory_space<vmem>>
        %dma_wait3A_361 = tpu.memref_squeeze %dma_wait3A_360 : memref<1x128xi32, #tpu.memory_space<vmem>> -> memref<128xi32, #tpu.memory_space<vmem>>
        %dma_wait3A_362 = arith.constant 0 : i32
        %dma_wait3A_363 = arith.constant 0 : i32
        %dma_wait3A_364 = tpu.memref_slice %arg7[%dma_wait3A_362, %dma_wait3A_363] : memref<10240x128xf32, #tpu.memory_space<vmem_shared>> -> memref<10240x128xf32, #tpu.memory_space<vmem_shared>>
        tpu.wait_indirect_dma semaphore(%run_scoped3A : memref<!tpu.dma_semaphore, #tpu.memory_space<semaphore_mem>>) src(%dma_wait3A_358 : memref<128x128xf32, #tpu.memory_space<vmem>>) dst(%dma_wait3A_364 : memref<10240x128xf32, #tpu.memory_space<vmem_shared>>)
        tpu.yield
      }) : () -> ()
      %get3A = arith.index_cast %rem3A_261 : i32 to index
      %get3A_288 = arith.constant 0 : index
      %get3A_289 = tpu.vector_load %arg9[%get3A, %get3A_288] {strides = array<i32>} : memref<3x128xi32, #tpu.memory_space<vmem>>, vector<16xi32>,
      %broadcast_in_dim3A = arith.constant true
      %broadcast_in_dim3A_290 = vector.broadcast %broadcast_in_dim3A : i1 to vector<16xi1>
      %unique3A, %unique3A_291 = tpu.scan_count mask(%broadcast_in_dim3A_290 : vector<16xi1>) value(%get3A_289 : vector<16xi32>) : vector<16xi1>, vector<16xi32>
      %convert_element_type3A_292 = arith.sitofp %unique3A_291 : vector<16xi32> to vector<16xf32>
      tpu.vector_store_idx %arg13[%get3A_289], %convert_element_type3A_292 masked %unique3A {add = true} : memref<10240xf32, #tpu.memory_space<vmem>>[vector<16xi32>], vector<16xf32>, vector<16xi1>
      %get3A_293 = arith.index_cast %rem3A_261 : i32 to index
      %get3A_294 = arith.constant 16 : index
      %get3A_295 = tpu.vector_load %arg9[%get3A_293, %get3A_294] {strides = array<i32>} : memref<3x128xi32, #tpu.memory_space<vmem>>, vector<16xi32>,
      %broadcast_in_dim3A_296 = arith.constant true
      %broadcast_in_dim3A_297 = vector.broadcast %broadcast_in_dim3A_296 : i1 to vector<16xi1>
      %unique3A_298, %unique3A_299 = tpu.scan_count mask(%broadcast_in_dim3A_297 : vector<16xi1>) value(%get3A_295 : vector<16xi32>) : vector<16xi1>, vector<16xi32>
      %convert_element_type3A_300 = arith.sitofp %unique3A_299 : vector<16xi32> to vector<16xf32>
      tpu.vector_store_idx %arg13[%get3A_295], %convert_element_type3A_300 masked %unique3A_298 {add = true} : memref<10240xf32, #tpu.memory_space<vmem>>[vector<16xi32>], vector<16xf32>, vector<16xi1>
      %get3A_301 = arith.index_cast %rem3A_261 : i32 to index
      %get3A_302 = arith.constant 32 : index
      %get3A_303 = tpu.vector_load %arg9[%get3A_301, %get3A_302] {strides = array<i32>} : memref<3x128xi32, #tpu.memory_space<vmem>>, vector<16xi32>,
      %broadcast_in_dim3A_304 = arith.constant true
      %broadcast_in_dim3A_305 = vector.broadcast %broadcast_in_dim3A_304 : i1 to vector<16xi1>
      %unique3A_306, %unique3A_307 = tpu.scan_count mask(%broadcast_in_dim3A_305 : vector<16xi1>) value(%get3A_303 : vector<16xi32>) : vector<16xi1>, vector<16xi32>
      %convert_element_type3A_308 = arith.sitofp %unique3A_307 : vector<16xi32> to vector<16xf32>
      tpu.vector_store_idx %arg13[%get3A_303], %convert_element_type3A_308 masked %unique3A_306 {add = true} : memref<10240xf32, #tpu.memory_space<vmem>>[vector<16xi32>], vector<16xf32>, vector<16xi1>
      %get3A_309 = arith.index_cast %rem3A_261 : i32 to index
      %get3A_310 = arith.constant 48 : index
      %get3A_311 = tpu.vector_load %arg9[%get3A_309, %get3A_310] {strides = array<i32>} : memref<3x128xi32, #tpu.memory_space<vmem>>, vector<16xi32>,
      %broadcast_in_dim3A_312 = arith.constant true
      %broadcast_in_dim3A_313 = vector.broadcast %broadcast_in_dim3A_312 : i1 to vector<16xi1>
      %unique3A_314, %unique3A_315 = tpu.scan_count mask(%broadcast_in_dim3A_313 : vector<16xi1>) value(%get3A_311 : vector<16xi32>) : vector<16xi1>, vector<16xi32>
      %convert_element_type3A_316 = arith.sitofp %unique3A_315 : vector<16xi32> to vector<16xf32>
      tpu.vector_store_idx %arg13[%get3A_311], %convert_element_type3A_316 masked %unique3A_314 {add = true} : memref<10240xf32, #tpu.memory_space<vmem>>[vector<16xi32>], vector<16xf32>, vector<16xi1>
      %get3A_317 = arith.index_cast %rem3A_261 : i32 to index
      %get3A_318 = arith.constant 64 : index
      %get3A_319 = tpu.vector_load %arg9[%get3A_317, %get3A_318] {strides = array<i32>} : memref<3x128xi32, #tpu.memory_space<vmem>>, vector<16xi32>,
      %broadcast_in_dim3A_320 = arith.constant true
      %broadcast_in_dim3A_321 = vector.broadcast %broadcast_in_dim3A_320 : i1 to vector<16xi1>
      %unique3A_322, %unique3A_323 = tpu.scan_count mask(%broadcast_in_dim3A_321 : vector<16xi1>) value(%get3A_319 : vector<16xi32>) : vector<16xi1>, vector<16xi32>
      %convert_element_type3A_324 = arith.sitofp %unique3A_323 : vector<16xi32> to vector<16xf32>
      tpu.vector_store_idx %arg13[%get3A_319], %convert_element_type3A_324 masked %unique3A_322 {add = true} : memref<10240xf32, #tpu.memory_space<vmem>>[vector<16xi32>], vector<16xf32>, vector<16xi1>
      %get3A_325 = arith.index_cast %rem3A_261 : i32 to index
      %get3A_326 = arith.constant 80 : index
      %get3A_327 = tpu.vector_load %arg9[%get3A_325, %get3A_326] {strides = array<i32>} : memref<3x128xi32, #tpu.memory_space<vmem>>, vector<16xi32>,
      %broadcast_in_dim3A_328 = arith.constant true
      %broadcast_in_dim3A_329 = vector.broadcast %broadcast_in_dim3A_328 : i1 to vector<16xi1>
      %unique3A_330, %unique3A_331 = tpu.scan_count mask(%broadcast_in_dim3A_329 : vector<16xi1>) value(%get3A_327 : vector<16xi32>) : vector<16xi1>, vector<16xi32>
      %convert_element_type3A_332 = arith.sitofp %unique3A_331 : vector<16xi32> to vector<16xf32>
      tpu.vector_store_idx %arg13[%get3A_327], %convert_element_type3A_332 masked %unique3A_330 {add = true} : memref<10240xf32, #tpu.memory_space<vmem>>[vector<16xi32>], vector<16xf32>, vector<16xi1>
      %get3A_333 = arith.index_cast %rem3A_261 : i32 to index
      %get3A_334 = arith.constant 96 : index
      %get3A_335 = tpu.vector_load %arg9[%get3A_333, %get3A_334] {strides = array<i32>} : memref<3x128xi32, #tpu.memory_space<vmem>>, vector<16xi32>,
      %broadcast_in_dim3A_336 = arith.constant true
      %broadcast_in_dim3A_337 = vector.broadcast %broadcast_in_dim3A_336 : i1 to vector<16xi1>
      %unique3A_338, %unique3A_339 = tpu.scan_count mask(%broadcast_in_dim3A_337 : vector<16xi1>) value(%get3A_335 : vector<16xi32>) : vector<16xi1>, vector<16xi32>
      %convert_element_type3A_340 = arith.sitofp %unique3A_339 : vector<16xi32> to vector<16xf32>
      tpu.vector_store_idx %arg13[%get3A_335], %convert_element_type3A_340 masked %unique3A_338 {add = true} : memref<10240xf32, #tpu.memory_space<vmem>>[vector<16xi32>], vector<16xf32>, vector<16xi1>
      %get3A_341 = arith.index_cast %rem3A_261 : i32 to index
      %get3A_342 = arith.constant 112 : index
      %get3A_343 = tpu.vector_load %arg9[%get3A_341, %get3A_342] {strides = array<i32>} : memref<3x128xi32, #tpu.memory_space<vmem>>, vector<16xi32>,
      %broadcast_in_dim3A_344 = arith.constant true
      %broadcast_in_dim3A_345 = vector.broadcast %broadcast_in_dim3A_344 : i1 to vector<16xi1>
      %unique3A_346, %unique3A_347 = tpu.scan_count mask(%broadcast_in_dim3A_345 : vector<16xi1>) value(%get3A_343 : vector<16xi32>) : vector<16xi1>, vector<16xi32>
      %convert_element_type3A_348 = arith.sitofp %unique3A_347 : vector<16xi32> to vector<16xf32>
      tpu.vector_store_idx %arg13[%get3A_343], %convert_element_type3A_348 masked %unique3A_346 {add = true} : memref<10240xf32, #tpu.memory_space<vmem>>[vector<16xi32>], vector<16xf32>, vector<16xi1>
    }
    %barrier3A_119 = arith.constant 0 : index
    tpu.barrier barrier_id(%barrier3A_119)
    %mul3A_120 = arith.constant 640 : i32
    %mul3A_121 = arith.muli %arg1, %mul3A_120 : i32
    %mul3A_122 = arith.constant 640 : i32
    %mul3A_123 = arith.muli %arg1, %mul3A_122 : i32
    "tpu.region"() ({
      %run_scoped3A = tpu.sem_alloc : memref<!tpu.dma_semaphore, #tpu.memory_space<semaphore_mem>>
      %dma_start3A_258 = arith.constant 0 : i32
      %dma_start3A_259 = tpu.memref_slice %arg5[%arg0, %mul3A_123, %dma_start3A_258] : memref<2x10240x128xf32, #tpu.memory_space<hbm>> -> memref<1x640x128xf32, #tpu.memory_space<hbm>>
      %dma_start3A_260 = tpu.memref_squeeze %dma_start3A_259 : memref<1x640x128xf32, #tpu.memory_space<hbm>> -> memref<640x128xf32, #tpu.memory_space<hbm>>
      %dma_start3A_261 = arith.constant 0 : i32
      %dma_start3A_262 = tpu.memref_slice %arg7[%mul3A_121, %dma_start3A_261] : memref<10240x128xf32, #tpu.memory_space<vmem_shared>> -> memref<640x128xf32, #tpu.memory_space<vmem_shared>>
      tpu.enqueue_dma source(%dma_start3A_262 : memref<640x128xf32, #tpu.memory_space<vmem_shared>>) target(%dma_start3A_260 : memref<640x128xf32, #tpu.memory_space<hbm>>) target_semaphore(%run_scoped3A : memref<!tpu.dma_semaphore, #tpu.memory_space<semaphore_mem>>)
      %dma_wait3A_263 = arith.constant 0 : i32
      %dma_wait3A_264 = tpu.memref_slice %arg5[%arg0, %mul3A_123, %dma_wait3A_263] : memref<2x10240x128xf32, #tpu.memory_space<hbm>> -> memref<1x640x128xf32, #tpu.memory_space<hbm>>
      %dma_wait3A_265 = tpu.memref_squeeze %dma_wait3A_264 : memref<1x640x128xf32, #tpu.memory_space<hbm>> -> memref<640x128xf32, #tpu.memory_space<hbm>>
      %dma_wait3A_266 = arith.constant 0 : i32
      %dma_wait3A_267 = tpu.memref_slice %arg7[%mul3A_121, %dma_wait3A_266] : memref<10240x128xf32, #tpu.memory_space<vmem_shared>> -> memref<640x128xf32, #tpu.memory_space<vmem_shared>>
      tpu.wait_dma2 semaphore(%run_scoped3A : memref<!tpu.dma_semaphore, #tpu.memory_space<semaphore_mem>>) src(%dma_wait3A_267 : memref<640x128xf32, #tpu.memory_space<vmem_shared>>) dst(%dma_wait3A_265 : memref<640x128xf32, #tpu.memory_space<hbm>>)
      tpu.yield
    }) : () -> ()
    %div3A = arith.constant 2 : i32
    %div3A_124 = arith.divsi %arg1, %div3A : i32
    %eq3A = arith.constant 0 : i32
    %eq3A_125 = arith.cmpi eq, %div3A_124, %eq3A : i32
    %convert_element_type3A = arith.extui %eq3A_125 : i1 to i32
    %cond3A = arith.constant 0 : i32
    %cond3A_126 = arith.cmpi ne, %convert_element_type3A, %cond3A : i32
    scf.if %cond3A_126 {
      %rem3A = arith.constant 2 : i32
      %rem3A_258 = arith.remsi %arg1, %rem3A : i32
      "tpu.region"() ({
        %run_scoped3A = tpu.sem_alloc : memref<!tpu.dma_semaphore, #tpu.memory_space<semaphore_mem>>
        %dma_start3A_259 = arith.constant 0 : i32
        %dma_start3A_260 = tpu.memref_slice %arg14[%rem3A_258, %dma_start3A_259] : memref<2x10240xf32, #tpu.memory_space<vmem_shared>> -> memref<1x10240xf32, #tpu.memory_space<vmem_shared>>
        %dma_start3A_261 = tpu.memref_squeeze %dma_start3A_260 : memref<1x10240xf32, #tpu.memory_space<vmem_shared>> -> memref<10240xf32, #tpu.memory_space<vmem_shared>>
        %dma_start3A_262 = arith.constant 0 : i32
        %dma_start3A_263 = tpu.memref_slice %arg14[%rem3A_258, %dma_start3A_262] : memref<2x10240xf32, #tpu.memory_space<vmem_shared>> -> memref<1x10240xf32, #tpu.memory_space<vmem_shared>>
        %dma_start3A_264 = tpu.memref_squeeze %dma_start3A_263 : memref<1x10240xf32, #tpu.memory_space<vmem_shared>> -> memref<10240xf32, #tpu.memory_space<vmem_shared>>
        tpu.enqueue_dma source(%arg13 : memref<10240xf32, #tpu.memory_space<vmem>>) target(%dma_start3A_264 : memref<10240xf32, #tpu.memory_space<vmem_shared>>) target_semaphore(%run_scoped3A : memref<!tpu.dma_semaphore, #tpu.memory_space<semaphore_mem>>)
        %dma_wait3A_265 = arith.constant 0 : i32
        %dma_wait3A_266 = tpu.memref_slice %arg14[%rem3A_258, %dma_wait3A_265] : memref<2x10240xf32, #tpu.memory_space<vmem_shared>> -> memref<1x10240xf32, #tpu.memory_space<vmem_shared>>
        %dma_wait3A_267 = tpu.memref_squeeze %dma_wait3A_266 : memref<1x10240xf32, #tpu.memory_space<vmem_shared>> -> memref<10240xf32, #tpu.memory_space<vmem_shared>>
        %dma_wait3A_268 = arith.constant 0 : i32
        %dma_wait3A_269 = tpu.memref_slice %arg14[%rem3A_258, %dma_wait3A_268] : memref<2x10240xf32, #tpu.memory_space<vmem_shared>> -> memref<1x10240xf32, #tpu.memory_space<vmem_shared>>
        %dma_wait3A_270 = tpu.memref_squeeze %dma_wait3A_269 : memref<1x10240xf32, #tpu.memory_space<vmem_shared>> -> memref<10240xf32, #tpu.memory_space<vmem_shared>>
        tpu.wait_dma2 semaphore(%run_scoped3A : memref<!tpu.dma_semaphore, #tpu.memory_space<semaphore_mem>>) src(%arg13 : memref<10240xf32, #tpu.memory_space<vmem>>) dst(%dma_wait3A_270 : memref<10240xf32, #tpu.memory_space<vmem_shared>>)
        tpu.yield
      }) : () -> ()
    } else {
    }
    %barrier3A_127 = arith.constant 0 : index
    tpu.barrier barrier_id(%barrier3A_127)
    %mul3A_128 = arith.constant 640 : i32
    %mul3A_129 = arith.muli %arg1, %mul3A_128 : i32
    "tpu.region"() ({
      %run_scoped3A = tpu.sem_alloc : memref<!tpu.dma_semaphore, #tpu.memory_space<semaphore_mem>>
      %dma_start3A_258 = arith.constant 0 : i32
      %dma_start3A_259 = tpu.memref_slice %arg14[%dma_start3A_258, %mul3A_129] : memref<2x10240xf32, #tpu.memory_space<vmem_shared>> -> memref<2x640xf32, #tpu.memory_space<vmem_shared>>
      %dma_start3A_260 = arith.constant 0 : i32
      %dma_start3A_261 = tpu.memref_slice %arg14[%dma_start3A_260, %mul3A_129] : memref<2x10240xf32, #tpu.memory_space<vmem_shared>> -> memref<2x640xf32, #tpu.memory_space<vmem_shared>>
      tpu.enqueue_dma source(%dma_start3A_261 : memref<2x640xf32, #tpu.memory_space<vmem_shared>>) target(%arg15 : memref<2x640xf32, #tpu.memory_space<vmem>>) target_semaphore(%run_scoped3A : memref<!tpu.dma_semaphore, #tpu.memory_space<semaphore_mem>>)
      %dma_wait3A_262 = arith.constant 0 : i32
      %dma_wait3A_263 = tpu.memref_slice %arg14[%dma_wait3A_262, %mul3A_129] : memref<2x10240xf32, #tpu.memory_space<vmem_shared>> -> memref<2x640xf32, #tpu.memory_space<vmem_shared>>
      %dma_wait3A_264 = arith.constant 0 : i32
      %dma_wait3A_265 = tpu.memref_slice %arg14[%dma_wait3A_264, %mul3A_129] : memref<2x10240xf32, #tpu.memory_space<vmem_shared>> -> memref<2x640xf32, #tpu.memory_space<vmem_shared>>
      tpu.wait_dma2 semaphore(%run_scoped3A : memref<!tpu.dma_semaphore, #tpu.memory_space<semaphore_mem>>) src(%dma_wait3A_265 : memref<2x640xf32, #tpu.memory_space<vmem_shared>>) dst(%arg15 : memref<2x640xf32, #tpu.memory_space<vmem>>)
      tpu.yield
    }) : () -> ()
    %scan3A_130 = arith.constant 0 : i32
    %scan3A_131 = arith.constant 0 : i32
    %scan3A_132 = arith.constant 40 : i32
    %scan3A_133 = arith.addi %scan3A_131, %scan3A_132 : i32
    %scan3A_134 = arith.constant 1 : i32
    scf.for %scan3A_258 = %scan3A_131 to %scan3A_133 step %scan3A_134  : i32 {
      %broadcast_in_dim3A = arith.constant 0.000000e+00 : f32
      %broadcast_in_dim3A_259 = vector.broadcast %broadcast_in_dim3A : f32 to vector<16xf32>
      %mul3A_260 = arith.constant 16 : i32
      %mul3A_261 = arith.muli %scan3A_258, %mul3A_260 : i32
      %get3A = arith.constant 0 : i32
      %get3A_262 = arith.index_cast %get3A : i32 to index
      %get3A_263 = arith.index_cast %mul3A_261 : i32 to index
      %get3A_264 = tpu.vector_load %arg15[%get3A_262, %get3A_263] {strides = array<i32>} : memref<2x640xf32, #tpu.memory_space<vmem>>, vector<16xf32>,
      %add3A_265 = arith.addf %broadcast_in_dim3A_259, %get3A_264 : vector<16xf32>
      %mul3A_266 = arith.constant 16 : i32
      %mul3A_267 = arith.muli %scan3A_258, %mul3A_266 : i32
      %get3A_268 = arith.constant 1 : i32
      %get3A_269 = arith.index_cast %get3A_268 : i32 to index
      %get3A_270 = arith.index_cast %mul3A_267 : i32 to index
      %get3A_271 = tpu.vector_load %arg15[%get3A_269, %get3A_270] {strides = array<i32>} : memref<2x640xf32, #tpu.memory_space<vmem>>, vector<16xf32>,
      %add3A_272 = arith.addf %add3A_265, %get3A_271 : vector<16xf32>
      %mul3A_273 = arith.constant 16 : i32
      %mul3A_274 = arith.muli %scan3A_258, %mul3A_273 : i32
      %swap3A = arith.index_cast %mul3A_274 : i32 to index
      %swap3A_275 = tpu.vector_load %arg16[%swap3A] {strides = array<i32>} : memref<640xf32, #tpu.memory_space<vmem>>, vector<16xf32>,
      tpu.vector_store %arg16[%swap3A], %add3A_272 {strides = array<i32>} : memref<640xf32, #tpu.memory_space<vmem>>, vector<16xf32>,
    }
    %scan3A_135 = arith.constant 40 : i32
    %barrier3A_136 = arith.constant 0 : index
    tpu.barrier barrier_id(%barrier3A_136)
    %div3A_137 = arith.constant 2 : i32
    %div3A_138 = arith.divsi %arg1, %div3A_137 : i32
    %eq3A_139 = arith.constant 1 : i32
    %eq3A_140 = arith.cmpi eq, %div3A_138, %eq3A_139 : i32
    %convert_element_type3A_141 = arith.extui %eq3A_140 : i1 to i32
    %cond3A_142 = arith.constant 0 : i32
    %cond3A_143 = arith.cmpi ne, %convert_element_type3A_141, %cond3A_142 : i32
    scf.if %cond3A_143 {
      %rem3A = arith.constant 2 : i32
      %rem3A_258 = arith.remsi %arg1, %rem3A : i32
      "tpu.region"() ({
        %run_scoped3A = tpu.sem_alloc : memref<!tpu.dma_semaphore, #tpu.memory_space<semaphore_mem>>
        %dma_start3A_259 = arith.constant 0 : i32
        %dma_start3A_260 = tpu.memref_slice %arg14[%rem3A_258, %dma_start3A_259] : memref<2x10240xf32, #tpu.memory_space<vmem_shared>> -> memref<1x10240xf32, #tpu.memory_space<vmem_shared>>
        %dma_start3A_261 = tpu.memref_squeeze %dma_start3A_260 : memref<1x10240xf32, #tpu.memory_space<vmem_shared>> -> memref<10240xf32, #tpu.memory_space<vmem_shared>>
        %dma_start3A_262 = arith.constant 0 : i32
        %dma_start3A_263 = tpu.memref_slice %arg14[%rem3A_258, %dma_start3A_262] : memref<2x10240xf32, #tpu.memory_space<vmem_shared>> -> memref<1x10240xf32, #tpu.memory_space<vmem_shared>>
        %dma_start3A_264 = tpu.memref_squeeze %dma_start3A_263 : memref<1x10240xf32, #tpu.memory_space<vmem_shared>> -> memref<10240xf32, #tpu.memory_space<vmem_shared>>
        tpu.enqueue_dma source(%arg13 : memref<10240xf32, #tpu.memory_space<vmem>>) target(%dma_start3A_264 : memref<10240xf32, #tpu.memory_space<vmem_shared>>) target_semaphore(%run_scoped3A : memref<!tpu.dma_semaphore, #tpu.memory_space<semaphore_mem>>)
        %dma_wait3A_265 = arith.constant 0 : i32
        %dma_wait3A_266 = tpu.memref_slice %arg14[%rem3A_258, %dma_wait3A_265] : memref<2x10240xf32, #tpu.memory_space<vmem_shared>> -> memref<1x10240xf32, #tpu.memory_space<vmem_shared>>
        %dma_wait3A_267 = tpu.memref_squeeze %dma_wait3A_266 : memref<1x10240xf32, #tpu.memory_space<vmem_shared>> -> memref<10240xf32, #tpu.memory_space<vmem_shared>>
        %dma_wait3A_268 = arith.constant 0 : i32
        %dma_wait3A_269 = tpu.memref_slice %arg14[%rem3A_258, %dma_wait3A_268] : memref<2x10240xf32, #tpu.memory_space<vmem_shared>> -> memref<1x10240xf32, #tpu.memory_space<vmem_shared>>
        %dma_wait3A_270 = tpu.memref_squeeze %dma_wait3A_269 : memref<1x10240xf32, #tpu.memory_space<vmem_shared>> -> memref<10240xf32, #tpu.memory_space<vmem_shared>>
        tpu.wait_dma2 semaphore(%run_scoped3A : memref<!tpu.dma_semaphore, #tpu.memory_space<semaphore_mem>>) src(%arg13 : memref<10240xf32, #tpu.memory_space<vmem>>) dst(%dma_wait3A_270 : memref<10240xf32, #tpu.memory_space<vmem_shared>>)
        tpu.yield
      }) : () -> ()
    } else {
    }
    %barrier3A_144 = arith.constant 0 : index
    tpu.barrier barrier_id(%barrier3A_144)
    %mul3A_145 = arith.constant 640 : i32
    %mul3A_146 = arith.muli %arg1, %mul3A_145 : i32
    "tpu.region"() ({
      %run_scoped3A = tpu.sem_alloc : memref<!tpu.dma_semaphore, #tpu.memory_space<semaphore_mem>>
      %dma_start3A_258 = arith.constant 0 : i32
      %dma_start3A_259 = tpu.memref_slice %arg14[%dma_start3A_258, %mul3A_146] : memref<2x10240xf32, #tpu.memory_space<vmem_shared>> -> memref<2x640xf32, #tpu.memory_space<vmem_shared>>
      %dma_start3A_260 = arith.constant 0 : i32
      %dma_start3A_261 = tpu.memref_slice %arg14[%dma_start3A_260, %mul3A_146] : memref<2x10240xf32, #tpu.memory_space<vmem_shared>> -> memref<2x640xf32, #tpu.memory_space<vmem_shared>>
      tpu.enqueue_dma source(%dma_start3A_261 : memref<2x640xf32, #tpu.memory_space<vmem_shared>>) target(%arg15 : memref<2x640xf32, #tpu.memory_space<vmem>>) target_semaphore(%run_scoped3A : memref<!tpu.dma_semaphore, #tpu.memory_space<semaphore_mem>>)
      %dma_wait3A_262 = arith.constant 0 : i32
      %dma_wait3A_263 = tpu.memref_slice %arg14[%dma_wait3A_262, %mul3A_146] : memref<2x10240xf32, #tpu.memory_space<vmem_shared>> -> memref<2x640xf32, #tpu.memory_space<vmem_shared>>
      %dma_wait3A_264 = arith.constant 0 : i32
      %dma_wait3A_265 = tpu.memref_slice %arg14[%dma_wait3A_264, %mul3A_146] : memref<2x10240xf32, #tpu.memory_space<vmem_shared>> -> memref<2x640xf32, #tpu.memory_space<vmem_shared>>
      tpu.wait_dma2 semaphore(%run_scoped3A : memref<!tpu.dma_semaphore, #tpu.memory_space<semaphore_mem>>) src(%dma_wait3A_265 : memref<2x640xf32, #tpu.memory_space<vmem_shared>>) dst(%arg15 : memref<2x640xf32, #tpu.memory_space<vmem>>)
      tpu.yield
    }) : () -> ()
    %scan3A_147 = arith.constant 0 : i32
    %scan3A_148 = arith.constant 0 : i32
    %scan3A_149 = arith.constant 40 : i32
    %scan3A_150 = arith.addi %scan3A_148, %scan3A_149 : i32
    %scan3A_151 = arith.constant 1 : i32
    scf.for %scan3A_258 = %scan3A_148 to %scan3A_150 step %scan3A_151  : i32 {
      %broadcast_in_dim3A = arith.constant 0.000000e+00 : f32
      %broadcast_in_dim3A_259 = vector.broadcast %broadcast_in_dim3A : f32 to vector<16xf32>
      %mul3A_260 = arith.constant 16 : i32
      %mul3A_261 = arith.muli %scan3A_258, %mul3A_260 : i32
      %get3A = arith.constant 0 : i32
      %get3A_262 = arith.index_cast %get3A : i32 to index
      %get3A_263 = arith.index_cast %mul3A_261 : i32 to index
      %get3A_264 = tpu.vector_load %arg15[%get3A_262, %get3A_263] {strides = array<i32>} : memref<2x640xf32, #tpu.memory_space<vmem>>, vector<16xf32>,
      %add3A_265 = arith.addf %broadcast_in_dim3A_259, %get3A_264 : vector<16xf32>
      %mul3A_266 = arith.constant 16 : i32
      %mul3A_267 = arith.muli %scan3A_258, %mul3A_266 : i32
      %get3A_268 = arith.constant 1 : i32
      %get3A_269 = arith.index_cast %get3A_268 : i32 to index
      %get3A_270 = arith.index_cast %mul3A_267 : i32 to index
      %get3A_271 = tpu.vector_load %arg15[%get3A_269, %get3A_270] {strides = array<i32>} : memref<2x640xf32, #tpu.memory_space<vmem>>, vector<16xf32>,
      %add3A_272 = arith.addf %add3A_265, %get3A_271 : vector<16xf32>
      %mul3A_273 = arith.constant 16 : i32
      %mul3A_274 = arith.muli %scan3A_258, %mul3A_273 : i32
      %get3A_275 = arith.index_cast %mul3A_274 : i32 to index
      %get3A_276 = tpu.vector_load %arg16[%get3A_275] {strides = array<i32>} : memref<640xf32, #tpu.memory_space<vmem>>, vector<16xf32>,
      %add3A_277 = arith.addf %add3A_272, %get3A_276 : vector<16xf32>
      %mul3A_278 = arith.constant 16 : i32
      %mul3A_279 = arith.muli %scan3A_258, %mul3A_278 : i32
      %swap3A = arith.index_cast %mul3A_279 : i32 to index
      %swap3A_280 = tpu.vector_load %arg16[%swap3A] {strides = array<i32>} : memref<640xf32, #tpu.memory_space<vmem>>, vector<16xf32>,
      tpu.vector_store %arg16[%swap3A], %add3A_277 {strides = array<i32>} : memref<640xf32, #tpu.memory_space<vmem>>, vector<16xf32>,
    }
    %scan3A_152 = arith.constant 40 : i32
    %barrier3A_153 = arith.constant 0 : index
    tpu.barrier barrier_id(%barrier3A_153)
    %div3A_154 = arith.constant 2 : i32
    %div3A_155 = arith.divsi %arg1, %div3A_154 : i32
    %eq3A_156 = arith.constant 2 : i32
    %eq3A_157 = arith.cmpi eq, %div3A_155, %eq3A_156 : i32
    %convert_element_type3A_158 = arith.extui %eq3A_157 : i1 to i32
    %cond3A_159 = arith.constant 0 : i32
    %cond3A_160 = arith.cmpi ne, %convert_element_type3A_158, %cond3A_159 : i32
    scf.if %cond3A_160 {
      %rem3A = arith.constant 2 : i32
      %rem3A_258 = arith.remsi %arg1, %rem3A : i32
      "tpu.region"() ({
        %run_scoped3A = tpu.sem_alloc : memref<!tpu.dma_semaphore, #tpu.memory_space<semaphore_mem>>
        %dma_start3A_259 = arith.constant 0 : i32
        %dma_start3A_260 = tpu.memref_slice %arg14[%rem3A_258, %dma_start3A_259] : memref<2x10240xf32, #tpu.memory_space<vmem_shared>> -> memref<1x10240xf32, #tpu.memory_space<vmem_shared>>
        %dma_start3A_261 = tpu.memref_squeeze %dma_start3A_260 : memref<1x10240xf32, #tpu.memory_space<vmem_shared>> -> memref<10240xf32, #tpu.memory_space<vmem_shared>>
        %dma_start3A_262 = arith.constant 0 : i32
        %dma_start3A_263 = tpu.memref_slice %arg14[%rem3A_258, %dma_start3A_262] : memref<2x10240xf32, #tpu.memory_space<vmem_shared>> -> memref<1x10240xf32, #tpu.memory_space<vmem_shared>>
        %dma_start3A_264 = tpu.memref_squeeze %dma_start3A_263 : memref<1x10240xf32, #tpu.memory_space<vmem_shared>> -> memref<10240xf32, #tpu.memory_space<vmem_shared>>
        tpu.enqueue_dma source(%arg13 : memref<10240xf32, #tpu.memory_space<vmem>>) target(%dma_start3A_264 : memref<10240xf32, #tpu.memory_space<vmem_shared>>) target_semaphore(%run_scoped3A : memref<!tpu.dma_semaphore, #tpu.memory_space<semaphore_mem>>)
        %dma_wait3A_265 = arith.constant 0 : i32
        %dma_wait3A_266 = tpu.memref_slice %arg14[%rem3A_258, %dma_wait3A_265] : memref<2x10240xf32, #tpu.memory_space<vmem_shared>> -> memref<1x10240xf32, #tpu.memory_space<vmem_shared>>
        %dma_wait3A_267 = tpu.memref_squeeze %dma_wait3A_266 : memref<1x10240xf32, #tpu.memory_space<vmem_shared>> -> memref<10240xf32, #tpu.memory_space<vmem_shared>>
        %dma_wait3A_268 = arith.constant 0 : i32
        %dma_wait3A_269 = tpu.memref_slice %arg14[%rem3A_258, %dma_wait3A_268] : memref<2x10240xf32, #tpu.memory_space<vmem_shared>> -> memref<1x10240xf32, #tpu.memory_space<vmem_shared>>
        %dma_wait3A_270 = tpu.memref_squeeze %dma_wait3A_269 : memref<1x10240xf32, #tpu.memory_space<vmem_shared>> -> memref<10240xf32, #tpu.memory_space<vmem_shared>>
        tpu.wait_dma2 semaphore(%run_scoped3A : memref<!tpu.dma_semaphore, #tpu.memory_space<semaphore_mem>>) src(%arg13 : memref<10240xf32, #tpu.memory_space<vmem>>) dst(%dma_wait3A_270 : memref<10240xf32, #tpu.memory_space<vmem_shared>>)
        tpu.yield
      }) : () -> ()
    } else {
    }
    %barrier3A_161 = arith.constant 0 : index
    tpu.barrier barrier_id(%barrier3A_161)
    %mul3A_162 = arith.constant 640 : i32
    %mul3A_163 = arith.muli %arg1, %mul3A_162 : i32
    "tpu.region"() ({
      %run_scoped3A = tpu.sem_alloc : memref<!tpu.dma_semaphore, #tpu.memory_space<semaphore_mem>>
      %dma_start3A_258 = arith.constant 0 : i32
      %dma_start3A_259 = tpu.memref_slice %arg14[%dma_start3A_258, %mul3A_163] : memref<2x10240xf32, #tpu.memory_space<vmem_shared>> -> memref<2x640xf32, #tpu.memory_space<vmem_shared>>
      %dma_start3A_260 = arith.constant 0 : i32
      %dma_start3A_261 = tpu.memref_slice %arg14[%dma_start3A_260, %mul3A_163] : memref<2x10240xf32, #tpu.memory_space<vmem_shared>> -> memref<2x640xf32, #tpu.memory_space<vmem_shared>>
      tpu.enqueue_dma source(%dma_start3A_261 : memref<2x640xf32, #tpu.memory_space<vmem_shared>>) target(%arg15 : memref<2x640xf32, #tpu.memory_space<vmem>>) target_semaphore(%run_scoped3A : memref<!tpu.dma_semaphore, #tpu.memory_space<semaphore_mem>>)
      %dma_wait3A_262 = arith.constant 0 : i32
      %dma_wait3A_263 = tpu.memref_slice %arg14[%dma_wait3A_262, %mul3A_163] : memref<2x10240xf32, #tpu.memory_space<vmem_shared>> -> memref<2x640xf32, #tpu.memory_space<vmem_shared>>
      %dma_wait3A_264 = arith.constant 0 : i32
      %dma_wait3A_265 = tpu.memref_slice %arg14[%dma_wait3A_264, %mul3A_163] : memref<2x10240xf32, #tpu.memory_space<vmem_shared>> -> memref<2x640xf32, #tpu.memory_space<vmem_shared>>
      tpu.wait_dma2 semaphore(%run_scoped3A : memref<!tpu.dma_semaphore, #tpu.memory_space<semaphore_mem>>) src(%dma_wait3A_265 : memref<2x640xf32, #tpu.memory_space<vmem_shared>>) dst(%arg15 : memref<2x640xf32, #tpu.memory_space<vmem>>)
      tpu.yield
    }) : () -> ()
    %scan3A_164 = arith.constant 0 : i32
    %scan3A_165 = arith.constant 0 : i32
    %scan3A_166 = arith.constant 40 : i32
    %scan3A_167 = arith.addi %scan3A_165, %scan3A_166 : i32
    %scan3A_168 = arith.constant 1 : i32
    scf.for %scan3A_258 = %scan3A_165 to %scan3A_167 step %scan3A_168  : i32 {
      %broadcast_in_dim3A = arith.constant 0.000000e+00 : f32
      %broadcast_in_dim3A_259 = vector.broadcast %broadcast_in_dim3A : f32 to vector<16xf32>
      %mul3A_260 = arith.constant 16 : i32
      %mul3A_261 = arith.muli %scan3A_258, %mul3A_260 : i32
      %get3A = arith.constant 0 : i32
      %get3A_262 = arith.index_cast %get3A : i32 to index
      %get3A_263 = arith.index_cast %mul3A_261 : i32 to index
      %get3A_264 = tpu.vector_load %arg15[%get3A_262, %get3A_263] {strides = array<i32>} : memref<2x640xf32, #tpu.memory_space<vmem>>, vector<16xf32>,
      %add3A_265 = arith.addf %broadcast_in_dim3A_259, %get3A_264 : vector<16xf32>
      %mul3A_266 = arith.constant 16 : i32
      %mul3A_267 = arith.muli %scan3A_258, %mul3A_266 : i32
      %get3A_268 = arith.constant 1 : i32
      %get3A_269 = arith.index_cast %get3A_268 : i32 to index
      %get3A_270 = arith.index_cast %mul3A_267 : i32 to index
      %get3A_271 = tpu.vector_load %arg15[%get3A_269, %get3A_270] {strides = array<i32>} : memref<2x640xf32, #tpu.memory_space<vmem>>, vector<16xf32>,
      %add3A_272 = arith.addf %add3A_265, %get3A_271 : vector<16xf32>
      %mul3A_273 = arith.constant 16 : i32
      %mul3A_274 = arith.muli %scan3A_258, %mul3A_273 : i32
      %get3A_275 = arith.index_cast %mul3A_274 : i32 to index
      %get3A_276 = tpu.vector_load %arg16[%get3A_275] {strides = array<i32>} : memref<640xf32, #tpu.memory_space<vmem>>, vector<16xf32>,
      %add3A_277 = arith.addf %add3A_272, %get3A_276 : vector<16xf32>
      %mul3A_278 = arith.constant 16 : i32
      %mul3A_279 = arith.muli %scan3A_258, %mul3A_278 : i32
      %swap3A = arith.index_cast %mul3A_279 : i32 to index
      %swap3A_280 = tpu.vector_load %arg16[%swap3A] {strides = array<i32>} : memref<640xf32, #tpu.memory_space<vmem>>, vector<16xf32>,
      tpu.vector_store %arg16[%swap3A], %add3A_277 {strides = array<i32>} : memref<640xf32, #tpu.memory_space<vmem>>, vector<16xf32>,
    }
    %scan3A_169 = arith.constant 40 : i32
    %barrier3A_170 = arith.constant 0 : index
    tpu.barrier barrier_id(%barrier3A_170)
    %div3A_171 = arith.constant 2 : i32
    %div3A_172 = arith.divsi %arg1, %div3A_171 : i32
    %eq3A_173 = arith.constant 3 : i32
    %eq3A_174 = arith.cmpi eq, %div3A_172, %eq3A_173 : i32
    %convert_element_type3A_175 = arith.extui %eq3A_174 : i1 to i32
    %cond3A_176 = arith.constant 0 : i32
    %cond3A_177 = arith.cmpi ne, %convert_element_type3A_175, %cond3A_176 : i32
    scf.if %cond3A_177 {
      %rem3A = arith.constant 2 : i32
      %rem3A_258 = arith.remsi %arg1, %rem3A : i32
      "tpu.region"() ({
        %run_scoped3A = tpu.sem_alloc : memref<!tpu.dma_semaphore, #tpu.memory_space<semaphore_mem>>
        %dma_start3A_259 = arith.constant 0 : i32
        %dma_start3A_260 = tpu.memref_slice %arg14[%rem3A_258, %dma_start3A_259] : memref<2x10240xf32, #tpu.memory_space<vmem_shared>> -> memref<1x10240xf32, #tpu.memory_space<vmem_shared>>
        %dma_start3A_261 = tpu.memref_squeeze %dma_start3A_260 : memref<1x10240xf32, #tpu.memory_space<vmem_shared>> -> memref<10240xf32, #tpu.memory_space<vmem_shared>>
        %dma_start3A_262 = arith.constant 0 : i32
        %dma_start3A_263 = tpu.memref_slice %arg14[%rem3A_258, %dma_start3A_262] : memref<2x10240xf32, #tpu.memory_space<vmem_shared>> -> memref<1x10240xf32, #tpu.memory_space<vmem_shared>>
        %dma_start3A_264 = tpu.memref_squeeze %dma_start3A_263 : memref<1x10240xf32, #tpu.memory_space<vmem_shared>> -> memref<10240xf32, #tpu.memory_space<vmem_shared>>
        tpu.enqueue_dma source(%arg13 : memref<10240xf32, #tpu.memory_space<vmem>>) target(%dma_start3A_264 : memref<10240xf32, #tpu.memory_space<vmem_shared>>) target_semaphore(%run_scoped3A : memref<!tpu.dma_semaphore, #tpu.memory_space<semaphore_mem>>)
        %dma_wait3A_265 = arith.constant 0 : i32
        %dma_wait3A_266 = tpu.memref_slice %arg14[%rem3A_258, %dma_wait3A_265] : memref<2x10240xf32, #tpu.memory_space<vmem_shared>> -> memref<1x10240xf32, #tpu.memory_space<vmem_shared>>
        %dma_wait3A_267 = tpu.memref_squeeze %dma_wait3A_266 : memref<1x10240xf32, #tpu.memory_space<vmem_shared>> -> memref<10240xf32, #tpu.memory_space<vmem_shared>>
        %dma_wait3A_268 = arith.constant 0 : i32
        %dma_wait3A_269 = tpu.memref_slice %arg14[%rem3A_258, %dma_wait3A_268] : memref<2x10240xf32, #tpu.memory_space<vmem_shared>> -> memref<1x10240xf32, #tpu.memory_space<vmem_shared>>
        %dma_wait3A_270 = tpu.memref_squeeze %dma_wait3A_269 : memref<1x10240xf32, #tpu.memory_space<vmem_shared>> -> memref<10240xf32, #tpu.memory_space<vmem_shared>>
        tpu.wait_dma2 semaphore(%run_scoped3A : memref<!tpu.dma_semaphore, #tpu.memory_space<semaphore_mem>>) src(%arg13 : memref<10240xf32, #tpu.memory_space<vmem>>) dst(%dma_wait3A_270 : memref<10240xf32, #tpu.memory_space<vmem_shared>>)
        tpu.yield
      }) : () -> ()
    } else {
    }
    %barrier3A_178 = arith.constant 0 : index
    tpu.barrier barrier_id(%barrier3A_178)
    %mul3A_179 = arith.constant 640 : i32
    %mul3A_180 = arith.muli %arg1, %mul3A_179 : i32
    "tpu.region"() ({
      %run_scoped3A = tpu.sem_alloc : memref<!tpu.dma_semaphore, #tpu.memory_space<semaphore_mem>>
      %dma_start3A_258 = arith.constant 0 : i32
      %dma_start3A_259 = tpu.memref_slice %arg14[%dma_start3A_258, %mul3A_180] : memref<2x10240xf32, #tpu.memory_space<vmem_shared>> -> memref<2x640xf32, #tpu.memory_space<vmem_shared>>
      %dma_start3A_260 = arith.constant 0 : i32
      %dma_start3A_261 = tpu.memref_slice %arg14[%dma_start3A_260, %mul3A_180] : memref<2x10240xf32, #tpu.memory_space<vmem_shared>> -> memref<2x640xf32, #tpu.memory_space<vmem_shared>>
      tpu.enqueue_dma source(%dma_start3A_261 : memref<2x640xf32, #tpu.memory_space<vmem_shared>>) target(%arg15 : memref<2x640xf32, #tpu.memory_space<vmem>>) target_semaphore(%run_scoped3A : memref<!tpu.dma_semaphore, #tpu.memory_space<semaphore_mem>>)
      %dma_wait3A_262 = arith.constant 0 : i32
      %dma_wait3A_263 = tpu.memref_slice %arg14[%dma_wait3A_262, %mul3A_180] : memref<2x10240xf32, #tpu.memory_space<vmem_shared>> -> memref<2x640xf32, #tpu.memory_space<vmem_shared>>
      %dma_wait3A_264 = arith.constant 0 : i32
      %dma_wait3A_265 = tpu.memref_slice %arg14[%dma_wait3A_264, %mul3A_180] : memref<2x10240xf32, #tpu.memory_space<vmem_shared>> -> memref<2x640xf32, #tpu.memory_space<vmem_shared>>
      tpu.wait_dma2 semaphore(%run_scoped3A : memref<!tpu.dma_semaphore, #tpu.memory_space<semaphore_mem>>) src(%dma_wait3A_265 : memref<2x640xf32, #tpu.memory_space<vmem_shared>>) dst(%arg15 : memref<2x640xf32, #tpu.memory_space<vmem>>)
      tpu.yield
    }) : () -> ()
    %scan3A_181 = arith.constant 0 : i32
    %scan3A_182 = arith.constant 0 : i32
    %scan3A_183 = arith.constant 40 : i32
    %scan3A_184 = arith.addi %scan3A_182, %scan3A_183 : i32
    %scan3A_185 = arith.constant 1 : i32
    scf.for %scan3A_258 = %scan3A_182 to %scan3A_184 step %scan3A_185  : i32 {
      %broadcast_in_dim3A = arith.constant 0.000000e+00 : f32
      %broadcast_in_dim3A_259 = vector.broadcast %broadcast_in_dim3A : f32 to vector<16xf32>
      %mul3A_260 = arith.constant 16 : i32
      %mul3A_261 = arith.muli %scan3A_258, %mul3A_260 : i32
      %get3A = arith.constant 0 : i32
      %get3A_262 = arith.index_cast %get3A : i32 to index
      %get3A_263 = arith.index_cast %mul3A_261 : i32 to index
      %get3A_264 = tpu.vector_load %arg15[%get3A_262, %get3A_263] {strides = array<i32>} : memref<2x640xf32, #tpu.memory_space<vmem>>, vector<16xf32>,
      %add3A_265 = arith.addf %broadcast_in_dim3A_259, %get3A_264 : vector<16xf32>
      %mul3A_266 = arith.constant 16 : i32
      %mul3A_267 = arith.muli %scan3A_258, %mul3A_266 : i32
      %get3A_268 = arith.constant 1 : i32
      %get3A_269 = arith.index_cast %get3A_268 : i32 to index
      %get3A_270 = arith.index_cast %mul3A_267 : i32 to index
      %get3A_271 = tpu.vector_load %arg15[%get3A_269, %get3A_270] {strides = array<i32>} : memref<2x640xf32, #tpu.memory_space<vmem>>, vector<16xf32>,
      %add3A_272 = arith.addf %add3A_265, %get3A_271 : vector<16xf32>
      %mul3A_273 = arith.constant 16 : i32
      %mul3A_274 = arith.muli %scan3A_258, %mul3A_273 : i32
      %get3A_275 = arith.index_cast %mul3A_274 : i32 to index
      %get3A_276 = tpu.vector_load %arg16[%get3A_275] {strides = array<i32>} : memref<640xf32, #tpu.memory_space<vmem>>, vector<16xf32>,
      %add3A_277 = arith.addf %add3A_272, %get3A_276 : vector<16xf32>
      %mul3A_278 = arith.constant 16 : i32
      %mul3A_279 = arith.muli %scan3A_258, %mul3A_278 : i32
      %swap3A = arith.index_cast %mul3A_279 : i32 to index
      %swap3A_280 = tpu.vector_load %arg16[%swap3A] {strides = array<i32>} : memref<640xf32, #tpu.memory_space<vmem>>, vector<16xf32>,
      tpu.vector_store %arg16[%swap3A], %add3A_277 {strides = array<i32>} : memref<640xf32, #tpu.memory_space<vmem>>, vector<16xf32>,
    }
    %scan3A_186 = arith.constant 40 : i32
    %barrier3A_187 = arith.constant 0 : index
    tpu.barrier barrier_id(%barrier3A_187)
    %div3A_188 = arith.constant 2 : i32
    %div3A_189 = arith.divsi %arg1, %div3A_188 : i32
    %eq3A_190 = arith.constant 4 : i32
    %eq3A_191 = arith.cmpi eq, %div3A_189, %eq3A_190 : i32
    %convert_element_type3A_192 = arith.extui %eq3A_191 : i1 to i32
    %cond3A_193 = arith.constant 0 : i32
    %cond3A_194 = arith.cmpi ne, %convert_element_type3A_192, %cond3A_193 : i32
    scf.if %cond3A_194 {
      %rem3A = arith.constant 2 : i32
      %rem3A_258 = arith.remsi %arg1, %rem3A : i32
      "tpu.region"() ({
        %run_scoped3A = tpu.sem_alloc : memref<!tpu.dma_semaphore, #tpu.memory_space<semaphore_mem>>
        %dma_start3A_259 = arith.constant 0 : i32
        %dma_start3A_260 = tpu.memref_slice %arg14[%rem3A_258, %dma_start3A_259] : memref<2x10240xf32, #tpu.memory_space<vmem_shared>> -> memref<1x10240xf32, #tpu.memory_space<vmem_shared>>
        %dma_start3A_261 = tpu.memref_squeeze %dma_start3A_260 : memref<1x10240xf32, #tpu.memory_space<vmem_shared>> -> memref<10240xf32, #tpu.memory_space<vmem_shared>>
        %dma_start3A_262 = arith.constant 0 : i32
        %dma_start3A_263 = tpu.memref_slice %arg14[%rem3A_258, %dma_start3A_262] : memref<2x10240xf32, #tpu.memory_space<vmem_shared>> -> memref<1x10240xf32, #tpu.memory_space<vmem_shared>>
        %dma_start3A_264 = tpu.memref_squeeze %dma_start3A_263 : memref<1x10240xf32, #tpu.memory_space<vmem_shared>> -> memref<10240xf32, #tpu.memory_space<vmem_shared>>
        tpu.enqueue_dma source(%arg13 : memref<10240xf32, #tpu.memory_space<vmem>>) target(%dma_start3A_264 : memref<10240xf32, #tpu.memory_space<vmem_shared>>) target_semaphore(%run_scoped3A : memref<!tpu.dma_semaphore, #tpu.memory_space<semaphore_mem>>)
        %dma_wait3A_265 = arith.constant 0 : i32
        %dma_wait3A_266 = tpu.memref_slice %arg14[%rem3A_258, %dma_wait3A_265] : memref<2x10240xf32, #tpu.memory_space<vmem_shared>> -> memref<1x10240xf32, #tpu.memory_space<vmem_shared>>
        %dma_wait3A_267 = tpu.memref_squeeze %dma_wait3A_266 : memref<1x10240xf32, #tpu.memory_space<vmem_shared>> -> memref<10240xf32, #tpu.memory_space<vmem_shared>>
        %dma_wait3A_268 = arith.constant 0 : i32
        %dma_wait3A_269 = tpu.memref_slice %arg14[%rem3A_258, %dma_wait3A_268] : memref<2x10240xf32, #tpu.memory_space<vmem_shared>> -> memref<1x10240xf32, #tpu.memory_space<vmem_shared>>
        %dma_wait3A_270 = tpu.memref_squeeze %dma_wait3A_269 : memref<1x10240xf32, #tpu.memory_space<vmem_shared>> -> memref<10240xf32, #tpu.memory_space<vmem_shared>>
        tpu.wait_dma2 semaphore(%run_scoped3A : memref<!tpu.dma_semaphore, #tpu.memory_space<semaphore_mem>>) src(%arg13 : memref<10240xf32, #tpu.memory_space<vmem>>) dst(%dma_wait3A_270 : memref<10240xf32, #tpu.memory_space<vmem_shared>>)
        tpu.yield
      }) : () -> ()
    } else {
    }
    %barrier3A_195 = arith.constant 0 : index
    tpu.barrier barrier_id(%barrier3A_195)
    %mul3A_196 = arith.constant 640 : i32
    %mul3A_197 = arith.muli %arg1, %mul3A_196 : i32
    "tpu.region"() ({
      %run_scoped3A = tpu.sem_alloc : memref<!tpu.dma_semaphore, #tpu.memory_space<semaphore_mem>>
      %dma_start3A_258 = arith.constant 0 : i32
      %dma_start3A_259 = tpu.memref_slice %arg14[%dma_start3A_258, %mul3A_197] : memref<2x10240xf32, #tpu.memory_space<vmem_shared>> -> memref<2x640xf32, #tpu.memory_space<vmem_shared>>
      %dma_start3A_260 = arith.constant 0 : i32
      %dma_start3A_261 = tpu.memref_slice %arg14[%dma_start3A_260, %mul3A_197] : memref<2x10240xf32, #tpu.memory_space<vmem_shared>> -> memref<2x640xf32, #tpu.memory_space<vmem_shared>>
      tpu.enqueue_dma source(%dma_start3A_261 : memref<2x640xf32, #tpu.memory_space<vmem_shared>>) target(%arg15 : memref<2x640xf32, #tpu.memory_space<vmem>>) target_semaphore(%run_scoped3A : memref<!tpu.dma_semaphore, #tpu.memory_space<semaphore_mem>>)
      %dma_wait3A_262 = arith.constant 0 : i32
      %dma_wait3A_263 = tpu.memref_slice %arg14[%dma_wait3A_262, %mul3A_197] : memref<2x10240xf32, #tpu.memory_space<vmem_shared>> -> memref<2x640xf32, #tpu.memory_space<vmem_shared>>
      %dma_wait3A_264 = arith.constant 0 : i32
      %dma_wait3A_265 = tpu.memref_slice %arg14[%dma_wait3A_264, %mul3A_197] : memref<2x10240xf32, #tpu.memory_space<vmem_shared>> -> memref<2x640xf32, #tpu.memory_space<vmem_shared>>
      tpu.wait_dma2 semaphore(%run_scoped3A : memref<!tpu.dma_semaphore, #tpu.memory_space<semaphore_mem>>) src(%dma_wait3A_265 : memref<2x640xf32, #tpu.memory_space<vmem_shared>>) dst(%arg15 : memref<2x640xf32, #tpu.memory_space<vmem>>)
      tpu.yield
    }) : () -> ()
    %scan3A_198 = arith.constant 0 : i32
    %scan3A_199 = arith.constant 0 : i32
    %scan3A_200 = arith.constant 40 : i32
    %scan3A_201 = arith.addi %scan3A_199, %scan3A_200 : i32
    %scan3A_202 = arith.constant 1 : i32
    scf.for %scan3A_258 = %scan3A_199 to %scan3A_201 step %scan3A_202  : i32 {
      %broadcast_in_dim3A = arith.constant 0.000000e+00 : f32
      %broadcast_in_dim3A_259 = vector.broadcast %broadcast_in_dim3A : f32 to vector<16xf32>
      %mul3A_260 = arith.constant 16 : i32
      %mul3A_261 = arith.muli %scan3A_258, %mul3A_260 : i32
      %get3A = arith.constant 0 : i32
      %get3A_262 = arith.index_cast %get3A : i32 to index
      %get3A_263 = arith.index_cast %mul3A_261 : i32 to index
      %get3A_264 = tpu.vector_load %arg15[%get3A_262, %get3A_263] {strides = array<i32>} : memref<2x640xf32, #tpu.memory_space<vmem>>, vector<16xf32>,
      %add3A_265 = arith.addf %broadcast_in_dim3A_259, %get3A_264 : vector<16xf32>
      %mul3A_266 = arith.constant 16 : i32
      %mul3A_267 = arith.muli %scan3A_258, %mul3A_266 : i32
      %get3A_268 = arith.constant 1 : i32
      %get3A_269 = arith.index_cast %get3A_268 : i32 to index
      %get3A_270 = arith.index_cast %mul3A_267 : i32 to index
      %get3A_271 = tpu.vector_load %arg15[%get3A_269, %get3A_270] {strides = array<i32>} : memref<2x640xf32, #tpu.memory_space<vmem>>, vector<16xf32>,
      %add3A_272 = arith.addf %add3A_265, %get3A_271 : vector<16xf32>
      %mul3A_273 = arith.constant 16 : i32
      %mul3A_274 = arith.muli %scan3A_258, %mul3A_273 : i32
      %get3A_275 = arith.index_cast %mul3A_274 : i32 to index
      %get3A_276 = tpu.vector_load %arg16[%get3A_275] {strides = array<i32>} : memref<640xf32, #tpu.memory_space<vmem>>, vector<16xf32>,
      %add3A_277 = arith.addf %add3A_272, %get3A_276 : vector<16xf32>
      %mul3A_278 = arith.constant 16 : i32
      %mul3A_279 = arith.muli %scan3A_258, %mul3A_278 : i32
      %swap3A = arith.index_cast %mul3A_279 : i32 to index
      %swap3A_280 = tpu.vector_load %arg16[%swap3A] {strides = array<i32>} : memref<640xf32, #tpu.memory_space<vmem>>, vector<16xf32>,
      tpu.vector_store %arg16[%swap3A], %add3A_277 {strides = array<i32>} : memref<640xf32, #tpu.memory_space<vmem>>, vector<16xf32>,
    }
    %scan3A_203 = arith.constant 40 : i32
    %barrier3A_204 = arith.constant 0 : index
    tpu.barrier barrier_id(%barrier3A_204)
    %div3A_205 = arith.constant 2 : i32
    %div3A_206 = arith.divsi %arg1, %div3A_205 : i32
    %eq3A_207 = arith.constant 5 : i32
    %eq3A_208 = arith.cmpi eq, %div3A_206, %eq3A_207 : i32
    %convert_element_type3A_209 = arith.extui %eq3A_208 : i1 to i32
    %cond3A_210 = arith.constant 0 : i32
    %cond3A_211 = arith.cmpi ne, %convert_element_type3A_209, %cond3A_210 : i32
    scf.if %cond3A_211 {
      %rem3A = arith.constant 2 : i32
      %rem3A_258 = arith.remsi %arg1, %rem3A : i32
      "tpu.region"() ({
        %run_scoped3A = tpu.sem_alloc : memref<!tpu.dma_semaphore, #tpu.memory_space<semaphore_mem>>
        %dma_start3A_259 = arith.constant 0 : i32
        %dma_start3A_260 = tpu.memref_slice %arg14[%rem3A_258, %dma_start3A_259] : memref<2x10240xf32, #tpu.memory_space<vmem_shared>> -> memref<1x10240xf32, #tpu.memory_space<vmem_shared>>
        %dma_start3A_261 = tpu.memref_squeeze %dma_start3A_260 : memref<1x10240xf32, #tpu.memory_space<vmem_shared>> -> memref<10240xf32, #tpu.memory_space<vmem_shared>>
        %dma_start3A_262 = arith.constant 0 : i32
        %dma_start3A_263 = tpu.memref_slice %arg14[%rem3A_258, %dma_start3A_262] : memref<2x10240xf32, #tpu.memory_space<vmem_shared>> -> memref<1x10240xf32, #tpu.memory_space<vmem_shared>>
        %dma_start3A_264 = tpu.memref_squeeze %dma_start3A_263 : memref<1x10240xf32, #tpu.memory_space<vmem_shared>> -> memref<10240xf32, #tpu.memory_space<vmem_shared>>
        tpu.enqueue_dma source(%arg13 : memref<10240xf32, #tpu.memory_space<vmem>>) target(%dma_start3A_264 : memref<10240xf32, #tpu.memory_space<vmem_shared>>) target_semaphore(%run_scoped3A : memref<!tpu.dma_semaphore, #tpu.memory_space<semaphore_mem>>)
        %dma_wait3A_265 = arith.constant 0 : i32
        %dma_wait3A_266 = tpu.memref_slice %arg14[%rem3A_258, %dma_wait3A_265] : memref<2x10240xf32, #tpu.memory_space<vmem_shared>> -> memref<1x10240xf32, #tpu.memory_space<vmem_shared>>
        %dma_wait3A_267 = tpu.memref_squeeze %dma_wait3A_266 : memref<1x10240xf32, #tpu.memory_space<vmem_shared>> -> memref<10240xf32, #tpu.memory_space<vmem_shared>>
        %dma_wait3A_268 = arith.constant 0 : i32
        %dma_wait3A_269 = tpu.memref_slice %arg14[%rem3A_258, %dma_wait3A_268] : memref<2x10240xf32, #tpu.memory_space<vmem_shared>> -> memref<1x10240xf32, #tpu.memory_space<vmem_shared>>
        %dma_wait3A_270 = tpu.memref_squeeze %dma_wait3A_269 : memref<1x10240xf32, #tpu.memory_space<vmem_shared>> -> memref<10240xf32, #tpu.memory_space<vmem_shared>>
        tpu.wait_dma2 semaphore(%run_scoped3A : memref<!tpu.dma_semaphore, #tpu.memory_space<semaphore_mem>>) src(%arg13 : memref<10240xf32, #tpu.memory_space<vmem>>) dst(%dma_wait3A_270 : memref<10240xf32, #tpu.memory_space<vmem_shared>>)
        tpu.yield
      }) : () -> ()
    } else {
    }
    %barrier3A_212 = arith.constant 0 : index
    tpu.barrier barrier_id(%barrier3A_212)
    %mul3A_213 = arith.constant 640 : i32
    %mul3A_214 = arith.muli %arg1, %mul3A_213 : i32
    "tpu.region"() ({
      %run_scoped3A = tpu.sem_alloc : memref<!tpu.dma_semaphore, #tpu.memory_space<semaphore_mem>>
      %dma_start3A_258 = arith.constant 0 : i32
      %dma_start3A_259 = tpu.memref_slice %arg14[%dma_start3A_258, %mul3A_214] : memref<2x10240xf32, #tpu.memory_space<vmem_shared>> -> memref<2x640xf32, #tpu.memory_space<vmem_shared>>
      %dma_start3A_260 = arith.constant 0 : i32
      %dma_start3A_261 = tpu.memref_slice %arg14[%dma_start3A_260, %mul3A_214] : memref<2x10240xf32, #tpu.memory_space<vmem_shared>> -> memref<2x640xf32, #tpu.memory_space<vmem_shared>>
      tpu.enqueue_dma source(%dma_start3A_261 : memref<2x640xf32, #tpu.memory_space<vmem_shared>>) target(%arg15 : memref<2x640xf32, #tpu.memory_space<vmem>>) target_semaphore(%run_scoped3A : memref<!tpu.dma_semaphore, #tpu.memory_space<semaphore_mem>>)
      %dma_wait3A_262 = arith.constant 0 : i32
      %dma_wait3A_263 = tpu.memref_slice %arg14[%dma_wait3A_262, %mul3A_214] : memref<2x10240xf32, #tpu.memory_space<vmem_shared>> -> memref<2x640xf32, #tpu.memory_space<vmem_shared>>
      %dma_wait3A_264 = arith.constant 0 : i32
      %dma_wait3A_265 = tpu.memref_slice %arg14[%dma_wait3A_264, %mul3A_214] : memref<2x10240xf32, #tpu.memory_space<vmem_shared>> -> memref<2x640xf32, #tpu.memory_space<vmem_shared>>
      tpu.wait_dma2 semaphore(%run_scoped3A : memref<!tpu.dma_semaphore, #tpu.memory_space<semaphore_mem>>) src(%dma_wait3A_265 : memref<2x640xf32, #tpu.memory_space<vmem_shared>>) dst(%arg15 : memref<2x640xf32, #tpu.memory_space<vmem>>)
      tpu.yield
    }) : () -> ()
    %scan3A_215 = arith.constant 0 : i32
    %scan3A_216 = arith.constant 0 : i32
    %scan3A_217 = arith.constant 40 : i32
    %scan3A_218 = arith.addi %scan3A_216, %scan3A_217 : i32
    %scan3A_219 = arith.constant 1 : i32
    scf.for %scan3A_258 = %scan3A_216 to %scan3A_218 step %scan3A_219  : i32 {
      %broadcast_in_dim3A = arith.constant 0.000000e+00 : f32
      %broadcast_in_dim3A_259 = vector.broadcast %broadcast_in_dim3A : f32 to vector<16xf32>
      %mul3A_260 = arith.constant 16 : i32
      %mul3A_261 = arith.muli %scan3A_258, %mul3A_260 : i32
      %get3A = arith.constant 0 : i32
      %get3A_262 = arith.index_cast %get3A : i32 to index
      %get3A_263 = arith.index_cast %mul3A_261 : i32 to index
      %get3A_264 = tpu.vector_load %arg15[%get3A_262, %get3A_263] {strides = array<i32>} : memref<2x640xf32, #tpu.memory_space<vmem>>, vector<16xf32>,
      %add3A_265 = arith.addf %broadcast_in_dim3A_259, %get3A_264 : vector<16xf32>
      %mul3A_266 = arith.constant 16 : i32
      %mul3A_267 = arith.muli %scan3A_258, %mul3A_266 : i32
      %get3A_268 = arith.constant 1 : i32
      %get3A_269 = arith.index_cast %get3A_268 : i32 to index
      %get3A_270 = arith.index_cast %mul3A_267 : i32 to index
      %get3A_271 = tpu.vector_load %arg15[%get3A_269, %get3A_270] {strides = array<i32>} : memref<2x640xf32, #tpu.memory_space<vmem>>, vector<16xf32>,
      %add3A_272 = arith.addf %add3A_265, %get3A_271 : vector<16xf32>
      %mul3A_273 = arith.constant 16 : i32
      %mul3A_274 = arith.muli %scan3A_258, %mul3A_273 : i32
      %get3A_275 = arith.index_cast %mul3A_274 : i32 to index
      %get3A_276 = tpu.vector_load %arg16[%get3A_275] {strides = array<i32>} : memref<640xf32, #tpu.memory_space<vmem>>, vector<16xf32>,
      %add3A_277 = arith.addf %add3A_272, %get3A_276 : vector<16xf32>
      %mul3A_278 = arith.constant 16 : i32
      %mul3A_279 = arith.muli %scan3A_258, %mul3A_278 : i32
      %swap3A = arith.index_cast %mul3A_279 : i32 to index
      %swap3A_280 = tpu.vector_load %arg16[%swap3A] {strides = array<i32>} : memref<640xf32, #tpu.memory_space<vmem>>, vector<16xf32>,
      tpu.vector_store %arg16[%swap3A], %add3A_277 {strides = array<i32>} : memref<640xf32, #tpu.memory_space<vmem>>, vector<16xf32>,
    }
    %scan3A_220 = arith.constant 40 : i32
    %barrier3A_221 = arith.constant 0 : index
    tpu.barrier barrier_id(%barrier3A_221)
    %div3A_222 = arith.constant 2 : i32
    %div3A_223 = arith.divsi %arg1, %div3A_222 : i32
    %eq3A_224 = arith.constant 6 : i32
    %eq3A_225 = arith.cmpi eq, %div3A_223, %eq3A_224 : i32
    %convert_element_type3A_226 = arith.extui %eq3A_225 : i1 to i32
    %cond3A_227 = arith.constant 0 : i32
    %cond3A_228 = arith.cmpi ne, %convert_element_type3A_226, %cond3A_227 : i32
    scf.if %cond3A_228 {
      %rem3A = arith.constant 2 : i32
      %rem3A_258 = arith.remsi %arg1, %rem3A : i32
      "tpu.region"() ({
        %run_scoped3A = tpu.sem_alloc : memref<!tpu.dma_semaphore, #tpu.memory_space<semaphore_mem>>
        %dma_start3A_259 = arith.constant 0 : i32
        %dma_start3A_260 = tpu.memref_slice %arg14[%rem3A_258, %dma_start3A_259] : memref<2x10240xf32, #tpu.memory_space<vmem_shared>> -> memref<1x10240xf32, #tpu.memory_space<vmem_shared>>
        %dma_start3A_261 = tpu.memref_squeeze %dma_start3A_260 : memref<1x10240xf32, #tpu.memory_space<vmem_shared>> -> memref<10240xf32, #tpu.memory_space<vmem_shared>>
        %dma_start3A_262 = arith.constant 0 : i32
        %dma_start3A_263 = tpu.memref_slice %arg14[%rem3A_258, %dma_start3A_262] : memref<2x10240xf32, #tpu.memory_space<vmem_shared>> -> memref<1x10240xf32, #tpu.memory_space<vmem_shared>>
        %dma_start3A_264 = tpu.memref_squeeze %dma_start3A_263 : memref<1x10240xf32, #tpu.memory_space<vmem_shared>> -> memref<10240xf32, #tpu.memory_space<vmem_shared>>
        tpu.enqueue_dma source(%arg13 : memref<10240xf32, #tpu.memory_space<vmem>>) target(%dma_start3A_264 : memref<10240xf32, #tpu.memory_space<vmem_shared>>) target_semaphore(%run_scoped3A : memref<!tpu.dma_semaphore, #tpu.memory_space<semaphore_mem>>)
        %dma_wait3A_265 = arith.constant 0 : i32
        %dma_wait3A_266 = tpu.memref_slice %arg14[%rem3A_258, %dma_wait3A_265] : memref<2x10240xf32, #tpu.memory_space<vmem_shared>> -> memref<1x10240xf32, #tpu.memory_space<vmem_shared>>
        %dma_wait3A_267 = tpu.memref_squeeze %dma_wait3A_266 : memref<1x10240xf32, #tpu.memory_space<vmem_shared>> -> memref<10240xf32, #tpu.memory_space<vmem_shared>>
        %dma_wait3A_268 = arith.constant 0 : i32
        %dma_wait3A_269 = tpu.memref_slice %arg14[%rem3A_258, %dma_wait3A_268] : memref<2x10240xf32, #tpu.memory_space<vmem_shared>> -> memref<1x10240xf32, #tpu.memory_space<vmem_shared>>
        %dma_wait3A_270 = tpu.memref_squeeze %dma_wait3A_269 : memref<1x10240xf32, #tpu.memory_space<vmem_shared>> -> memref<10240xf32, #tpu.memory_space<vmem_shared>>
        tpu.wait_dma2 semaphore(%run_scoped3A : memref<!tpu.dma_semaphore, #tpu.memory_space<semaphore_mem>>) src(%arg13 : memref<10240xf32, #tpu.memory_space<vmem>>) dst(%dma_wait3A_270 : memref<10240xf32, #tpu.memory_space<vmem_shared>>)
        tpu.yield
      }) : () -> ()
    } else {
    }
    %barrier3A_229 = arith.constant 0 : index
    tpu.barrier barrier_id(%barrier3A_229)
    %mul3A_230 = arith.constant 640 : i32
    %mul3A_231 = arith.muli %arg1, %mul3A_230 : i32
    "tpu.region"() ({
      %run_scoped3A = tpu.sem_alloc : memref<!tpu.dma_semaphore, #tpu.memory_space<semaphore_mem>>
      %dma_start3A_258 = arith.constant 0 : i32
      %dma_start3A_259 = tpu.memref_slice %arg14[%dma_start3A_258, %mul3A_231] : memref<2x10240xf32, #tpu.memory_space<vmem_shared>> -> memref<2x640xf32, #tpu.memory_space<vmem_shared>>
      %dma_start3A_260 = arith.constant 0 : i32
      %dma_start3A_261 = tpu.memref_slice %arg14[%dma_start3A_260, %mul3A_231] : memref<2x10240xf32, #tpu.memory_space<vmem_shared>> -> memref<2x640xf32, #tpu.memory_space<vmem_shared>>
      tpu.enqueue_dma source(%dma_start3A_261 : memref<2x640xf32, #tpu.memory_space<vmem_shared>>) target(%arg15 : memref<2x640xf32, #tpu.memory_space<vmem>>) target_semaphore(%run_scoped3A : memref<!tpu.dma_semaphore, #tpu.memory_space<semaphore_mem>>)
      %dma_wait3A_262 = arith.constant 0 : i32
      %dma_wait3A_263 = tpu.memref_slice %arg14[%dma_wait3A_262, %mul3A_231] : memref<2x10240xf32, #tpu.memory_space<vmem_shared>> -> memref<2x640xf32, #tpu.memory_space<vmem_shared>>
      %dma_wait3A_264 = arith.constant 0 : i32
      %dma_wait3A_265 = tpu.memref_slice %arg14[%dma_wait3A_264, %mul3A_231] : memref<2x10240xf32, #tpu.memory_space<vmem_shared>> -> memref<2x640xf32, #tpu.memory_space<vmem_shared>>
      tpu.wait_dma2 semaphore(%run_scoped3A : memref<!tpu.dma_semaphore, #tpu.memory_space<semaphore_mem>>) src(%dma_wait3A_265 : memref<2x640xf32, #tpu.memory_space<vmem_shared>>) dst(%arg15 : memref<2x640xf32, #tpu.memory_space<vmem>>)
      tpu.yield
    }) : () -> ()
    %scan3A_232 = arith.constant 0 : i32
    %scan3A_233 = arith.constant 0 : i32
    %scan3A_234 = arith.constant 40 : i32
    %scan3A_235 = arith.addi %scan3A_233, %scan3A_234 : i32
    %scan3A_236 = arith.constant 1 : i32
    scf.for %scan3A_258 = %scan3A_233 to %scan3A_235 step %scan3A_236  : i32 {
      %broadcast_in_dim3A = arith.constant 0.000000e+00 : f32
      %broadcast_in_dim3A_259 = vector.broadcast %broadcast_in_dim3A : f32 to vector<16xf32>
      %mul3A_260 = arith.constant 16 : i32
      %mul3A_261 = arith.muli %scan3A_258, %mul3A_260 : i32
      %get3A = arith.constant 0 : i32
      %get3A_262 = arith.index_cast %get3A : i32 to index
      %get3A_263 = arith.index_cast %mul3A_261 : i32 to index
      %get3A_264 = tpu.vector_load %arg15[%get3A_262, %get3A_263] {strides = array<i32>} : memref<2x640xf32, #tpu.memory_space<vmem>>, vector<16xf32>,
      %add3A_265 = arith.addf %broadcast_in_dim3A_259, %get3A_264 : vector<16xf32>
      %mul3A_266 = arith.constant 16 : i32
      %mul3A_267 = arith.muli %scan3A_258, %mul3A_266 : i32
      %get3A_268 = arith.constant 1 : i32
      %get3A_269 = arith.index_cast %get3A_268 : i32 to index
      %get3A_270 = arith.index_cast %mul3A_267 : i32 to index
      %get3A_271 = tpu.vector_load %arg15[%get3A_269, %get3A_270] {strides = array<i32>} : memref<2x640xf32, #tpu.memory_space<vmem>>, vector<16xf32>,
      %add3A_272 = arith.addf %add3A_265, %get3A_271 : vector<16xf32>
      %mul3A_273 = arith.constant 16 : i32
      %mul3A_274 = arith.muli %scan3A_258, %mul3A_273 : i32
      %get3A_275 = arith.index_cast %mul3A_274 : i32 to index
      %get3A_276 = tpu.vector_load %arg16[%get3A_275] {strides = array<i32>} : memref<640xf32, #tpu.memory_space<vmem>>, vector<16xf32>,
      %add3A_277 = arith.addf %add3A_272, %get3A_276 : vector<16xf32>
      %mul3A_278 = arith.constant 16 : i32
      %mul3A_279 = arith.muli %scan3A_258, %mul3A_278 : i32
      %swap3A = arith.index_cast %mul3A_279 : i32 to index
      %swap3A_280 = tpu.vector_load %arg16[%swap3A] {strides = array<i32>} : memref<640xf32, #tpu.memory_space<vmem>>, vector<16xf32>,
      tpu.vector_store %arg16[%swap3A], %add3A_277 {strides = array<i32>} : memref<640xf32, #tpu.memory_space<vmem>>, vector<16xf32>,
    }
    %scan3A_237 = arith.constant 40 : i32
    %barrier3A_238 = arith.constant 0 : index
    tpu.barrier barrier_id(%barrier3A_238)
    %div3A_239 = arith.constant 2 : i32
    %div3A_240 = arith.divsi %arg1, %div3A_239 : i32
    %eq3A_241 = arith.constant 7 : i32
    %eq3A_242 = arith.cmpi eq, %div3A_240, %eq3A_241 : i32
    %convert_element_type3A_243 = arith.extui %eq3A_242 : i1 to i32
    %cond3A_244 = arith.constant 0 : i32
    %cond3A_245 = arith.cmpi ne, %convert_element_type3A_243, %cond3A_244 : i32
    scf.if %cond3A_245 {
      %rem3A = arith.constant 2 : i32
      %rem3A_258 = arith.remsi %arg1, %rem3A : i32
      "tpu.region"() ({
        %run_scoped3A = tpu.sem_alloc : memref<!tpu.dma_semaphore, #tpu.memory_space<semaphore_mem>>
        %dma_start3A_259 = arith.constant 0 : i32
        %dma_start3A_260 = tpu.memref_slice %arg14[%rem3A_258, %dma_start3A_259] : memref<2x10240xf32, #tpu.memory_space<vmem_shared>> -> memref<1x10240xf32, #tpu.memory_space<vmem_shared>>
        %dma_start3A_261 = tpu.memref_squeeze %dma_start3A_260 : memref<1x10240xf32, #tpu.memory_space<vmem_shared>> -> memref<10240xf32, #tpu.memory_space<vmem_shared>>
        %dma_start3A_262 = arith.constant 0 : i32
        %dma_start3A_263 = tpu.memref_slice %arg14[%rem3A_258, %dma_start3A_262] : memref<2x10240xf32, #tpu.memory_space<vmem_shared>> -> memref<1x10240xf32, #tpu.memory_space<vmem_shared>>
        %dma_start3A_264 = tpu.memref_squeeze %dma_start3A_263 : memref<1x10240xf32, #tpu.memory_space<vmem_shared>> -> memref<10240xf32, #tpu.memory_space<vmem_shared>>
        tpu.enqueue_dma source(%arg13 : memref<10240xf32, #tpu.memory_space<vmem>>) target(%dma_start3A_264 : memref<10240xf32, #tpu.memory_space<vmem_shared>>) target_semaphore(%run_scoped3A : memref<!tpu.dma_semaphore, #tpu.memory_space<semaphore_mem>>)
        %dma_wait3A_265 = arith.constant 0 : i32
        %dma_wait3A_266 = tpu.memref_slice %arg14[%rem3A_258, %dma_wait3A_265] : memref<2x10240xf32, #tpu.memory_space<vmem_shared>> -> memref<1x10240xf32, #tpu.memory_space<vmem_shared>>
        %dma_wait3A_267 = tpu.memref_squeeze %dma_wait3A_266 : memref<1x10240xf32, #tpu.memory_space<vmem_shared>> -> memref<10240xf32, #tpu.memory_space<vmem_shared>>
        %dma_wait3A_268 = arith.constant 0 : i32
        %dma_wait3A_269 = tpu.memref_slice %arg14[%rem3A_258, %dma_wait3A_268] : memref<2x10240xf32, #tpu.memory_space<vmem_shared>> -> memref<1x10240xf32, #tpu.memory_space<vmem_shared>>
        %dma_wait3A_270 = tpu.memref_squeeze %dma_wait3A_269 : memref<1x10240xf32, #tpu.memory_space<vmem_shared>> -> memref<10240xf32, #tpu.memory_space<vmem_shared>>
        tpu.wait_dma2 semaphore(%run_scoped3A : memref<!tpu.dma_semaphore, #tpu.memory_space<semaphore_mem>>) src(%arg13 : memref<10240xf32, #tpu.memory_space<vmem>>) dst(%dma_wait3A_270 : memref<10240xf32, #tpu.memory_space<vmem_shared>>)
        tpu.yield
      }) : () -> ()
    } else {
    }
    %barrier3A_246 = arith.constant 0 : index
    tpu.barrier barrier_id(%barrier3A_246)
    %mul3A_247 = arith.constant 640 : i32
    %mul3A_248 = arith.muli %arg1, %mul3A_247 : i32
    "tpu.region"() ({
      %run_scoped3A = tpu.sem_alloc : memref<!tpu.dma_semaphore, #tpu.memory_space<semaphore_mem>>
      %dma_start3A_258 = arith.constant 0 : i32
      %dma_start3A_259 = tpu.memref_slice %arg14[%dma_start3A_258, %mul3A_248] : memref<2x10240xf32, #tpu.memory_space<vmem_shared>> -> memref<2x640xf32, #tpu.memory_space<vmem_shared>>
      %dma_start3A_260 = arith.constant 0 : i32
      %dma_start3A_261 = tpu.memref_slice %arg14[%dma_start3A_260, %mul3A_248] : memref<2x10240xf32, #tpu.memory_space<vmem_shared>> -> memref<2x640xf32, #tpu.memory_space<vmem_shared>>
      tpu.enqueue_dma source(%dma_start3A_261 : memref<2x640xf32, #tpu.memory_space<vmem_shared>>) target(%arg15 : memref<2x640xf32, #tpu.memory_space<vmem>>) target_semaphore(%run_scoped3A : memref<!tpu.dma_semaphore, #tpu.memory_space<semaphore_mem>>)
      %dma_wait3A_262 = arith.constant 0 : i32
      %dma_wait3A_263 = tpu.memref_slice %arg14[%dma_wait3A_262, %mul3A_248] : memref<2x10240xf32, #tpu.memory_space<vmem_shared>> -> memref<2x640xf32, #tpu.memory_space<vmem_shared>>
      %dma_wait3A_264 = arith.constant 0 : i32
      %dma_wait3A_265 = tpu.memref_slice %arg14[%dma_wait3A_264, %mul3A_248] : memref<2x10240xf32, #tpu.memory_space<vmem_shared>> -> memref<2x640xf32, #tpu.memory_space<vmem_shared>>
      tpu.wait_dma2 semaphore(%run_scoped3A : memref<!tpu.dma_semaphore, #tpu.memory_space<semaphore_mem>>) src(%dma_wait3A_265 : memref<2x640xf32, #tpu.memory_space<vmem_shared>>) dst(%arg15 : memref<2x640xf32, #tpu.memory_space<vmem>>)
      tpu.yield
    }) : () -> ()
    %scan3A_249 = arith.constant 0 : i32
    %scan3A_250 = arith.constant 0 : i32
    %scan3A_251 = arith.constant 40 : i32
    %scan3A_252 = arith.addi %scan3A_250, %scan3A_251 : i32
    %scan3A_253 = arith.constant 1 : i32
    scf.for %scan3A_258 = %scan3A_250 to %scan3A_252 step %scan3A_253  : i32 {
      %broadcast_in_dim3A = arith.constant 0.000000e+00 : f32
      %broadcast_in_dim3A_259 = vector.broadcast %broadcast_in_dim3A : f32 to vector<16xf32>
      %mul3A_260 = arith.constant 16 : i32
      %mul3A_261 = arith.muli %scan3A_258, %mul3A_260 : i32
      %get3A = arith.constant 0 : i32
      %get3A_262 = arith.index_cast %get3A : i32 to index
      %get3A_263 = arith.index_cast %mul3A_261 : i32 to index
      %get3A_264 = tpu.vector_load %arg15[%get3A_262, %get3A_263] {strides = array<i32>} : memref<2x640xf32, #tpu.memory_space<vmem>>, vector<16xf32>,
      %add3A_265 = arith.addf %broadcast_in_dim3A_259, %get3A_264 : vector<16xf32>
      %mul3A_266 = arith.constant 16 : i32
      %mul3A_267 = arith.muli %scan3A_258, %mul3A_266 : i32
      %get3A_268 = arith.constant 1 : i32
      %get3A_269 = arith.index_cast %get3A_268 : i32 to index
      %get3A_270 = arith.index_cast %mul3A_267 : i32 to index
      %get3A_271 = tpu.vector_load %arg15[%get3A_269, %get3A_270] {strides = array<i32>} : memref<2x640xf32, #tpu.memory_space<vmem>>, vector<16xf32>,
      %add3A_272 = arith.addf %add3A_265, %get3A_271 : vector<16xf32>
      %mul3A_273 = arith.constant 16 : i32
      %mul3A_274 = arith.muli %scan3A_258, %mul3A_273 : i32
      %get3A_275 = arith.index_cast %mul3A_274 : i32 to index
      %get3A_276 = tpu.vector_load %arg16[%get3A_275] {strides = array<i32>} : memref<640xf32, #tpu.memory_space<vmem>>, vector<16xf32>,
      %add3A_277 = arith.addf %add3A_272, %get3A_276 : vector<16xf32>
      %mul3A_278 = arith.constant 16 : i32
      %mul3A_279 = arith.muli %scan3A_258, %mul3A_278 : i32
      %swap3A = arith.index_cast %mul3A_279 : i32 to index
      %swap3A_280 = tpu.vector_load %arg16[%swap3A] {strides = array<i32>} : memref<640xf32, #tpu.memory_space<vmem>>, vector<16xf32>,
      tpu.vector_store %arg16[%swap3A], %add3A_277 {strides = array<i32>} : memref<640xf32, #tpu.memory_space<vmem>>, vector<16xf32>,
    }
    %scan3A_254 = arith.constant 40 : i32
    %barrier3A_255 = arith.constant 0 : index
    tpu.barrier barrier_id(%barrier3A_255)
    %mul3A_256 = arith.constant 640 : i32
    %mul3A_257 = arith.muli %arg1, %mul3A_256 : i32
    "tpu.region"() ({
      %run_scoped3A = tpu.sem_alloc : memref<!tpu.dma_semaphore, #tpu.memory_space<semaphore_mem>>
      %dma_start3A_258 = tpu.memref_slice %arg6[%arg0, %mul3A_257] : memref<2x10240xf32, #tpu.memory_space<hbm>> -> memref<1x640xf32, #tpu.memory_space<hbm>>
      %dma_start3A_259 = tpu.memref_squeeze %dma_start3A_258 : memref<1x640xf32, #tpu.memory_space<hbm>> -> memref<640xf32, #tpu.memory_space<hbm>>
      %dma_start3A_260 = tpu.memref_slice %arg6[%arg0, %mul3A_257] : memref<2x10240xf32, #tpu.memory_space<hbm>> -> memref<1x640xf32, #tpu.memory_space<hbm>>
      %dma_start3A_261 = tpu.memref_squeeze %dma_start3A_260 : memref<1x640xf32, #tpu.memory_space<hbm>> -> memref<640xf32, #tpu.memory_space<hbm>>
      tpu.enqueue_dma source(%arg16 : memref<640xf32, #tpu.memory_space<vmem>>) target(%dma_start3A_261 : memref<640xf32, #tpu.memory_space<hbm>>) target_semaphore(%run_scoped3A : memref<!tpu.dma_semaphore, #tpu.memory_space<semaphore_mem>>)
      %dma_wait3A_262 = tpu.memref_slice %arg6[%arg0, %mul3A_257] : memref<2x10240xf32, #tpu.memory_space<hbm>> -> memref<1x640xf32, #tpu.memory_space<hbm>>
      %dma_wait3A_263 = tpu.memref_squeeze %dma_wait3A_262 : memref<1x640xf32, #tpu.memory_space<hbm>> -> memref<640xf32, #tpu.memory_space<hbm>>
      %dma_wait3A_264 = tpu.memref_slice %arg6[%arg0, %mul3A_257] : memref<2x10240xf32, #tpu.memory_space<hbm>> -> memref<1x640xf32, #tpu.memory_space<hbm>>
      %dma_wait3A_265 = tpu.memref_squeeze %dma_wait3A_264 : memref<1x640xf32, #tpu.memory_space<hbm>> -> memref<640xf32, #tpu.memory_space<hbm>>
      tpu.wait_dma2 semaphore(%run_scoped3A : memref<!tpu.dma_semaphore, #tpu.memory_space<semaphore_mem>>) src(%arg16 : memref<640xf32, #tpu.memory_space<vmem>>) dst(%dma_wait3A_265 : memref<640xf32, #tpu.memory_space<hbm>>)
      tpu.yield
    }) : () -> ()
    return
  }
}

module attributes {stable_mosaic.version = 14 : i64} {
  func.func @_dense0_body(%arg0: i32, %arg1: memref<2x2000x128xf32, #tpu.memory_space<vmem>>, %arg2: memref<2000x1xf32, #tpu.memory_space<vmem>>, %arg3: memref<2000x128xf32, #tpu.memory_space<vmem>>, %arg4: memref<128x128xf32, #tpu.memory_space<vmem>>, %arg5: memref<1x128xf32, #tpu.memory_space<vmem>>, %arg6: memref<128x128xf32, #tpu.memory_space<vmem>>, %arg7: memref<2000x128xf32, #tpu.memory_space<vmem>>, %arg8: memref<2000x1xf32, #tpu.memory_space<vmem>>) attributes {dimension_semantics = [#tpu.dimension_semantics<arbitrary>], iteration_bounds = array<i64: 5>, scalar_prefetch = 0 : i64, scratch_operands = 0 : i64, tpu.core_type = #tpu.core_type<tc>, window_params = [{transform_indices = @transform_0, window_bounds = array<i64: 2, 2000, 128>}, {transform_indices = @transform_1, window_bounds = array<i64: 2000, 1>}, {transform_indices = @transform_2, window_bounds = array<i64: 2000, 128>}, {pipeline_mode = #tpu.pipeline_mode<synchronous>, transform_indices = @transform_3, window_bounds = array<i64: 128, 128>}, {pipeline_mode = #tpu.pipeline_mode<synchronous>, transform_indices = @transform_4, window_bounds = array<i64: 1, 128>}, {pipeline_mode = #tpu.pipeline_mode<synchronous>, transform_indices = @transform_5, window_bounds = array<i64: 128, 128>}, {transform_indices = @transform_6, window_bounds = array<i64: 2000, 128>}, {transform_indices = @transform_7, window_bounds = array<i64: 2000, 1>}]} {
    %get3A = arith.constant 0 : index
    %get3A_0 = arith.constant 0 : index
    %get3A_1 = arith.constant 0 : index
    %get3A_2 = vector.load %arg1[%get3A, %get3A_0, %get3A_1] : memref<2x2000x128xf32, #tpu.memory_space<vmem>>, vector<1x2000x128xf32>
    %get3A_3 = vector.shape_cast %get3A_2 : vector<1x2000x128xf32> to vector<2000x128xf32>
    %get3A_4 = arith.constant 1 : index
    %get3A_5 = arith.constant 0 : index
    %get3A_6 = arith.constant 0 : index
    %get3A_7 = vector.load %arg1[%get3A_4, %get3A_5, %get3A_6] : memref<2x2000x128xf32, #tpu.memory_space<vmem>>, vector<1x2000x128xf32>
    %get3A_8 = vector.shape_cast %get3A_7 : vector<1x2000x128xf32> to vector<2000x128xf32>
    %add3A = arith.addf %get3A_3, %get3A_8 : vector<2000x128xf32>
    %get3A_9 = arith.constant 0 : index
    %get3A_10 = arith.constant 0 : index
    %get3A_11 = vector.load %arg2[%get3A_9, %get3A_10] : memref<2000x1xf32, #tpu.memory_space<vmem>>, vector<2000x1xf32>
    %max3A = arith.constant 1.000000e+00 : f32
    %max3A_12 = vector.broadcast %max3A : f32 to vector<2000x1xf32>
    %max3A_13 = arith.maximumf %get3A_11, %max3A_12 : vector<2000x1xf32>
    %div3A = arith.constant 1.000000e+00 : f32
    %div3A_14 = vector.broadcast %div3A : f32 to vector<2000x1xf32>
    %div3A_15 = arith.divf %div3A_14, %max3A_13 : vector<2000x1xf32>
    %mul3A = vector.broadcast %div3A_15 : vector<2000x1xf32> to vector<2000x128xf32>
    %mul3A_16 = arith.mulf %add3A, %mul3A : vector<2000x128xf32>
    %get3A_17 = arith.constant 0 : index
    %get3A_18 = arith.constant 0 : index
    %get3A_19 = vector.load %arg4[%get3A_17, %get3A_18] : memref<128x128xf32, #tpu.memory_space<vmem>>, vector<128x128xf32>
    %dot_general3A = arith.constant dense<0.000000e+00> : vector<2000x128xf32>
    %dot_general3A_20 = tpu.matmul %mul3A_16, %get3A_19, %dot_general3A {dimension_numbers = #tpu.dot_dimension_numbers<[1], [1], [0], [0], [0, 0, 1, 0], [], []>, transpose_lhs_hint = false} : vector<2000x128xf32>, vector<128x128xf32>, vector<2000x128xf32> -> vector<2000x128xf32>
    %get3A_21 = arith.constant 0 : index
    %get3A_22 = arith.constant 0 : index
    %get3A_23 = vector.load %arg5[%get3A_21, %get3A_22] : memref<1x128xf32, #tpu.memory_space<vmem>>, vector<1x128xf32>
    %add3A_24 = vector.broadcast %get3A_23 : vector<1x128xf32> to vector<2000x128xf32>
    %add3A_25 = arith.addf %dot_general3A_20, %add3A_24 : vector<2000x128xf32>
    %get3A_26 = arith.constant 0 : index
    %get3A_27 = arith.constant 0 : index
    %get3A_28 = vector.load %arg3[%get3A_26, %get3A_27] : memref<2000x128xf32, #tpu.memory_space<vmem>>, vector<2000x128xf32>
    %get3A_29 = arith.constant 0 : index
    %get3A_30 = arith.constant 0 : index
    %get3A_31 = vector.load %arg6[%get3A_29, %get3A_30] : memref<128x128xf32, #tpu.memory_space<vmem>>, vector<128x128xf32>
    %dot_general3A_32 = arith.constant dense<0.000000e+00> : vector<2000x128xf32>
    %dot_general3A_33 = tpu.matmul %get3A_28, %get3A_31, %dot_general3A_32 {dimension_numbers = #tpu.dot_dimension_numbers<[1], [1], [0], [0], [0, 0, 1, 0], [], []>, transpose_lhs_hint = false} : vector<2000x128xf32>, vector<128x128xf32>, vector<2000x128xf32> -> vector<2000x128xf32>
    %add3A_34 = arith.addf %add3A_25, %dot_general3A_33 : vector<2000x128xf32>
    %swap3A = arith.constant 0 : index
    %swap3A_35 = arith.constant 0 : index
    %swap3A_36 = vector.load %arg7[%swap3A, %swap3A_35] : memref<2000x128xf32, #tpu.memory_space<vmem>>, vector<2000x128xf32>
    tpu.vector_store %arg7[%swap3A, %swap3A_35], %add3A_34 {strides = array<i32>} : memref<2000x128xf32, #tpu.memory_space<vmem>>, vector<2000x128xf32>,
    %swap3A_37 = arith.constant 0 : index
    %swap3A_38 = arith.constant 0 : index
    %swap3A_39 = vector.load %arg8[%swap3A_37, %swap3A_38] : memref<2000x1xf32, #tpu.memory_space<vmem>>, vector<2000x1xf32>
    tpu.vector_store %arg8[%swap3A_37, %swap3A_38], %div3A_15 {strides = array<i32>} : memref<2000x1xf32, #tpu.memory_space<vmem>>, vector<2000x1xf32>,
    return
  }
  func.func @transform_0(%arg0: i32) -> (i32, i32, i32) {
    %c0_i32 = arith.constant 0 : i32
    %c0_i32_0 = arith.constant 0 : i32
    %c0_i32_1 = arith.constant 0 : i32
    return %c0_i32, %arg0, %c0_i32_0 : i32, i32, i32
  }
  func.func @transform_1(%arg0: i32) -> (i32, i32) {
    %c0_i32 = arith.constant 0 : i32
    %c0_i32_0 = arith.constant 0 : i32
    return %arg0, %c0_i32 : i32, i32
  }
  func.func @transform_2(%arg0: i32) -> (i32, i32) {
    %c0_i32 = arith.constant 0 : i32
    %c0_i32_0 = arith.constant 0 : i32
    return %arg0, %c0_i32 : i32, i32
  }
  func.func @transform_3(%arg0: i32) -> (i32, i32) {
    %c0_i32 = arith.constant 0 : i32
    %c0_i32_0 = arith.constant 0 : i32
    %c0_i32_1 = arith.constant 0 : i32
    return %c0_i32, %c0_i32_0 : i32, i32
  }
  func.func @transform_4(%arg0: i32) -> (i32, i32) {
    %c0_i32 = arith.constant 0 : i32
    %c0_i32_0 = arith.constant 0 : i32
    %c0_i32_1 = arith.constant 0 : i32
    return %c0_i32, %c0_i32_0 : i32, i32
  }
  func.func @transform_5(%arg0: i32) -> (i32, i32) {
    %c0_i32 = arith.constant 0 : i32
    %c0_i32_0 = arith.constant 0 : i32
    %c0_i32_1 = arith.constant 0 : i32
    return %c0_i32, %c0_i32_0 : i32, i32
  }
  func.func @transform_6(%arg0: i32) -> (i32, i32) {
    %c0_i32 = arith.constant 0 : i32
    %c0_i32_0 = arith.constant 0 : i32
    return %arg0, %c0_i32 : i32, i32
  }
  func.func @transform_7(%arg0: i32) -> (i32, i32) {
    %c0_i32 = arith.constant 0 : i32
    %c0_i32_0 = arith.constant 0 : i32
    return %arg0, %c0_i32 : i32, i32
  }
}

module attributes {stable_mosaic.version = 14 : i64} {
  func.func @_dense1_body(%arg0: i32, %arg1: memref<2x2000x128xf32, #tpu.memory_space<vmem>>, %arg2: memref<2000x1xf32, #tpu.memory_space<vmem>>, %arg3: memref<2000x128xf32, #tpu.memory_space<vmem>>, %arg4: memref<128x128xf32, #tpu.memory_space<vmem>>, %arg5: memref<1x128xf32, #tpu.memory_space<vmem>>, %arg6: memref<128x128xf32, #tpu.memory_space<vmem>>, %arg7: memref<128x256xf32, #tpu.memory_space<vmem>>, %arg8: memref<1x128xf32, #tpu.memory_space<vmem>>, %arg9: memref<40x128xf32, #tpu.memory_space<vmem>>, %arg10: memref<1x40xf32, #tpu.memory_space<vmem>>, %arg11: memref<2000x40xf32, #tpu.memory_space<vmem>>) attributes {dimension_semantics = [#tpu.dimension_semantics<arbitrary>], iteration_bounds = array<i64: 5>, scalar_prefetch = 0 : i64, scratch_operands = 0 : i64, tpu.core_type = #tpu.core_type<tc>, window_params = [{transform_indices = @transform_0, window_bounds = array<i64: 2, 2000, 128>}, {transform_indices = @transform_1, window_bounds = array<i64: 2000, 1>}, {transform_indices = @transform_2, window_bounds = array<i64: 2000, 128>}, {pipeline_mode = #tpu.pipeline_mode<synchronous>, transform_indices = @transform_3, window_bounds = array<i64: 128, 128>}, {pipeline_mode = #tpu.pipeline_mode<synchronous>, transform_indices = @transform_4, window_bounds = array<i64: 1, 128>}, {pipeline_mode = #tpu.pipeline_mode<synchronous>, transform_indices = @transform_5, window_bounds = array<i64: 128, 128>}, {pipeline_mode = #tpu.pipeline_mode<synchronous>, transform_indices = @transform_6, window_bounds = array<i64: 128, 256>}, {pipeline_mode = #tpu.pipeline_mode<synchronous>, transform_indices = @transform_7, window_bounds = array<i64: 1, 128>}, {pipeline_mode = #tpu.pipeline_mode<synchronous>, transform_indices = @transform_8, window_bounds = array<i64: 40, 128>}, {pipeline_mode = #tpu.pipeline_mode<synchronous>, transform_indices = @transform_9, window_bounds = array<i64: 1, 40>}, {transform_indices = @transform_10, window_bounds = array<i64: 2000, 40>}]} {
    %get3A = arith.constant 0 : index
    %get3A_0 = arith.constant 0 : index
    %get3A_1 = arith.constant 0 : index
    %get3A_2 = vector.load %arg1[%get3A, %get3A_0, %get3A_1] : memref<2x2000x128xf32, #tpu.memory_space<vmem>>, vector<1x2000x128xf32>
    %get3A_3 = vector.shape_cast %get3A_2 : vector<1x2000x128xf32> to vector<2000x128xf32>
    %get3A_4 = arith.constant 1 : index
    %get3A_5 = arith.constant 0 : index
    %get3A_6 = arith.constant 0 : index
    %get3A_7 = vector.load %arg1[%get3A_4, %get3A_5, %get3A_6] : memref<2x2000x128xf32, #tpu.memory_space<vmem>>, vector<1x2000x128xf32>
    %get3A_8 = vector.shape_cast %get3A_7 : vector<1x2000x128xf32> to vector<2000x128xf32>
    %add3A = arith.addf %get3A_3, %get3A_8 : vector<2000x128xf32>
    %get3A_9 = arith.constant 0 : index
    %get3A_10 = arith.constant 0 : index
    %get3A_11 = vector.load %arg2[%get3A_9, %get3A_10] : memref<2000x1xf32, #tpu.memory_space<vmem>>, vector<2000x1xf32>
    %mul3A = vector.broadcast %get3A_11 : vector<2000x1xf32> to vector<2000x128xf32>
    %mul3A_12 = arith.mulf %add3A, %mul3A : vector<2000x128xf32>
    %get3A_13 = arith.constant 0 : index
    %get3A_14 = arith.constant 0 : index
    %get3A_15 = vector.load %arg4[%get3A_13, %get3A_14] : memref<128x128xf32, #tpu.memory_space<vmem>>, vector<128x128xf32>
    %dot_general3A = arith.constant dense<0.000000e+00> : vector<2000x128xf32>
    %dot_general3A_16 = tpu.matmul %mul3A_12, %get3A_15, %dot_general3A {dimension_numbers = #tpu.dot_dimension_numbers<[1], [1], [0], [0], [0, 0, 1, 0], [], []>, transpose_lhs_hint = false} : vector<2000x128xf32>, vector<128x128xf32>, vector<2000x128xf32> -> vector<2000x128xf32>
    %get3A_17 = arith.constant 0 : index
    %get3A_18 = arith.constant 0 : index
    %get3A_19 = vector.load %arg5[%get3A_17, %get3A_18] : memref<1x128xf32, #tpu.memory_space<vmem>>, vector<1x128xf32>
    %add3A_20 = vector.broadcast %get3A_19 : vector<1x128xf32> to vector<2000x128xf32>
    %add3A_21 = arith.addf %dot_general3A_16, %add3A_20 : vector<2000x128xf32>
    %get3A_22 = arith.constant 0 : index
    %get3A_23 = arith.constant 0 : index
    %get3A_24 = vector.load %arg3[%get3A_22, %get3A_23] : memref<2000x128xf32, #tpu.memory_space<vmem>>, vector<2000x128xf32>
    %get3A_25 = arith.constant 0 : index
    %get3A_26 = arith.constant 0 : index
    %get3A_27 = vector.load %arg6[%get3A_25, %get3A_26] : memref<128x128xf32, #tpu.memory_space<vmem>>, vector<128x128xf32>
    %dot_general3A_28 = arith.constant dense<0.000000e+00> : vector<2000x128xf32>
    %dot_general3A_29 = tpu.matmul %get3A_24, %get3A_27, %dot_general3A_28 {dimension_numbers = #tpu.dot_dimension_numbers<[1], [1], [0], [0], [0, 0, 1, 0], [], []>, transpose_lhs_hint = false} : vector<2000x128xf32>, vector<128x128xf32>, vector<2000x128xf32> -> vector<2000x128xf32>
    %add3A_30 = arith.addf %add3A_21, %dot_general3A_29 : vector<2000x128xf32>
    %get3A_31 = arith.constant 0 : index
    %get3A_32 = arith.constant 0 : index
    %get3A_33 = vector.load %arg3[%get3A_31, %get3A_32] : memref<2000x128xf32, #tpu.memory_space<vmem>>, vector<2000x128xf32>
    %get3A_34 = arith.constant 0 : index
    %get3A_35 = arith.constant 0 : index
    %get3A_36 = vector.load %arg7[%get3A_34, %get3A_35] : memref<128x256xf32, #tpu.memory_space<vmem>>, vector<128x128xf32>
    %dot_general3A_37 = arith.constant dense<0.000000e+00> : vector<2000x128xf32>
    %dot_general3A_38 = tpu.matmul %get3A_33, %get3A_36, %dot_general3A_37 {dimension_numbers = #tpu.dot_dimension_numbers<[1], [1], [0], [0], [0, 0, 1, 0], [], []>, transpose_lhs_hint = false} : vector<2000x128xf32>, vector<128x128xf32>, vector<2000x128xf32> -> vector<2000x128xf32>
    %get3A_39 = arith.constant 0 : index
    %get3A_40 = arith.constant 128 : index
    %get3A_41 = vector.load %arg7[%get3A_39, %get3A_40] : memref<128x256xf32, #tpu.memory_space<vmem>>, vector<128x128xf32>
    %dot_general3A_42 = arith.constant dense<0.000000e+00> : vector<2000x128xf32>
    %dot_general3A_43 = tpu.matmul %add3A_30, %get3A_41, %dot_general3A_42 {dimension_numbers = #tpu.dot_dimension_numbers<[1], [1], [0], [0], [0, 0, 1, 0], [], []>, transpose_lhs_hint = false} : vector<2000x128xf32>, vector<128x128xf32>, vector<2000x128xf32> -> vector<2000x128xf32>
    %add3A_44 = arith.addf %dot_general3A_38, %dot_general3A_43 : vector<2000x128xf32>
    %get3A_45 = arith.constant 0 : index
    %get3A_46 = arith.constant 0 : index
    %get3A_47 = vector.load %arg8[%get3A_45, %get3A_46] : memref<1x128xf32, #tpu.memory_space<vmem>>, vector<1x128xf32>
    %add3A_48 = vector.broadcast %get3A_47 : vector<1x128xf32> to vector<2000x128xf32>
    %add3A_49 = arith.addf %add3A_44, %add3A_48 : vector<2000x128xf32>
    %max3A = arith.constant 0.000000e+00 : f32
    %max3A_50 = vector.broadcast %max3A : f32 to vector<2000x128xf32>
    %max3A_51 = arith.maximumf %add3A_49, %max3A_50 : vector<2000x128xf32>
    %get3A_52 = arith.constant 0 : index
    %get3A_53 = arith.constant 0 : index
    %get3A_54 = vector.load %arg9[%get3A_52, %get3A_53] : memref<40x128xf32, #tpu.memory_space<vmem>>, vector<40x128xf32>
    %dot_general3A_55 = arith.constant dense<0.000000e+00> : vector<2000x40xf32>
    %dot_general3A_56 = tpu.matmul %max3A_51, %get3A_54, %dot_general3A_55 {dimension_numbers = #tpu.dot_dimension_numbers<[1], [1], [0], [0], [0, 0, 1, 0], [], []>, transpose_lhs_hint = false} : vector<2000x128xf32>, vector<40x128xf32>, vector<2000x40xf32> -> vector<2000x40xf32>
    %get3A_57 = arith.constant 0 : index
    %get3A_58 = arith.constant 0 : index
    %get3A_59 = vector.load %arg10[%get3A_57, %get3A_58] : memref<1x40xf32, #tpu.memory_space<vmem>>, vector<1x40xf32>
    %add3A_60 = vector.broadcast %get3A_59 : vector<1x40xf32> to vector<2000x40xf32>
    %add3A_61 = arith.addf %dot_general3A_56, %add3A_60 : vector<2000x40xf32>
    %reduce_max3A = arith.constant dense<0xFF800000> : vector<2000xf32>
    %reduce_max3A_62 = vector.multi_reduction <maximumf>, %add3A_61, %reduce_max3A [1] : vector<2000x40xf32> to vector<2000xf32>
    %broadcast_in_dim3A = vector.shape_cast %reduce_max3A_62 : vector<2000xf32> to vector<2000x1xf32>
    %sub3A = vector.broadcast %broadcast_in_dim3A : vector<2000x1xf32> to vector<2000x40xf32>
    %sub3A_63 = arith.subf %add3A_61, %sub3A : vector<2000x40xf32>
    %exp3A = math.exp %sub3A_63 : vector<2000x40xf32>
    %reduce_sum3A = arith.constant dense<0.000000e+00> : vector<2000xf32>
    %reduce_sum3A_64 = vector.multi_reduction <add>, %exp3A, %reduce_sum3A [1] : vector<2000x40xf32> to vector<2000xf32>
    %broadcast_in_dim3A_65 = vector.shape_cast %reduce_sum3A_64 : vector<2000xf32> to vector<2000x1xf32>
    %log3A = math.log %broadcast_in_dim3A_65 : vector<2000x1xf32>
    %sub3A_66 = vector.broadcast %broadcast_in_dim3A : vector<2000x1xf32> to vector<2000x40xf32>
    %sub3A_67 = arith.subf %add3A_61, %sub3A_66 : vector<2000x40xf32>
    %sub3A_68 = vector.broadcast %log3A : vector<2000x1xf32> to vector<2000x40xf32>
    %sub3A_69 = arith.subf %sub3A_67, %sub3A_68 : vector<2000x40xf32>
    %swap3A = arith.constant 0 : index
    %swap3A_70 = arith.constant 0 : index
    %swap3A_71 = vector.load %arg11[%swap3A, %swap3A_70] : memref<2000x40xf32, #tpu.memory_space<vmem>>, vector<2000x40xf32>
    tpu.vector_store %arg11[%swap3A, %swap3A_70], %sub3A_69 {strides = array<i32>} : memref<2000x40xf32, #tpu.memory_space<vmem>>, vector<2000x40xf32>,
    return
  }
  func.func @transform_0(%arg0: i32) -> (i32, i32, i32) {
    %c0_i32 = arith.constant 0 : i32
    %c0_i32_0 = arith.constant 0 : i32
    %c0_i32_1 = arith.constant 0 : i32
    return %c0_i32, %arg0, %c0_i32_0 : i32, i32, i32
  }
  func.func @transform_1(%arg0: i32) -> (i32, i32) {
    %c0_i32 = arith.constant 0 : i32
    %c0_i32_0 = arith.constant 0 : i32
    return %arg0, %c0_i32 : i32, i32
  }
  func.func @transform_2(%arg0: i32) -> (i32, i32) {
    %c0_i32 = arith.constant 0 : i32
    %c0_i32_0 = arith.constant 0 : i32
    return %arg0, %c0_i32 : i32, i32
  }
  func.func @transform_3(%arg0: i32) -> (i32, i32) {
    %c0_i32 = arith.constant 0 : i32
    %c0_i32_0 = arith.constant 0 : i32
    %c0_i32_1 = arith.constant 0 : i32
    return %c0_i32, %c0_i32_0 : i32, i32
  }
  func.func @transform_4(%arg0: i32) -> (i32, i32) {
    %c0_i32 = arith.constant 0 : i32
    %c0_i32_0 = arith.constant 0 : i32
    %c0_i32_1 = arith.constant 0 : i32
    return %c0_i32, %c0_i32_0 : i32, i32
  }
  func.func @transform_5(%arg0: i32) -> (i32, i32) {
    %c0_i32 = arith.constant 0 : i32
    %c0_i32_0 = arith.constant 0 : i32
    %c0_i32_1 = arith.constant 0 : i32
    return %c0_i32, %c0_i32_0 : i32, i32
  }
  func.func @transform_6(%arg0: i32) -> (i32, i32) {
    %c0_i32 = arith.constant 0 : i32
    %c0_i32_0 = arith.constant 0 : i32
    %c0_i32_1 = arith.constant 0 : i32
    return %c0_i32, %c0_i32_0 : i32, i32
  }
  func.func @transform_7(%arg0: i32) -> (i32, i32) {
    %c0_i32 = arith.constant 0 : i32
    %c0_i32_0 = arith.constant 0 : i32
    %c0_i32_1 = arith.constant 0 : i32
    return %c0_i32, %c0_i32_0 : i32, i32
  }
  func.func @transform_8(%arg0: i32) -> (i32, i32) {
    %c0_i32 = arith.constant 0 : i32
    %c0_i32_0 = arith.constant 0 : i32
    %c0_i32_1 = arith.constant 0 : i32
    return %c0_i32, %c0_i32_0 : i32, i32
  }
  func.func @transform_9(%arg0: i32) -> (i32, i32) {
    %c0_i32 = arith.constant 0 : i32
    %c0_i32_0 = arith.constant 0 : i32
    %c0_i32_1 = arith.constant 0 : i32
    return %c0_i32, %c0_i32_0 : i32, i32
  }
  func.func @transform_10(%arg0: i32) -> (i32, i32) {
    %c0_i32 = arith.constant 0 : i32
    %c0_i32_0 = arith.constant 0 : i32
    return %arg0, %c0_i32 : i32, i32
  }
}

</mosaic_0001>

<sc_bundles>
// kernel: kernel.6.cloned.1.call-start
scs
__scs_entry_jumppad:
0x0: {  	(pc) =	sbr.rel $0x88, $3  }
0x1: {  	(tag) =	ssettag $0x0;
	lr =	simm.s32 $0x1  }
0x2: {  	[smem:$0x3F95] =	sst lr;
	_ =	strace $0xD0000000  }
0x3: {  	_ = 	snop  }
0x4: {  	_ = 	snop  }
0x5: {  	_ = 	snop  }
0x6: {  	_ = 	snop  }
0x7: {  	_ = 	snop  }
__scs_overlays_trampoline_lowered:
0x8: {  	[smem:$0x3FA4] =	sst s0  }
0x9: {  	[smem:$0x3FA5] =	sst s1  }
0xa: {  	[smem:$0x3FA6] =	sst s2  }
0xb: {  	[smem:$0x3FA7] =	sst s3  }
0xc: {  	[smem:$0x3FA8] =	sst s4  }
0xd: {  	[smem:$0x3FA9] =	sst s5  }
0xe: {  	[smem:$0x3FAA] =	sst s6  }
0xf: {  	[smem:$0x3FAB] =	sst s7  }
0x10: {  	[smem:$0x3FAC] =	sst s8  }
0x11: {  	[smem:$0x3FAD] =	sst s9;
	s0 =	simm.s32 @!p0 $0x0  }
0x12: {  	s1 =	sld [smem:$0x3F93];
	s0 =	simm.s32 @p0 $0x1  }
0x13: {  	[smem:$0x3FAE] =	sst s0;
	s0 =	simm.s32 @!p1 $0x0  }
0x14: {  	s2 =	sld [smem:$0x3F92];
	s0 =	simm.s32 @p1 $0x1  }
0x15: {  	[smem:$0x3FAF] =	sst s0;
	s0 =	simm.s32 @!p2 $0x0  }
0x16: {  	s3 =	sld [smem:$0x3FDB];
	s0 =	simm.s32 @p2 $0x1  }
0x17: {  	s4 =	simm.s32 $0x1BF5;
	[smem:$0x3FB1] =	sst s0  }
0x18: {  	s0 =	sld [smem:$0x3F94];
	_ =	swait.ge [sflag:s4], $0x0  }
0x19: {  	s7 =	sld [smem:$0x3F95]  }
0x1a: {  	s8 =	sadd.s32 $0xFFFFE003, lr  }
0x1b: {  	s9 =	sadd.s32 $0xFFFFFEF7, lr;
	s5 =	simm.s32 $0xFFFFFFFF;
	p2 =	slt.u32 s8, $0xFFFFF086  }
0x1c: {  	p1 =	slt.u32 s9, $0xF7A;
	s5 =	simm.s32 @!p2 $0x0  }
0x1d: {  	s5 =	simm.s32 @p1 $0x1;
	p0 =	seq.s32 s7, s2  }
0x1e: {  	s7 =	smul.u32 @!p0 $0xF7A, s2;
	p2 =	seq.s32 @!p0 s5, $0x0  }
0x1f: {  	s9 =	smul.u32 $0xF7A, s1;
	s8 =	simm.s32 @!p0 $0x1BF5;
	p2 =	por !p2, p0  }
0x20: {  	[sflag:s8] =	ssyncset.s32 @!p0 $0xFFFFF086;
	s6 =	sadd.s32 @!p0 s3, s7;
	s7 =	simm.s32 @!p0 $0x108  }
0x21: {  	s3 =	sadd.s32 s3, s9;
	s6 =	sadd.s32 @!p0 $0x88, s6;
	s7 =	simm.s32 @p2 $0x1082  }
0x22: {  	[simem:s7], [sflag:s8] =	dma.local @!p0 [hbm:s6], $0xF7A  }
0x23: {  	s9 =	sor.u32 $0xD0000000, s2;
	s6 =	simm.s32 $0x108;
	_ =	swait.ge @!p0 [sflag:s8], $0x0  }
0x24: {  	s3 =	sadd.s32 $0x88, s3;
	s6 =	simm.s32 @!p1 $0x1082;
	[sflag:s4] =	ssyncset.s32 $0xFFFFF086  }
0x25: {  	[simem:s6], [sflag:s4] =	dma.local [hbm:s3], $0xF7A  }
0x26: {  	[smem:$0x3F95] =	sst s1;
	(tag) =	ssettag s2;
	_ =	strace s9  }
0x27: {  	s1 =	sld [smem:$0x3FA5]  }
0x28: {  	s2 =	sld [smem:$0x3FA6]  }
0x29: {  	s4 =	sld [smem:$0x3FA8]  }
0x2a: {  	p0 =	seq.s32 s5, $0x0;
	s5 =	sld [smem:$0x3FA9]  }
0x2b: {  	s6 =	sld [smem:$0x3FAA]  }
0x2c: {  	s7 =	sld [smem:$0x3FAB]  }
0x2d: {  	s3 =	simm.s32 $0x108;
	s8 =	sld [smem:$0x3FAC]  }
0x2e: {  	s3 =	simm.s32 @!p0 $0x1082;
	s9 =	sld [smem:$0x3FAD]  }
0x2f: {  	lr =	sadd.s32 s0, s3;
	s0 =	sld [smem:$0x3FA4]  }
0x30: {  	s3 =	sld [smem:$0x3FA7]  }
0x31: {  	[smem:$0x3FB0] =	sst s10  }
0x32: {  	s10 =	sld [smem:$0x3FAE];
	_ =	sdelay $0x3  }
0x33: {  	p0 =	seq.s32 s10, $0x1;
	s10 =	sld [smem:$0x3FB0];
	_ =	sdelay $0x3  }
0x34: {  	[smem:$0x3FB0] =	sst s10  }
0x35: {  	s10 =	sld [smem:$0x3FAF];
	_ =	sdelay $0x3  }
0x36: {  	p1 =	seq.s32 s10, $0x1;
	s10 =	sld [smem:$0x3FB0];
	_ =	sdelay $0x3  }
0x37: {  	[smem:$0x3FB0] =	sst s10  }
0x38: {  	s10 =	sld [smem:$0x3FB1]  }
0x39: {  	_ = 	snop;
	(pc) =	sbr.ind lr, $3  }
0x3a: {  	_ = 	snop  }
0x3b: {  	_ = 	snop  }
0x3c: {  	p2 =	seq.s32 s10, $0x1;
	s10 =	sld [smem:$0x3FB0]  }
0x3d: {  	_ =	shalt  }
0x3e: {  	_ =	shalt  }
0x3f: {  	_ =	shalt  }
0x40: {  	_ =	shalt  }
0x41: {  	_ =	shalt  }
0x42: {  	_ =	shalt  }
0x43: {  	_ =	shalt  }
0x44: {  	_ =	shalt  }
0x45: {  	_ =	shalt  }
0x46: {  	_ =	shalt  }
0x47: {  	_ =	shalt  }
0x48: {  	_ =	shalt  }
0x49: {  	_ =	shalt  }
0x4a: {  	_ =	shalt  }
0x4b: {  	_ =	shalt  }
0x4c: {  	_ =	shalt  }
0x4d: {  	_ =	shalt  }
0x4e: {  	_ =	shalt  }
0x4f: {  	_ =	shalt  }
0x50: {  	_ =	shalt  }
0x51: {  	_ =	shalt  }
0x52: {  	_ =	shalt  }
0x53: {  	_ =	shalt  }
0x54: {  	_ =	shalt  }
0x55: {  	_ =	shalt  }
0x56: {  	_ =	shalt  }
0x57: {  	_ =	shalt  }
0x58: {  	_ =	shalt  }
0x59: {  	_ =	shalt  }
0x5a: {  	_ =	shalt  }
0x5b: {  	_ =	shalt  }
0x5c: {  	_ =	shalt  }
0x5d: {  	_ =	shalt  }
0x5e: {  	_ =	shalt  }
0x5f: {  	_ =	shalt  }
0x60: {  	_ =	shalt  }
0x61: {  	_ =	shalt  }
0x62: {  	_ =	shalt  }
0x63: {  	_ =	shalt  }
0x64: {  	_ =	shalt  }
0x65: {  	_ =	shalt  }
0x66: {  	_ =	shalt  }
0x67: {  	_ =	shalt  }
0x68: {  	_ =	shalt  }
0x69: {  	_ =	shalt  }
0x6a: {  	_ =	shalt  }
0x6b: {  	_ =	shalt  }
0x6c: {  	_ =	shalt  }
0x6d: {  	_ =	shalt  }
0x6e: {  	_ =	shalt  }
0x6f: {  	_ =	shalt  }
0x70: {  	_ =	shalt  }
0x71: {  	_ =	shalt  }
0x72: {  	_ =	shalt  }
0x73: {  	_ =	shalt  }
0x74: {  	_ =	shalt  }
0x75: {  	_ =	shalt  }
0x76: {  	_ =	shalt  }
0x77: {  	_ =	shalt  }
0x78: {  	_ =	shalt  }
0x79: {  	_ =	shalt  }
0x7a: {  	_ =	shalt  }
0x7b: {  	_ =	shalt  }
0x7c: {  	_ =	shalt  }
0x7d: {  	_ =	shalt  }
0x7e: {  	_ =	shalt  }
0x7f: {  	_ =	shalt  }
0x80: {  	_ =	shalt  }
0x81: {  	_ =	shalt  }
0x82: {  	_ =	shalt  }
0x83: {  	_ =	shalt  }
0x84: {  	_ =	shalt  }
0x85: {  	_ =	shalt  }
0x86: {  	_ =	shalt  }
0x87: {  	_ =	shalt  }
.Lfunc_end0:
.L_simem_size_0:
called_computation_lowered:
.L_overlay_start_0:
0x88: {  	s2 =	sld [smem:$0x3FD9]  }
0x89: {  	s3 =	sld [smem:$0x3FFE];
	_ =	sdelay $0x1  }
0x8a: {  	s1 =	srdreg.scid  }
0x8b: {  	s0 =	sand.u32 $0x1, s1  }
0x8c: {  	s17 =	sshll.u32 s0, $0xA;
	s2 =	sadd.s32 s3, s2  }
0x8d: {  	s2 =	sadd.s32 s2, s17  }
0x8e: {  	[smem:$0x3FBC] =	sst s2  }
0x8f: {  	_ = 	snop  }
0x90: {  	s2 =	sld [smem:$0x3FC9]  }
0x91: {  	s18 =	sld [smem:$0x3FD0];
	(tm) =	ssettm $0x1  }
0x92: {  	s4 =	sld [smem:$0x3FFB];
	_ =	sdelay $0x3  }
0x93: {  	_ =	strace s4  }
0x94: {  	s4 =	sld [smem:$0x3FFC];
	_ =	sdelay $0x3  }
0x95: {  	_ =	strace s4  }
0x96: {  	s4 =	sld [smem:$0x3FFD];
	_ =	sdelay $0x3  }
0x97: {  	_ =	strace s4  }
0x98: {  	_ =	strace $0x8FFFFFFF  }
0x99: {  	s19 =	sld [smem:$0x3FDB];
	_ =	sdelay $0x1  }
0x9a: {  	s5 =	simm.s32 $_scs_section_size  }
0x9b: {  	s6 =	simm.s32 $_size__tile_overlayer_lowered;
	s7 =	simm.s32 $_tile_overlayer_lowered  }
0x9c: {  	s22 =	simm.s32 $0x1BFF;
	s21 =	sshll.u32 s7, $0x1;
	s4 =	sadd.s32 s5, s19  }
0x9d: {  	s8 =	simm.s32 $0x0;
	s20 =	sshll.u32 s6, $0x1;
	s6 =	sadd.s32 s21, s4  }
0x9e: {  	[timem:s8], [sflag:s22] =	dma.local [hbm:s6], s20  }
0x9f: {  	_ =	swait.ge [sflag:s22], s20  }
0xa0: {  	s5 =	ssub.s32 $0x0, s20;
	[sflag:s22] =	ssyncset.done $0x0  }
0xa1: {  	[sflag:s22] =	ssyncadd.s32 s5;
	_ =	sdelay $0x1  }
0xa2: {  	s23 =	simm.s32 $0x1B8B  }
0xa3: {  	_ =	swait.ge [sflag:s23], $0x1  }
0xa4: {  	[sflag:s23] =	ssyncset.done $0x0  }
0xa5: {  	s25 =	simm.s32 $0x1B8E;
	s24 =	sld [smem:$0x3FFE];
	[sflag:s23] =	ssyncadd.s32 $0xFFFFFFFF  }
0xa6: {  	s26 =	simm.s32 $execute0_lowered;
	[smem:$0x3FD2] =	sst s25  }
0xa7: {  	s6 =	sshll.u32 s26, $0x1;
	_ =	strace $0x80000046;
	[dreg:$0x1] =	wrdreg $0xFFFFFFFF  }
0xa8: {  	s28 =	simm.s32 $_size_execute0_lowered;
	s4 =	sadd.s32 s4, s6;
	[dreg:$0x0] =	wrdreg $0x0  }
0xa9: {  	s6 =	sshll.u32 s28, $0x1;
	[dreg:$0x2] =	wrdreg s4  }
0xaa: {  	[dreg:$0x3] =	wrdreg s6  }
0xab: {  	[dreg:$0x4] =	wrdreg $0xC0  }
0xac: {  	_ =	task [dreg:s8], $0x5FFFF  }
0xad: {  	[dreg:$0x1] =	wrdreg $0xFFFFFFFF  }
0xae: {  	[dreg:$0x0] =	wrdreg $0x60  }
0xaf: {  	[dreg:$0x2] =	wrdreg s2  }
0xb0: {  	[dreg:$0x3] =	wrdreg s24  }
0xb1: {  	[dreg:$0x4] =	wrdreg s18  }
0xb2: {  	[dreg:$0x5] =	wrdreg $0x0  }
0xb3: {  	[dreg:$0x6] =	wrdreg $0x1EC000  }
0xb4: {  	[dreg:$0x7] =	wrdreg $0x9  }
0xb5: {  	_ =	task.clear_ibuf [dreg:s8], $0x8FFFF;
	_ =	strace $0x90000046  }
0xb6: {  	s29 =	simm.s32 $0x9;
	_ =	strace $0x80000048  }
0xb7: {  	_ =	swait.ge [sflag:s29], $0x1  }
0xb8: {  	[sflag:s29] =	ssyncadd.s32 $0xFFFFFFFF  }
0xb9: {  	_ =	strace $0x90000048  }
0xba: {  	_ =	sfence  }
0xbb: {  	s30 =	sld [smem:$0x0];
	_ =	sdelay $0x2  }
0xbc: {  	s31 =	sshll.u32 s1, $0xD;
	s1 =	sshrl.u32 s1, $0x2  }
0xbd: {  	s3 =	sand.u32 $0x4000, s31;
	s1 =	sadd.s32 s1, s30  }
0xbe: {  	s0 =	sor.u32 s3, s0;
	s1 =	sshll.u32 s1, $0x11  }
0xbf: {  	s0 =	sor.u32 s1, s0  }
0xc0: {  	s0 =	sadd.s32 $0x8F2B, s0  }
0xc1: {  	[sflag:s0] =	ssyncadd.remote.s32 $0x1  }
0xc2: {  	_ =	sfence.sel $0xFFFF  }
0xc3: {  	[dreg:$0x0] =	wrdreg $0xFFFFFFFF;
	(pc) =	sbr.abs _section_cstart, $3  }
0xc4: {  	[dreg:$0x1] =	wrdreg $0xFFFFFFFF  }
0xc5: {  	_ =	task.clear_ibuf [dreg:s8], $0x2FFFF;
	_ =	strace $0x9FFFFFFF  }
0xc6: {  	(tm) =	ssettm $0x7FFFFFFF  }
0xc7: {  	_ =	shalt  }
tec
execute0_lowered:
.L_overlay_start_1:
0x0: {  	(tag) =	ssettag $0x1  }
0x1: {  	s0 =	rddreg [dreg:$0x0]  }
0x2: {  	s1 =	rddreg [dreg:$0x1]  }
0x3: {  	s4 =	rddreg [dreg:$0x3]  }
0x4: {  	s2 =	srdreg.scid;
	s12 =	stileid.u32  }
0x5: {  	s3 =	rddreg [dreg:$0x4];
	s5 =	simm.s32 $0x0;
	s7 =	smul.u32 $0x14000, s12  }
0x6: {  	s28 =	simm.s32 $0x80;
	s30 =	simm.s32 $0x1;
	s15 =	smul.u32 $0x500, s12  }
0x7: {  	s31 =	simm.s32 $0x1C400;
	s2 =	sand.u32 $0x1, s2;
	s10 =	smul.u32 $0x50000, s12  }
0x8: {  	[smem:$0x7FF] =	sst s5;
	s19 =	sadd.s32 $0x2E00, s1;
	s20 =	smul.u32 $0x2700, s12  }
0x9: {  	s25 =	sshll.u32 s12, $0x6;
	s14 =	sshll.u32 s12, $0x7;
	s21 =	smul.u32 $0x4E, s12  }
0xa: {  	p6 =	sgt.u32 s12, $0x1;
	s6 =	smul.u32 $0x140000, s2;
	_ =	strace $0x80000047  }
0xb: {  	s22 =	sshll.u32 s2, $0x7;
	s8 =	sshll.u32 s2, $0x4;
	s17 =	smul.u32 $0x27000, s2  }
0xc: {  	s9 =	ssub.s32 $0x2, s2;
	s2 =	smul.u32 $0x4E0, s2;
	s8 =	sor.u32 s12, s8  }
0xd: {  	s23 =	sshrl.u32 s9, $0x1;
	s24 =	sshrl.u32 s10, $0x2;
	s10 =	simm.s32 $0x9E00  }
0xe: {  	s6 =	sadd.s32 s7, s6;
	s7 =	sor.u32 s22, s15;
	s11 =	smul.u32 $0x4E, s8  }
0xf: {  	s18 =	ssub.s32 s9, s23;
	s16 =	smin.u32 s8, $0x4;
	p0 =	slt.u32 s8, $0x4  }
0x10: {  	s22 =	sadd.s32 s14, s3;
	s15 =	sadd.s32 s15, s3;
	s17 =	sadd.s32 s20, s17  }
0x11: {  	s23 =	sand.u32 $0xE, s12;
	s2 =	sadd.s32 s21, s2;
	s21 =	simm.s32 $0x5  }
0x12: {  	s6 =	sshrl.u32 s6, $0x3;
	s7 =	sshrl.u32 s7, $0x3;
	s10 =	simm.s32 @!p0 $0x9C00  }
0x13: {  	[dreg:$0xc] =	wrdreg s22;
	s2 =	sadd.s32 s16, s2;
	s18 =	smax.u32 s18, $0x1  }
0x14: {  	p3 =	sne.s32 s23, $0x8;
	p4 =	sne.s32 s23, $0xA;
	p5 =	sne.s32 s23, $0xC  }
0x15: {  	s6 =	sadd.s32 s6, s1;
	s1 =	sadd.s32 s7, s1;
	s7 =	sadd.s32 s24, s4  }
0x16: {  	s26 =	sadd.s32 s16, s11;
	[dreg:$0x6] =	wrdreg s10;
	s24 =	sshll.u32 s16, $0x7  }
0x17: {  	s2 =	sshll.u32 s2, $0x4;
	[dreg:$0x7] =	wrdreg s7;
	s9 =	sshll.u32 s26, $0x4  }
0x18: {  	s7 =	sor.u32 $0x1C05, s25;
	s6 =	sadd.s32 $0x17200, s6;
	s17 =	sadd.s32 s24, s17  }
0x19: {  	s2 =	sadd.s32 s19, s2;
	s8 =	sadd.s32 s19, s9;
	[dreg:$0xb] =	wrdreg s6  }
0x1a: {  	s6 =	sand.u32 $0x80, s14;
	s25 =	sadd.s32 $0x4E300, s17;
	s11 =	sadd.s32 $0x10, s8  }
0x1b: {  	s17 =	sadd.s32 $0x16800, s1;
	[dreg:$0x9] =	wrdreg s11;
	s11 =	simm.s32 $0x4E  }
0x1c: {  	s10 =	sadd.s32 $0x9C40, s8;
	s11 =	simm.s32 @!p0 $0x4D;
	p0 =	sne.s32 s23, $0x2  }
0x1d: {  	s13 =	sadd.s32 $0x9C50, s8;
	s16 =	sadd.s32 s6, s3;
	s1 =	simm.s32 @!p0 $0x0  }
0x1e: {  	s26 =	sshrl.u32 s25, $0x3;
	s1 =	simm.s32 @p0 $0x1;
	p0 =	sne.s32 s23, $0x4  }
0x1f: {  	s25 =	sadd.s32 $0x20, s2;
	[smem:$0x7FB] =	sst s1;
	s1 =	simm.s32 @!p0 $0x0  }
0x20: {  	[dreg:$0x8] =	wrdreg s10;
	s1 =	simm.s32 @p0 $0x1;
	p0 =	sne.s32 s23, $0x6  }
0x21: {  	s2 =	simm.s32 $0x1F100;
	[smem:$0x7FC] =	sst s1;
	s1 =	simm.s32 @!p0 $0x0  }
0x22: {  	[dreg:$0xa] =	wrdreg s13;
	s29 =	sadd.s32 s26, s19;
	s1 =	simm.s32 @p0 $0x1  }
0x23: {  	v0 =	vimm.f32 $0.0e+00;
	s26 =	simm.s32 $0x2;
	p0 =	slt.u32 s12, $0xE;
	[smem:$0x7FD] =	sst s1  }
.LBB2_1:
0x24: {  	s1 =	rddreg [dreg:$0x7]  }
0x25: {  	s24 =	rddreg [dreg:$0x2];
	s23 =	sshrl.u32 s1, $0x3  }
0x26: {  	[spmem:s23], [sflag:s7] =	dma.local [hbm:s24], $0x2800  }
0x27: {  	_ =	swait.ge [sflag:s21], $0x2800  }
0x28: {  	[sflag:s21] =	ssyncset.done $0x0  }
0x29: {  	s3 =	simm.s32 $0x0;
	s1 =	simm.s32 $0x40;
	[sflag:s21] =	ssyncadd.s32 $0xFFFFD800  }
.LBB2_2:
0x2a: {  	p1 =	sne.s32 s1, $0x9FC0;
	[tilespmem:s3+$0x1C400] =	vst v0;
	s3 =	smov.u32 s1;
	s1 =	sadd.s32 $0x40, s1  }
.Ltmp0:
0x2b: {  	(pc) =	sbr.rel @p1 .LBB2_2-.Ltmp0, $2  }
0x2c: {  	_ =	sdelay $0x2  }
0x2d: {  	s3 =	sshra.s32 s3, $0x2  }
0x2e: {  	[tilespmem:s3+$0x1C400] =	vst v0  }
0x2f: {  	s24 =	simm.s32 $0x0;
	s12 =	simm.s32 $0x14000;
	[bflag:$0x0] =	sbarrier.arrive $0xFFFF  }
0x30: {  	[tilespmem:s12], [sflag:$0x2] =	stream.linear.gather [hbm4b:s8+s24], $0x80, $0x38;
	[tilespmem:$0x1F880] =	vst v63  }
0x31: {  	s6 =	simm.s32 $0x14200;
	s1 =	rddreg [dreg:$0x8]  }
0x32: {  	[tilespmem:s6], [sflag:$0x2] =	stream.linear.gather [hbm4b:s1+s24], $0x80, $0x38;
	[tilespmem:$0x1F880] =	vst v63  }
0x33: {  	s14 =	simm.s32 $0x14080;
	s13 =	rddreg [dreg:$0x9]  }
0x34: {  	[tilespmem:s14], [sflag:$0x3] =	stream.linear.gather [hbm4b:s13+s24], $0x80, $0x38;
	[tilespmem:$0x1F880] =	vst v63  }
0x35: {  	s20 =	simm.s32 $0x14280;
	s19 =	rddreg [dreg:$0xa]  }
0x36: {  	[tilespmem:s20], [sflag:$0x3] =	stream.linear.gather [hbm4b:s19+s24], $0x80, $0x38;
	[tilespmem:$0x1F880] =	vst v63  }
0x37: {  	_ =	swait.ge [sflag:s26], $0x80  }
0x38: {  	[sflag:s26] =	ssyncset.done $0x0  }
0x39: {  	[sflag:s26] =	ssyncadd.s32 $0xFFFFFF80  }
0x3a: {  	s22 =	simm.s32 $0x14400;
	_ =	swait.ge [sflag:s26], $0x80  }
0x3b: {  	s3 =	simm.s32 $0x0;
	s1 =	simm.s32 $0x1;
	[sflag:s26] =	ssyncset.done $0x0  }
0x3c: {  	s20 =	smov.u32 s25;
	s19 =	smov.u32 s29;
	[sflag:s26] =	ssyncadd.s32 $0xFFFFFF80  }
0x3d: {  	[tilespmem:s22], [sflag:$0x1] =	stream.indirect.gather [hbm4b:s0+s28], $0x80, s12, s28, $0xb8;
	[tilespmem:$0x1F880] =	vst v63  }
.LBB2_4:
0x3e: {  	s6 =	sadd.s32 $0x1, s1  }
0x3f: {  	p2 =	sgt.u32 s6, s11  }
0x40: {  	s10 =	sadd.s32 $0xFFFFFFFF, s1;
	s9 =	smul.u32 @!p2 $0xAB, s6  }
0x41: {  	p1 =	sge.u32 s10, s11  }
0x42: {  	s13 =	sand.u32 @!p1 $0xFF, s1;
	s9 =	sshrl.u32 @!p2 s9, $0x9  }
0x43: {  	s13 =	smul.u32 @!p1 $0xAB, s13;
	s9 =	sand.u32 @!p2 $0x7F, s9  }
0x44: {  	s9 =	smul.u32 @!p2 $0x3, s9;
	_ =	sdelay $0x1  }
0x45: {  	_ =	swait.ge [sflag:s30], $0x4000;
	s13 =	sshrl.u32 @!p1 s13, $0x9;
	s9 =	ssub.s32 @!p2 s6, s9  }
0x46: {  	[sflag:s30] =	ssyncset.done $0x0;
	s13 =	smul.u32 @!p1 $0x3, s13;
	s9 =	sand.u32 @!p2 $0xFF, s9  }
0x47: {  	[sflag:s30] =	ssyncadd.s32 $0xFFFFC000;
	s12 =	sadd.s32 @!p2 $0x2, s9;
	s9 =	sshll.u32 @!p2 s9, $0x7  }
0x48: {  	s22 =	simm.s32 @!p2 $0x0;
	s1 =	ssub.s32 @!p1 s1, s13;
	s14 =	sor.u32 @!p2 $0x14000, s9  }
0x49: {  	[tilespmem:s14], [sflag:s12] =	stream.linear.gather @!p2 [hbm4b:s20+s22], $0x80, $0x38;
	[tilespmem:$0x1F880] =	vst v63  }
0x4a: {  	s1 =	sand.u32 @!p1 $0xFF, s1;
	s9 =	sor.u32 @!p2 $0x14200, s9  }
0x4b: {  	[tilespmem:s9], [sflag:s12] =	stream.linear.gather @!p2 [hbm4b:s19+s22], $0x80, $0x38;
	[tilespmem:$0x1F880] =	vst v63  }
0x4c: {  	s12 =	sadd.s32 @!p1 $0x2, s1  }
0x4d: {  	_ =	swait.ge @!p1 [sflag:s12], $0x80  }
0x4e: {  	s22 =	smulhi.u32 $0xAAAAAAAB, s3;
	[sflag:s12] =	ssyncset.done @!p1 $0x0  }
0x4f: {  	[sflag:s12] =	ssyncadd.s32 @!p1 $0xFFFFFF80  }
0x50: {  	s10 =	sand.u32 $0x1, s10;
	s9 =	sshrl.u32 s22, $0x1;
	_ =	swait.ge @!p1 [sflag:s12], $0x80  }
0x51: {  	s13 =	simm.s32 @!p1 $0x80;
	s9 =	smul.u32 $0xFFFFFA00, s9;
	[sflag:s12] =	ssyncset.done @!p1 $0x0  }
0x52: {  	s1 =	sshll.u32 @!p1 s1, $0x7;
	[sflag:s12] =	ssyncadd.s32 @!p1 $0xFFFFFF80;
	s12 =	sshll.u32 @!p1 s10, $0xE  }
0x53: {  	s1 =	sor.u32 @!p1 $0x14000, s1;
	s9 =	sshra.s32 s9, $0x2;
	s12 =	ssub.s32 @!p1 $0x18400, s12  }
0x54: {  	[tilespmem:s12], [sflag:$0x1] =	stream.indirect.gather @!p1 [hbm4b:s0+s13], $0x80, s1, s13, $0xb8;
	[tilespmem:$0x1F880] =	vst v63  }
0x55: {  	s14 =	sshra.s32 s24, $0x2;
	s12 =	sadd.s32 $0x14200, s9;
	s13 =	sshll.u32 s10, $0xE  }
0x56: {  	s9 =	sadd.s32 $0x14400, s13;
	s1 =	sadd.s32 s14, s12  }
0x57: {  	[spmem:s4] =	stream.indirect.scatter.add.f32 [tilespmem:s9], [sflag:$0x5], $0x80, s1, s28, $0xb8;
	[tilespmem:$0x1F880] =	vst v63  }
0x58: {  	_ =	swait.ge [sflag:s21], $0x4000  }
0x59: {  	[sflag:s21] =	ssyncset.done $0x0  }
0x5a: {  	[sflag:s21] =	ssyncadd.s32 $0xFFFFC000  }
0x5b: {  	v1 =	vld [tilespmem:s1+$0x0];
	_ =	sdelay $0x4  }
0x5c: {  	(xrf1) =	vunique.msk.u32 $0xffff, v1;
	_ =	sdelay $0xd  }
0x5d: {  	_, v2, vm0 =	vpop (xrf1);
	_ =	sdelay $0x3  }
0x5e: {  	v2 =	vcvt.s32.f32 v2;
	_ =	sdelay $0x1  }
0x5f: {  	[tilespmem:v1+s31+$0x0] =	vst.idx.add.f32.msk vm0, v2  }
0x60: {  	v1 =	vld [tilespmem:s1+$0x10];
	_ =	sdelay $0x4  }
0x61: {  	(xrf1) =	vunique.msk.u32 $0xffff, v1;
	_ =	sdelay $0xd  }
0x62: {  	_, v2, vm0 =	vpop (xrf1);
	_ =	sdelay $0x3  }
0x63: {  	v2 =	vcvt.s32.f32 v2;
	_ =	sdelay $0x1  }
0x64: {  	[tilespmem:v1+s31+$0x0] =	vst.idx.add.f32.msk vm0, v2  }
0x65: {  	v1 =	vld [tilespmem:s1+$0x20];
	_ =	sdelay $0x4  }
0x66: {  	(xrf1) =	vunique.msk.u32 $0xffff, v1;
	_ =	sdelay $0xd  }
0x67: {  	_, v2, vm0 =	vpop (xrf1);
	_ =	sdelay $0x3  }
0x68: {  	v2 =	vcvt.s32.f32 v2;
	_ =	sdelay $0x1  }
0x69: {  	[tilespmem:v1+s31+$0x0] =	vst.idx.add.f32.msk vm0, v2  }
0x6a: {  	v1 =	vld [tilespmem:s1+$0x30];
	_ =	sdelay $0x4  }
0x6b: {  	(xrf1) =	vunique.msk.u32 $0xffff, v1;
	_ =	sdelay $0xd  }
0x6c: {  	_, v2, vm0 =	vpop (xrf1);
	_ =	sdelay $0x3  }
0x6d: {  	v2 =	vcvt.s32.f32 v2;
	_ =	sdelay $0x1  }
0x6e: {  	[tilespmem:v1+s31+$0x0] =	vst.idx.add.f32.msk vm0, v2  }
0x6f: {  	v1 =	vld [tilespmem:s1+$0x40];
	_ =	sdelay $0x4  }
0x70: {  	(xrf1) =	vunique.msk.u32 $0xffff, v1;
	_ =	sdelay $0xd  }
0x71: {  	_, v2, vm0 =	vpop (xrf1);
	_ =	sdelay $0x3  }
0x72: {  	v2 =	vcvt.s32.f32 v2;
	_ =	sdelay $0x1  }
0x73: {  	[tilespmem:v1+s31+$0x0] =	vst.idx.add.f32.msk vm0, v2  }
0x74: {  	v1 =	vld [tilespmem:s1+$0x50];
	_ =	sdelay $0x4  }
0x75: {  	(xrf1) =	vunique.msk.u32 $0xffff, v1;
	_ =	sdelay $0xd  }
0x76: {  	_, v2, vm0 =	vpop (xrf1);
	_ =	sdelay $0x3  }
0x77: {  	v2 =	vcvt.s32.f32 v2;
	_ =	sdelay $0x1  }
0x78: {  	[tilespmem:v1+s31+$0x0] =	vst.idx.add.f32.msk vm0, v2  }
0x79: {  	v1 =	vld [tilespmem:s1+$0x60];
	_ =	sdelay $0x4  }
0x7a: {  	(xrf1) =	vunique.msk.u32 $0xffff, v1;
	_ =	sdelay $0xd  }
0x7b: {  	_, v2, vm0 =	vpop (xrf1);
	_ =	sdelay $0x3  }
0x7c: {  	v2 =	vcvt.s32.f32 v2;
	_ =	sdelay $0x1  }
0x7d: {  	[tilespmem:v1+s31+$0x0] =	vst.idx.add.f32.msk vm0, v2  }
0x7e: {  	v1 =	vld [tilespmem:s1+$0x70];
	_ =	sdelay $0x4  }
0x7f: {  	(xrf1) =	vunique.msk.u32 $0xffff, v1;
	_ =	sdelay $0xd  }
0x80: {  	s24 =	sadd.s32 $0x200, s24;
	s22 =	rddreg [dreg:$0x6];
	_, v2, vm0 =	vpop (xrf1)  }
0x81: {  	p1 =	sne.s32 s22, s24  }
.Ltmp1:
0x82: {  	_ = 	snop;
	(pc) =	sbr.rel @p1 .LBB2_4-.Ltmp1, $4  }
0x83: {  	_ = 	snop  }
0x84: {  	v2 =	vcvt.s32.f32 v2  }
0x85: {  	s20 =	sadd.s32 $0x10, s20  }
0x86: {  	s19 =	sadd.s32 $0x10, s19;
	s3 =	sadd.s32 $0x1, s3;
	s1 =	smov.u32 s6;
	[tilespmem:v1+s31+$0x0] =	vst.idx.add.f32.msk vm0, v2  }
0x87: {  	[bflag:$0x0] =	sbarrier.arrive $0xFFFF  }
0x88: {  	s1 =	rddreg [dreg:$0xb]  }
0x89: {  	[hbm:s1], [sflag:s7] =	dma.local [spmem:s23], $0x2800  }
0x8a: {  	_ =	swait.ge [sflag:s21], $0x2800  }
0x8b: {  	s3 =	simm.s32 @!p6 $0x100;
	s6 =	simm.s32 @!p6 $0x1C400;
	[sflag:s21] =	ssyncset.done $0x0  }
0x8c: {  	s1 =	simm.s32 @!p6 $0x80;
	s9 =	rddreg [dreg:$0xc];
	[sflag:s21] =	ssyncadd.s32 $0xFFFFD800  }
0x8d: {  	[spmem:s9] =	stream.strided.scatter @!p6 [tilespmem:s6], [sflag:$0x5], $0x2800, s3, s1, $0x38;
	[tilespmem:$0x1F880] =	vst v63  }
0x8e: {  	s1 =	simm.s32 @!p6 $0x5  }
0x8f: {  	_ =	swait.ge @!p6 [sflag:s1], $0x2800  }
0x90: {  	[sflag:s1] =	ssyncset.done @!p6 $0x0  }
0x91: {  	[sflag:s1] =	ssyncadd.s32 @!p6 $0xFFFFD800  }
0x92: {  	[bflag:$0x0] =	sbarrier.arrive $0xFFFF  }
0x93: {  	[tilespmem:s2], [sflag:$0x5] =	stream.linear.gather [spmem:s15], $0x500, $0x38;
	[tilespmem:$0x1F880] =	vst v63  }
0x94: {  	s22 =	simm.s32 $0x0;
	_ =	swait.ge [sflag:s21], $0x500  }
0x95: {  	s23 =	sand.u32 $0x70, s22;
	s1 =	sand.u32 $0x700, s22;
	[sflag:s21] =	ssyncset.done $0x0  }
0x96: {  	s1 =	sor.u32 s23, s1;
	[sflag:s21] =	ssyncadd.s32 $0xFFFFFB00  }
0x97: {  	v1 =	vld [tilespmem:s1+$0x1F100]  }
0x98: {  	s1 =	sadd.s32 $0x1F100, s1  }
0x99: {  	v2 =	vld [tilespmem:s1+$0x80];
	_ =	sdelay $0x2  }
0x9a: {  	v1 =	vadd.f32 $0.0e+00, v1  }
0x9b: {  	s24 =	simm.s32 $0x10  }
0x9c: {  	s19 =	sand.u32 $0x70, s24;
	s3 =	simm.s32 $0x20;
	v1 =	vadd.f32 v2, v1  }
0x9d: {  	s6 =	simm.s32 $0x20;
	s20 =	sand.u32 $0x700, s3;
	s1 =	simm.s32 $0x1F600  }
.LBB2_6:
0x9e: {  	p1 =	sne.s32 s6, $0x270;
	s9 =	sor.u32 s19, s20;
	[tilespmem:s1+$0x0] =	vst v1  }
0x9f: {  	v1 =	vld [tilespmem:s9+$0x1F100]  }
0xa0: {  	s9 =	sadd.s32 $0x1F100, s9  }
0xa1: {  	v2 =	vld [tilespmem:s9+$0x80];
	_ =	sdelay $0x1  }
.Ltmp2:
0xa2: {  	(pc) =	sbr.rel @p1 .LBB2_6-.Ltmp2, $3  }
0xa3: {  	v1 =	vadd.f32 $0.0e+00, v1;
	_ =	sdelay $0x1  }
0xa4: {  	s3 =	sadd.s32 $0x20, s3;
	s1 =	sadd.s32 $0x10, s1;
	v1 =	vadd.f32 v2, v1  }
0xa5: {  	s19 =	sand.u32 $0x70, s6;
	s6 =	sadd.s32 $0x10, s6;
	s20 =	sand.u32 $0x700, s3  }
0xa6: {  	s3 =	sor.u32 s19, s20;
	[tilespmem:s1+$0x0] =	vst v1  }
0xa7: {  	v1 =	vld [tilespmem:s3+$0x1F100]  }
0xa8: {  	s3 =	sadd.s32 $0x1F100, s3  }
0xa9: {  	v2 =	vld [tilespmem:s3+$0x80];
	_ =	sdelay $0x2  }
0xaa: {  	v1 =	vadd.f32 $0.0e+00, v1;
	_ =	sdelay $0x1  }
0xab: {  	v1 =	vadd.f32 v2, v1  }
0xac: {  	s19 =	sadd.s32 $0x10, s1  }
0xad: {  	[tilespmem:s19+$0x0] =	vst v1  }
0xae: {  	[bflag:$0x0] =	sbarrier.arrive $0xFFFF  }
0xaf: {  	s20 =	sld [smem:$0x7FB];
	_ =	sdelay $0x2  }
0xb0: {  	p1 =	seq.s32 s20, $0x1  }
0xb1: {  	s1 =	simm.s32 @!p1 $0x80;
	s3 =	simm.s32 @!p1 $0x100;
	s6 =	simm.s32 @!p1 $0x1C400  }
0xb2: {  	[spmem:s16] =	stream.strided.scatter @!p1 [tilespmem:s6], [sflag:$0x5], $0x2800, s3, s1, $0x38;
	[tilespmem:$0x1F880] =	vst v63  }
0xb3: {  	s1 =	simm.s32 @!p1 $0x5  }
0xb4: {  	_ =	swait.ge @!p1 [sflag:s1], $0x2800  }
0xb5: {  	[sflag:s1] =	ssyncset.done @!p1 $0x0  }
0xb6: {  	[sflag:s1] =	ssyncadd.s32 @!p1 $0xFFFFD800  }
0xb7: {  	[bflag:$0x0] =	sbarrier.arrive $0xFFFF  }
0xb8: {  	[tilespmem:s2], [sflag:$0x5] =	stream.linear.gather [spmem:s15], $0x500, $0x38;
	[tilespmem:$0x1F880] =	vst v63  }
0xb9: {  	s22 =	simm.s32 $0x0;
	_ =	swait.ge [sflag:s21], $0x500  }
0xba: {  	s23 =	sand.u32 $0x70, s22;
	s1 =	sand.u32 $0x700, s22;
	[sflag:s21] =	ssyncset.done $0x0  }
0xbb: {  	s1 =	sor.u32 s23, s1;
	[sflag:s21] =	ssyncadd.s32 $0xFFFFFB00  }
0xbc: {  	v1 =	vld [tilespmem:s1+$0x1F100]  }
0xbd: {  	s1 =	sadd.s32 $0x1F100, s1  }
0xbe: {  	v2 =	vld [tilespmem:s1+$0x80]  }
0xbf: {  	s1 =	simm.s32 $0x1F600  }
0xc0: {  	v3 =	vld [tilespmem:s1+$0x0]  }
0xc1: {  	v1 =	vadd.f32 $0.0e+00, v1;
	_ =	sdelay $0x1  }
0xc2: {  	v1 =	vadd.f32 v2, v1;
	_ =	sdelay $0x1  }
0xc3: {  	s24 =	simm.s32 $0x10;
	s3 =	simm.s32 $0x20;
	v1 =	vadd.f32 v3, v1  }
0xc4: {  	s19 =	sand.u32 $0x70, s24;
	s6 =	simm.s32 $0x20;
	s20 =	sand.u32 $0x700, s3  }
.LBB2_8:
0xc5: {  	p1 =	sne.s32 s6, $0x270;
	s9 =	sor.u32 s19, s20;
	[tilespmem:s1+$0x0] =	vst v1  }
0xc6: {  	v1 =	vld [tilespmem:s9+$0x1F100]  }
0xc7: {  	s9 =	sadd.s32 $0x1F100, s9  }
0xc8: {  	v2 =	vld [tilespmem:s9+$0x80]  }
0xc9: {  	s1 =	sadd.s32 $0x10, s1  }
0xca: {  	v3 =	vld [tilespmem:s1+$0x0]  }
0xcb: {  	v1 =	vadd.f32 $0.0e+00, v1  }
.Ltmp3:
0xcc: {  	(pc) =	sbr.rel @p1 .LBB2_8-.Ltmp3, $3  }
0xcd: {  	v1 =	vadd.f32 v2, v1;
	_ =	sdelay $0x1  }
0xce: {  	s3 =	sadd.s32 $0x20, s3;
	v1 =	vadd.f32 v3, v1  }
0xcf: {  	s19 =	sand.u32 $0x70, s6;
	s6 =	sadd.s32 $0x10, s6;
	s20 =	sand.u32 $0x700, s3  }
0xd0: {  	s3 =	sor.u32 s19, s20;
	[tilespmem:s1+$0x0] =	vst v1  }
0xd1: {  	v1 =	vld [tilespmem:s3+$0x1F100]  }
0xd2: {  	s3 =	sadd.s32 $0x1F100, s3  }
0xd3: {  	v2 =	vld [tilespmem:s3+$0x80]  }
0xd4: {  	s19 =	sadd.s32 $0x10, s1  }
0xd5: {  	v3 =	vld [tilespmem:s19+$0x0]  }
0xd6: {  	v1 =	vadd.f32 $0.0e+00, v1;
	_ =	sdelay $0x1  }
0xd7: {  	v1 =	vadd.f32 v2, v1;
	_ =	sdelay $0x1  }
0xd8: {  	v1 =	vadd.f32 v3, v1;
	_ =	sdelay $0x1  }
0xd9: {  	[tilespmem:s19+$0x0] =	vst v1  }
0xda: {  	[bflag:$0x0] =	sbarrier.arrive $0xFFFF  }
0xdb: {  	s20 =	sld [smem:$0x7FC];
	_ =	sdelay $0x2  }
0xdc: {  	p1 =	seq.s32 s20, $0x1  }
0xdd: {  	s1 =	simm.s32 @!p1 $0x80;
	s3 =	simm.s32 @!p1 $0x100;
	s6 =	simm.s32 @!p1 $0x1C400  }
0xde: {  	[spmem:s16] =	stream.strided.scatter @!p1 [tilespmem:s6], [sflag:$0x5], $0x2800, s3, s1, $0x38;
	[tilespmem:$0x1F880] =	vst v63  }
0xdf: {  	s1 =	simm.s32 @!p1 $0x5  }
0xe0: {  	_ =	swait.ge @!p1 [sflag:s1], $0x2800  }
0xe1: {  	[sflag:s1] =	ssyncset.done @!p1 $0x0  }
0xe2: {  	[sflag:s1] =	ssyncadd.s32 @!p1 $0xFFFFD800  }
0xe3: {  	[bflag:$0x0] =	sbarrier.arrive $0xFFFF  }
0xe4: {  	[tilespmem:s2], [sflag:$0x5] =	stream.linear.gather [spmem:s15], $0x500, $0x38;
	[tilespmem:$0x1F880] =	vst v63  }
0xe5: {  	s22 =	simm.s32 $0x0;
	_ =	swait.ge [sflag:s21], $0x500  }
0xe6: {  	s23 =	sand.u32 $0x70, s22;
	s1 =	sand.u32 $0x700, s22;
	[sflag:s21] =	ssyncset.done $0x0  }
0xe7: {  	s1 =	sor.u32 s23, s1;
	[sflag:s21] =	ssyncadd.s32 $0xFFFFFB00  }
0xe8: {  	v1 =	vld [tilespmem:s1+$0x1F100]  }
0xe9: {  	s1 =	sadd.s32 $0x1F100, s1  }
0xea: {  	v2 =	vld [tilespmem:s1+$0x80]  }
0xeb: {  	s1 =	simm.s32 $0x1F600  }
0xec: {  	v3 =	vld [tilespmem:s1+$0x0]  }
0xed: {  	v1 =	vadd.f32 $0.0e+00, v1;
	_ =	sdelay $0x1  }
0xee: {  	v1 =	vadd.f32 v2, v1;
	_ =	sdelay $0x1  }
0xef: {  	s24 =	simm.s32 $0x10;
	s3 =	simm.s32 $0x20;
	v1 =	vadd.f32 v3, v1  }
0xf0: {  	s19 =	sand.u32 $0x70, s24;
	s6 =	simm.s32 $0x20;
	s20 =	sand.u32 $0x700, s3  }
.LBB2_10:
0xf1: {  	p1 =	sne.s32 s6, $0x270;
	s9 =	sor.u32 s19, s20;
	[tilespmem:s1+$0x0] =	vst v1  }
0xf2: {  	v1 =	vld [tilespmem:s9+$0x1F100]  }
0xf3: {  	s9 =	sadd.s32 $0x1F100, s9  }
0xf4: {  	v2 =	vld [tilespmem:s9+$0x80]  }
0xf5: {  	s1 =	sadd.s32 $0x10, s1  }
0xf6: {  	v3 =	vld [tilespmem:s1+$0x0]  }
0xf7: {  	v1 =	vadd.f32 $0.0e+00, v1  }
.Ltmp4:
0xf8: {  	(pc) =	sbr.rel @p1 .LBB2_10-.Ltmp4, $3  }
0xf9: {  	v1 =	vadd.f32 v2, v1;
	_ =	sdelay $0x1  }
0xfa: {  	s3 =	sadd.s32 $0x20, s3;
	v1 =	vadd.f32 v3, v1  }
0xfb: {  	s19 =	sand.u32 $0x70, s6;
	s6 =	sadd.s32 $0x10, s6;
	s20 =	sand.u32 $0x700, s3  }
0xfc: {  	s3 =	sor.u32 s19, s20;
	[tilespmem:s1+$0x0] =	vst v1  }
0xfd: {  	v1 =	vld [tilespmem:s3+$0x1F100]  }
0xfe: {  	s3 =	sadd.s32 $0x1F100, s3  }
0xff: {  	v2 =	vld [tilespmem:s3+$0x80]  }
0x100: {  	s19 =	sadd.s32 $0x10, s1  }
0x101: {  	v3 =	vld [tilespmem:s19+$0x0]  }
0x102: {  	v1 =	vadd.f32 $0.0e+00, v1;
	_ =	sdelay $0x1  }
0x103: {  	v1 =	vadd.f32 v2, v1;
	_ =	sdelay $0x1  }
0x104: {  	v1 =	vadd.f32 v3, v1;
	_ =	sdelay $0x1  }
0x105: {  	[tilespmem:s19+$0x0] =	vst v1  }
0x106: {  	[bflag:$0x0] =	sbarrier.arrive $0xFFFF  }
0x107: {  	s20 =	sld [smem:$0x7FD];
	_ =	sdelay $0x2  }
0x108: {  	p1 =	seq.s32 s20, $0x1  }
0x109: {  	s1 =	simm.s32 @!p1 $0x80;
	s3 =	simm.s32 @!p1 $0x100;
	s6 =	simm.s32 @!p1 $0x1C400  }
0x10a: {  	[spmem:s16] =	stream.strided.scatter @!p1 [tilespmem:s6], [sflag:$0x5], $0x2800, s3, s1, $0x38;
	[tilespmem:$0x1F880] =	vst v63  }
0x10b: {  	s1 =	simm.s32 @!p1 $0x5  }
0x10c: {  	_ =	swait.ge @!p1 [sflag:s1], $0x2800  }
0x10d: {  	[sflag:s1] =	ssyncset.done @!p1 $0x0  }
0x10e: {  	[sflag:s1] =	ssyncadd.s32 @!p1 $0xFFFFD800  }
0x10f: {  	[bflag:$0x0] =	sbarrier.arrive $0xFFFF  }
0x110: {  	[tilespmem:s2], [sflag:$0x5] =	stream.linear.gather [spmem:s15], $0x500, $0x38;
	[tilespmem:$0x1F880] =	vst v63  }
0x111: {  	s22 =	simm.s32 $0x0;
	_ =	swait.ge [sflag:s21], $0x500  }
0x112: {  	s23 =	sand.u32 $0x70, s22;
	s1 =	sand.u32 $0x700, s22;
	[sflag:s21] =	ssyncset.done $0x0  }
0x113: {  	s1 =	sor.u32 s23, s1;
	[sflag:s21] =	ssyncadd.s32 $0xFFFFFB00  }
0x114: {  	v1 =	vld [tilespmem:s1+$0x1F100]  }
0x115: {  	s1 =	sadd.s32 $0x1F100, s1  }
0x116: {  	v2 =	vld [tilespmem:s1+$0x80]  }
0x117: {  	s1 =	simm.s32 $0x1F600  }
0x118: {  	v3 =	vld [tilespmem:s1+$0x0]  }
0x119: {  	v1 =	vadd.f32 $0.0e+00, v1;
	_ =	sdelay $0x1  }
0x11a: {  	v1 =	vadd.f32 v2, v1;
	_ =	sdelay $0x1  }
0x11b: {  	s24 =	simm.s32 $0x10;
	s3 =	simm.s32 $0x20;
	v1 =	vadd.f32 v3, v1  }
0x11c: {  	s19 =	sand.u32 $0x70, s24;
	s6 =	simm.s32 $0x20;
	s20 =	sand.u32 $0x700, s3  }
.LBB2_12:
0x11d: {  	p1 =	sne.s32 s6, $0x270;
	s9 =	sor.u32 s19, s20;
	[tilespmem:s1+$0x0] =	vst v1  }
0x11e: {  	v1 =	vld [tilespmem:s9+$0x1F100]  }
0x11f: {  	s9 =	sadd.s32 $0x1F100, s9  }
0x120: {  	v2 =	vld [tilespmem:s9+$0x80]  }
0x121: {  	s1 =	sadd.s32 $0x10, s1  }
0x122: {  	v3 =	vld [tilespmem:s1+$0x0]  }
0x123: {  	v1 =	vadd.f32 $0.0e+00, v1  }
.Ltmp5:
0x124: {  	(pc) =	sbr.rel @p1 .LBB2_12-.Ltmp5, $3  }
0x125: {  	v1 =	vadd.f32 v2, v1;
	_ =	sdelay $0x1  }
0x126: {  	s3 =	sadd.s32 $0x20, s3;
	v1 =	vadd.f32 v3, v1  }
0x127: {  	s19 =	sand.u32 $0x70, s6;
	s6 =	sadd.s32 $0x10, s6;
	s20 =	sand.u32 $0x700, s3  }
0x128: {  	s3 =	sor.u32 s19, s20;
	[tilespmem:s1+$0x0] =	vst v1  }
0x129: {  	v1 =	vld [tilespmem:s3+$0x1F100]  }
0x12a: {  	s3 =	sadd.s32 $0x1F100, s3  }
0x12b: {  	v2 =	vld [tilespmem:s3+$0x80]  }
0x12c: {  	s20 =	sadd.s32 $0x10, s1  }
0x12d: {  	v3 =	vld [tilespmem:s20+$0x0]  }
0x12e: {  	v1 =	vadd.f32 $0.0e+00, v1;
	_ =	sdelay $0x1  }
0x12f: {  	v1 =	vadd.f32 v2, v1;
	_ =	sdelay $0x1  }
0x130: {  	v1 =	vadd.f32 v3, v1;
	_ =	sdelay $0x1  }
0x131: {  	s1 =	simm.s32 @!p3 $0x80;
	[tilespmem:s20+$0x0] =	vst v1  }
0x132: {  	s6 =	simm.s32 @!p3 $0x1C400;
	s3 =	simm.s32 @!p3 $0x100;
	[bflag:$0x0] =	sbarrier.arrive $0xFFFF  }
0x133: {  	[spmem:s16] =	stream.strided.scatter @!p3 [tilespmem:s6], [sflag:$0x5], $0x2800, s3, s1, $0x38;
	[tilespmem:$0x1F880] =	vst v63  }
0x134: {  	s1 =	simm.s32 @!p3 $0x5  }
0x135: {  	_ =	swait.ge @!p3 [sflag:s1], $0x2800  }
0x136: {  	[sflag:s1] =	ssyncset.done @!p3 $0x0  }
0x137: {  	[sflag:s1] =	ssyncadd.s32 @!p3 $0xFFFFD800  }
0x138: {  	[bflag:$0x0] =	sbarrier.arrive $0xFFFF  }
0x139: {  	[tilespmem:s2], [sflag:$0x5] =	stream.linear.gather [spmem:s15], $0x500, $0x38;
	[tilespmem:$0x1F880] =	vst v63  }
0x13a: {  	s22 =	simm.s32 $0x0;
	_ =	swait.ge [sflag:s21], $0x500  }
0x13b: {  	s23 =	sand.u32 $0x70, s22;
	s1 =	sand.u32 $0x700, s22;
	[sflag:s21] =	ssyncset.done $0x0  }
0x13c: {  	s1 =	sor.u32 s23, s1;
	[sflag:s21] =	ssyncadd.s32 $0xFFFFFB00  }
0x13d: {  	v1 =	vld [tilespmem:s1+$0x1F100]  }
0x13e: {  	s1 =	sadd.s32 $0x1F100, s1  }
0x13f: {  	v2 =	vld [tilespmem:s1+$0x80]  }
0x140: {  	s1 =	simm.s32 $0x1F600  }
0x141: {  	v3 =	vld [tilespmem:s1+$0x0]  }
0x142: {  	v1 =	vadd.f32 $0.0e+00, v1;
	_ =	sdelay $0x1  }
0x143: {  	v1 =	vadd.f32 v2, v1;
	_ =	sdelay $0x1  }
0x144: {  	s24 =	simm.s32 $0x10;
	s3 =	simm.s32 $0x20;
	v1 =	vadd.f32 v3, v1  }
0x145: {  	s19 =	sand.u32 $0x70, s24;
	s6 =	simm.s32 $0x20;
	s20 =	sand.u32 $0x700, s3  }
.LBB2_14:
0x146: {  	p1 =	sne.s32 s6, $0x270;
	s9 =	sor.u32 s19, s20;
	[tilespmem:s1+$0x0] =	vst v1  }
0x147: {  	v1 =	vld [tilespmem:s9+$0x1F100]  }
0x148: {  	s9 =	sadd.s32 $0x1F100, s9  }
0x149: {  	v2 =	vld [tilespmem:s9+$0x80]  }
0x14a: {  	s1 =	sadd.s32 $0x10, s1  }
0x14b: {  	v3 =	vld [tilespmem:s1+$0x0]  }
0x14c: {  	v1 =	vadd.f32 $0.0e+00, v1  }
.Ltmp6:
0x14d: {  	(pc) =	sbr.rel @p1 .LBB2_14-.Ltmp6, $3  }
0x14e: {  	v1 =	vadd.f32 v2, v1;
	_ =	sdelay $0x1  }
0x14f: {  	s3 =	sadd.s32 $0x20, s3;
	v1 =	vadd.f32 v3, v1  }
0x150: {  	s19 =	sand.u32 $0x70, s6;
	s6 =	sadd.s32 $0x10, s6;
	s20 =	sand.u32 $0x700, s3  }
0x151: {  	s3 =	sor.u32 s19, s20;
	[tilespmem:s1+$0x0] =	vst v1  }
0x152: {  	v1 =	vld [tilespmem:s3+$0x1F100]  }
0x153: {  	s3 =	sadd.s32 $0x1F100, s3  }
0x154: {  	v2 =	vld [tilespmem:s3+$0x80]  }
0x155: {  	s20 =	sadd.s32 $0x10, s1  }
0x156: {  	v3 =	vld [tilespmem:s20+$0x0]  }
0x157: {  	v1 =	vadd.f32 $0.0e+00, v1;
	_ =	sdelay $0x1  }
0x158: {  	v1 =	vadd.f32 v2, v1;
	_ =	sdelay $0x1  }
0x159: {  	v1 =	vadd.f32 v3, v1;
	_ =	sdelay $0x1  }
0x15a: {  	s1 =	simm.s32 @!p4 $0x80;
	[tilespmem:s20+$0x0] =	vst v1  }
0x15b: {  	s6 =	simm.s32 @!p4 $0x1C400;
	s3 =	simm.s32 @!p4 $0x100;
	[bflag:$0x0] =	sbarrier.arrive $0xFFFF  }
0x15c: {  	[spmem:s16] =	stream.strided.scatter @!p4 [tilespmem:s6], [sflag:$0x5], $0x2800, s3, s1, $0x38;
	[tilespmem:$0x1F880] =	vst v63  }
0x15d: {  	s1 =	simm.s32 @!p4 $0x5  }
0x15e: {  	_ =	swait.ge @!p4 [sflag:s1], $0x2800  }
0x15f: {  	[sflag:s1] =	ssyncset.done @!p4 $0x0  }
0x160: {  	[sflag:s1] =	ssyncadd.s32 @!p4 $0xFFFFD800  }
0x161: {  	[bflag:$0x0] =	sbarrier.arrive $0xFFFF  }
0x162: {  	[tilespmem:s2], [sflag:$0x5] =	stream.linear.gather [spmem:s15], $0x500, $0x38;
	[tilespmem:$0x1F880] =	vst v63  }
0x163: {  	s22 =	simm.s32 $0x0;
	_ =	swait.ge [sflag:s21], $0x500  }
0x164: {  	s23 =	sand.u32 $0x70, s22;
	s1 =	sand.u32 $0x700, s22;
	[sflag:s21] =	ssyncset.done $0x0  }
0x165: {  	s1 =	sor.u32 s23, s1;
	[sflag:s21] =	ssyncadd.s32 $0xFFFFFB00  }
0x166: {  	v1 =	vld [tilespmem:s1+$0x1F100]  }
0x167: {  	s1 =	sadd.s32 $0x1F100, s1  }
0x168: {  	v2 =	vld [tilespmem:s1+$0x80]  }
0x169: {  	s1 =	simm.s32 $0x1F600  }
0x16a: {  	v3 =	vld [tilespmem:s1+$0x0]  }
0x16b: {  	v1 =	vadd.f32 $0.0e+00, v1;
	_ =	sdelay $0x1  }
0x16c: {  	v1 =	vadd.f32 v2, v1;
	_ =	sdelay $0x1  }
0x16d: {  	s24 =	simm.s32 $0x10;
	s3 =	simm.s32 $0x20;
	v1 =	vadd.f32 v3, v1  }
0x16e: {  	s19 =	sand.u32 $0x70, s24;
	s6 =	simm.s32 $0x20;
	s20 =	sand.u32 $0x700, s3  }
.LBB2_16:
0x16f: {  	p1 =	sne.s32 s6, $0x270;
	s9 =	sor.u32 s19, s20;
	[tilespmem:s1+$0x0] =	vst v1  }
0x170: {  	v1 =	vld [tilespmem:s9+$0x1F100]  }
0x171: {  	s9 =	sadd.s32 $0x1F100, s9  }
0x172: {  	v2 =	vld [tilespmem:s9+$0x80]  }
0x173: {  	s1 =	sadd.s32 $0x10, s1  }
0x174: {  	v3 =	vld [tilespmem:s1+$0x0]  }
0x175: {  	v1 =	vadd.f32 $0.0e+00, v1  }
.Ltmp7:
0x176: {  	(pc) =	sbr.rel @p1 .LBB2_16-.Ltmp7, $3  }
0x177: {  	v1 =	vadd.f32 v2, v1;
	_ =	sdelay $0x1  }
0x178: {  	s3 =	sadd.s32 $0x20, s3;
	v1 =	vadd.f32 v3, v1  }
0x179: {  	s19 =	sand.u32 $0x70, s6;
	s6 =	sadd.s32 $0x10, s6;
	s20 =	sand.u32 $0x700, s3  }
0x17a: {  	s3 =	sor.u32 s19, s20;
	[tilespmem:s1+$0x0] =	vst v1  }
0x17b: {  	v1 =	vld [tilespmem:s3+$0x1F100]  }
0x17c: {  	s3 =	sadd.s32 $0x1F100, s3  }
0x17d: {  	v2 =	vld [tilespmem:s3+$0x80]  }
0x17e: {  	s20 =	sadd.s32 $0x10, s1  }
0x17f: {  	v3 =	vld [tilespmem:s20+$0x0]  }
0x180: {  	v1 =	vadd.f32 $0.0e+00, v1;
	_ =	sdelay $0x1  }
0x181: {  	v1 =	vadd.f32 v2, v1;
	_ =	sdelay $0x1  }
0x182: {  	v1 =	vadd.f32 v3, v1;
	_ =	sdelay $0x1  }
0x183: {  	s1 =	simm.s32 @!p5 $0x80;
	[tilespmem:s20+$0x0] =	vst v1  }
0x184: {  	s6 =	simm.s32 @!p5 $0x1C400;
	s3 =	simm.s32 @!p5 $0x100;
	[bflag:$0x0] =	sbarrier.arrive $0xFFFF  }
0x185: {  	[spmem:s16] =	stream.strided.scatter @!p5 [tilespmem:s6], [sflag:$0x5], $0x2800, s3, s1, $0x38;
	[tilespmem:$0x1F880] =	vst v63  }
0x186: {  	s1 =	simm.s32 @!p5 $0x5  }
0x187: {  	_ =	swait.ge @!p5 [sflag:s1], $0x2800  }
0x188: {  	[sflag:s1] =	ssyncset.done @!p5 $0x0  }
0x189: {  	[sflag:s1] =	ssyncadd.s32 @!p5 $0xFFFFD800  }
0x18a: {  	[bflag:$0x0] =	sbarrier.arrive $0xFFFF  }
0x18b: {  	[tilespmem:s2], [sflag:$0x5] =	stream.linear.gather [spmem:s15], $0x500, $0x38;
	[tilespmem:$0x1F880] =	vst v63  }
0x18c: {  	s22 =	simm.s32 $0x0;
	_ =	swait.ge [sflag:s21], $0x500  }
0x18d: {  	s23 =	sand.u32 $0x70, s22;
	s1 =	sand.u32 $0x700, s22;
	[sflag:s21] =	ssyncset.done $0x0  }
0x18e: {  	s1 =	sor.u32 s23, s1;
	[sflag:s21] =	ssyncadd.s32 $0xFFFFFB00  }
0x18f: {  	v1 =	vld [tilespmem:s1+$0x1F100]  }
0x190: {  	s1 =	sadd.s32 $0x1F100, s1  }
0x191: {  	v2 =	vld [tilespmem:s1+$0x80]  }
0x192: {  	s1 =	simm.s32 $0x1F600  }
0x193: {  	v3 =	vld [tilespmem:s1+$0x0]  }
0x194: {  	v1 =	vadd.f32 $0.0e+00, v1;
	_ =	sdelay $0x1  }
0x195: {  	v1 =	vadd.f32 v2, v1;
	_ =	sdelay $0x1  }
0x196: {  	s24 =	simm.s32 $0x10;
	s3 =	simm.s32 $0x20;
	v1 =	vadd.f32 v3, v1  }
0x197: {  	s19 =	sand.u32 $0x70, s24;
	s6 =	simm.s32 $0x20;
	s20 =	sand.u32 $0x700, s3  }
.LBB2_18:
0x198: {  	p1 =	sne.s32 s6, $0x270;
	s9 =	sor.u32 s19, s20;
	[tilespmem:s1+$0x0] =	vst v1  }
0x199: {  	v1 =	vld [tilespmem:s9+$0x1F100]  }
0x19a: {  	s9 =	sadd.s32 $0x1F100, s9  }
0x19b: {  	v2 =	vld [tilespmem:s9+$0x80]  }
0x19c: {  	s1 =	sadd.s32 $0x10, s1  }
0x19d: {  	v3 =	vld [tilespmem:s1+$0x0]  }
0x19e: {  	v1 =	vadd.f32 $0.0e+00, v1  }
.Ltmp8:
0x19f: {  	(pc) =	sbr.rel @p1 .LBB2_18-.Ltmp8, $3  }
0x1a0: {  	v1 =	vadd.f32 v2, v1;
	_ =	sdelay $0x1  }
0x1a1: {  	s3 =	sadd.s32 $0x20, s3;
	v1 =	vadd.f32 v3, v1  }
0x1a2: {  	s19 =	sand.u32 $0x70, s6;
	s6 =	sadd.s32 $0x10, s6;
	s20 =	sand.u32 $0x700, s3  }
0x1a3: {  	s3 =	sor.u32 s19, s20;
	[tilespmem:s1+$0x0] =	vst v1  }
0x1a4: {  	v1 =	vld [tilespmem:s3+$0x1F100]  }
0x1a5: {  	s3 =	sadd.s32 $0x1F100, s3  }
0x1a6: {  	v2 =	vld [tilespmem:s3+$0x80]  }
0x1a7: {  	s20 =	sadd.s32 $0x10, s1  }
0x1a8: {  	v3 =	vld [tilespmem:s20+$0x0]  }
0x1a9: {  	v1 =	vadd.f32 $0.0e+00, v1;
	_ =	sdelay $0x1  }
0x1aa: {  	v1 =	vadd.f32 v2, v1;
	_ =	sdelay $0x1  }
0x1ab: {  	v1 =	vadd.f32 v3, v1;
	_ =	sdelay $0x1  }
0x1ac: {  	s1 =	simm.s32 @!p0 $0x80;
	[tilespmem:s20+$0x0] =	vst v1  }
0x1ad: {  	s6 =	simm.s32 @!p0 $0x1C400;
	s3 =	simm.s32 @!p0 $0x100;
	[bflag:$0x0] =	sbarrier.arrive $0xFFFF  }
0x1ae: {  	[spmem:s16] =	stream.strided.scatter @!p0 [tilespmem:s6], [sflag:$0x5], $0x2800, s3, s1, $0x38;
	[tilespmem:$0x1F880] =	vst v63  }
0x1af: {  	s1 =	simm.s32 @!p0 $0x5  }
0x1b0: {  	_ =	swait.ge @!p0 [sflag:s1], $0x2800  }
0x1b1: {  	[sflag:s1] =	ssyncset.done @!p0 $0x0  }
0x1b2: {  	[sflag:s1] =	ssyncadd.s32 @!p0 $0xFFFFD800  }
0x1b3: {  	[bflag:$0x0] =	sbarrier.arrive $0xFFFF  }
0x1b4: {  	[tilespmem:s2], [sflag:$0x5] =	stream.linear.gather [spmem:s15], $0x500, $0x38;
	[tilespmem:$0x1F880] =	vst v63  }
0x1b5: {  	s22 =	simm.s32 $0x0;
	_ =	swait.ge [sflag:s21], $0x500  }
0x1b6: {  	s23 =	sand.u32 $0x70, s22;
	s1 =	sand.u32 $0x700, s22;
	[sflag:s21] =	ssyncset.done $0x0  }
0x1b7: {  	s1 =	sor.u32 s23, s1;
	[sflag:s21] =	ssyncadd.s32 $0xFFFFFB00  }
0x1b8: {  	v1 =	vld [tilespmem:s1+$0x1F100]  }
0x1b9: {  	s1 =	sadd.s32 $0x1F100, s1  }
0x1ba: {  	v2 =	vld [tilespmem:s1+$0x80]  }
0x1bb: {  	s1 =	simm.s32 $0x1F600  }
0x1bc: {  	v3 =	vld [tilespmem:s1+$0x0]  }
0x1bd: {  	v1 =	vadd.f32 $0.0e+00, v1;
	_ =	sdelay $0x1  }
0x1be: {  	v1 =	vadd.f32 v2, v1;
	_ =	sdelay $0x1  }
0x1bf: {  	s24 =	simm.s32 $0x10;
	s3 =	simm.s32 $0x20;
	v1 =	vadd.f32 v3, v1  }
0x1c0: {  	s19 =	sand.u32 $0x70, s24;
	s6 =	simm.s32 $0x20;
	s20 =	sand.u32 $0x700, s3  }
.LBB2_20:
0x1c1: {  	p1 =	sne.s32 s6, $0x270;
	s9 =	sor.u32 s19, s20;
	[tilespmem:s1+$0x0] =	vst v1  }
0x1c2: {  	v1 =	vld [tilespmem:s9+$0x1F100]  }
0x1c3: {  	s9 =	sadd.s32 $0x1F100, s9  }
0x1c4: {  	v2 =	vld [tilespmem:s9+$0x80]  }
0x1c5: {  	s1 =	sadd.s32 $0x10, s1  }
0x1c6: {  	v3 =	vld [tilespmem:s1+$0x0]  }
0x1c7: {  	v1 =	vadd.f32 $0.0e+00, v1  }
.Ltmp9:
0x1c8: {  	(pc) =	sbr.rel @p1 .LBB2_20-.Ltmp9, $3  }
0x1c9: {  	v1 =	vadd.f32 v2, v1;
	_ =	sdelay $0x1  }
0x1ca: {  	s3 =	sadd.s32 $0x20, s3;
	v1 =	vadd.f32 v3, v1  }
0x1cb: {  	s19 =	sand.u32 $0x70, s6;
	s6 =	sadd.s32 $0x10, s6;
	s20 =	sand.u32 $0x700, s3  }
0x1cc: {  	s3 =	sor.u32 s19, s20;
	[tilespmem:s1+$0x0] =	vst v1  }
0x1cd: {  	v1 =	vld [tilespmem:s3+$0x1F100]  }
0x1ce: {  	s3 =	sadd.s32 $0x1F100, s3  }
0x1cf: {  	v2 =	vld [tilespmem:s3+$0x80]  }
0x1d0: {  	s22 =	sadd.s32 $0x10, s1  }
0x1d1: {  	v3 =	vld [tilespmem:s22+$0x0]  }
0x1d2: {  	v1 =	vadd.f32 $0.0e+00, v1;
	_ =	sdelay $0x1  }
0x1d3: {  	v1 =	vadd.f32 v2, v1;
	_ =	sdelay $0x1  }
0x1d4: {  	v1 =	vadd.f32 v3, v1  }
0x1d5: {  	s5 =	sadd.s32 $0x1, s5  }
0x1d6: {  	s23 =	simm.s32 $0x100;
	p1 =	sne.s32 s5, s18;
	[tilespmem:s22+$0x0] =	vst v1  }
.Ltmp10:
0x1d7: {  	s24 =	simm.s32 $0x1F600;
	[bflag:$0x0] =	sbarrier.arrive $0xFFFF;
	(pc) =	sbr.rel @p1 .LBB2_1-.Ltmp10, $4  }
0x1d8: {  	[hbm4b:s17+s28] =	stream.strided.scatter [tilespmem:s24], [sflag:$0x5], $0x280, s23, s28, $0x38;
	[tilespmem:$0x1F880] =	vst v63  }
0x1d9: {  	_ =	swait.ge [sflag:s21], $0x280  }
0x1da: {  	[sflag:s21] =	ssyncset.done $0x0  }
0x1db: {  	[sflag:s21] =	ssyncadd.s32 $0xFFFFFD80  }
0x1dc: {  	_ =	sfence.sel $0x180000  }
0x1dd: {  	[bflag:$0x0] =	sbarrier.arrive $0xFFFF  }
0x1de: {  	_ =	strace $0x90000047  }
0x1df: {  	s0 =	stileid.u32;
	[bflag:$0x2] =	sbarrier.arrive $0xFFFF  }
0x1e0: {  	p0 =	sne.s32 s0, $0x0;
	s0 =	rddreg [dreg:$0x5]  }
0x1e1: {  	s0 =	sadd.s32 @!p0 $0x100000, s0  }
0x1e2: {  	[sflag:s0] =	ssyncadd.tile.s32 @!p0 $0x1;
	_ =	shalt  }
.Lfunc_end2:
_tile_overlayer_lowered:
.L_overlay_start_2:
0x1e3: {  	(tag) =	ssettag $0x2  }
0x1e4: {  	s0 =	rddreg [dreg:$0x0];
	s2 =	stileid.u32  }
0x1e5: {  	s1 =	rddreg [dreg:$0x1];
	p0 =	sne.s32 s2, $0x0  }
0x1e6: {  	s3 =	rddreg [dreg:$0x2];
	[bflag:$0x3] =	sbarrier.arrive $0xFFFF;
	s2 =	simm.s32 @!p0 $0x1C05  }
0x1e7: {  	[timem:s3], [sflag:s2] =	dma.local @!p0 [hbm:s0], s1  }
0x1e8: {  	s0 =	simm.s32 @!p0 $0x5  }
0x1e9: {  	_ =	swait.ge @!p0 [sflag:s0], s1  }
0x1ea: {  	s1 =	ssub.s32 @!p0 $0x0, s1;
	[sflag:s0] =	ssyncset.done @!p0 $0x0  }
0x1eb: {  	[sflag:s0] =	ssyncadd.s32 @!p0 s1  }
0x1ec: {  	[bflag:$0x3] =	sbarrier.arrive $0xFFFF  }
0x1ed: {  	_ =	shalt  }

// kernel: kernel.9.cloned.1.call-start
scs
__scs_entry_jumppad:
0x0: {  	(pc) =	sbr.rel $0x88, $3  }
0x1: {  	(tag) =	ssettag $0x0;
	lr =	simm.s32 $0x1  }
0x2: {  	[smem:$0x3F95] =	sst lr;
	_ =	strace $0xD0000000  }
0x3: {  	_ = 	snop  }
0x4: {  	_ = 	snop  }
0x5: {  	_ = 	snop  }
0x6: {  	_ = 	snop  }
0x7: {  	_ = 	snop  }
__scs_overlays_trampoline_lowered:
0x8: {  	[smem:$0x3FA4] =	sst s0  }
0x9: {  	[smem:$0x3FA5] =	sst s1  }
0xa: {  	[smem:$0x3FA6] =	sst s2  }
0xb: {  	[smem:$0x3FA7] =	sst s3  }
0xc: {  	[smem:$0x3FA8] =	sst s4  }
0xd: {  	[smem:$0x3FA9] =	sst s5  }
0xe: {  	[smem:$0x3FAA] =	sst s6  }
0xf: {  	[smem:$0x3FAB] =	sst s7  }
0x10: {  	[smem:$0x3FAC] =	sst s8  }
0x11: {  	[smem:$0x3FAD] =	sst s9;
	s0 =	simm.s32 @!p0 $0x0  }
0x12: {  	s1 =	sld [smem:$0x3F93];
	s0 =	simm.s32 @p0 $0x1  }
0x13: {  	[smem:$0x3FAE] =	sst s0;
	s0 =	simm.s32 @!p1 $0x0  }
0x14: {  	s2 =	sld [smem:$0x3F92];
	s0 =	simm.s32 @p1 $0x1  }
0x15: {  	[smem:$0x3FAF] =	sst s0;
	s0 =	simm.s32 @!p2 $0x0  }
0x16: {  	s3 =	sld [smem:$0x3FDB];
	s0 =	simm.s32 @p2 $0x1  }
0x17: {  	s4 =	simm.s32 $0x1BF5;
	[smem:$0x3FB1] =	sst s0  }
0x18: {  	s0 =	sld [smem:$0x3F94];
	_ =	swait.ge [sflag:s4], $0x0  }
0x19: {  	s7 =	sld [smem:$0x3F95]  }
0x1a: {  	s8 =	sadd.s32 $0xFFFFE003, lr  }
0x1b: {  	s9 =	sadd.s32 $0xFFFFFEF7, lr;
	s5 =	simm.s32 $0xFFFFFFFF;
	p2 =	slt.u32 s8, $0xFFFFF086  }
0x1c: {  	p1 =	slt.u32 s9, $0xF7A;
	s5 =	simm.s32 @!p2 $0x0  }
0x1d: {  	s5 =	simm.s32 @p1 $0x1;
	p0 =	seq.s32 s7, s2  }
0x1e: {  	s7 =	smul.u32 @!p0 $0xF7A, s2;
	p2 =	seq.s32 @!p0 s5, $0x0  }
0x1f: {  	s9 =	smul.u32 $0xF7A, s1;
	s8 =	simm.s32 @!p0 $0x1BF5;
	p2 =	por !p2, p0  }
0x20: {  	[sflag:s8] =	ssyncset.s32 @!p0 $0xFFFFF086;
	s6 =	sadd.s32 @!p0 s3, s7;
	s7 =	simm.s32 @!p0 $0x108  }
0x21: {  	s3 =	sadd.s32 s3, s9;
	s6 =	sadd.s32 @!p0 $0x88, s6;
	s7 =	simm.s32 @p2 $0x1082  }
0x22: {  	[simem:s7], [sflag:s8] =	dma.local @!p0 [hbm:s6], $0xF7A  }
0x23: {  	s9 =	sor.u32 $0xD0000000, s2;
	s6 =	simm.s32 $0x108;
	_ =	swait.ge @!p0 [sflag:s8], $0x0  }
0x24: {  	s3 =	sadd.s32 $0x88, s3;
	s6 =	simm.s32 @!p1 $0x1082;
	[sflag:s4] =	ssyncset.s32 $0xFFFFF086  }
0x25: {  	[simem:s6], [sflag:s4] =	dma.local [hbm:s3], $0xF7A  }
0x26: {  	[smem:$0x3F95] =	sst s1;
	(tag) =	ssettag s2;
	_ =	strace s9  }
0x27: {  	s1 =	sld [smem:$0x3FA5]  }
0x28: {  	s2 =	sld [smem:$0x3FA6]  }
0x29: {  	s4 =	sld [smem:$0x3FA8]  }
0x2a: {  	p0 =	seq.s32 s5, $0x0;
	s5 =	sld [smem:$0x3FA9]  }
0x2b: {  	s6 =	sld [smem:$0x3FAA]  }
0x2c: {  	s7 =	sld [smem:$0x3FAB]  }
0x2d: {  	s3 =	simm.s32 $0x108;
	s8 =	sld [smem:$0x3FAC]  }
0x2e: {  	s3 =	simm.s32 @!p0 $0x1082;
	s9 =	sld [smem:$0x3FAD]  }
0x2f: {  	lr =	sadd.s32 s0, s3;
	s0 =	sld [smem:$0x3FA4]  }
0x30: {  	s3 =	sld [smem:$0x3FA7]  }
0x31: {  	[smem:$0x3FB0] =	sst s10  }
0x32: {  	s10 =	sld [smem:$0x3FAE];
	_ =	sdelay $0x3  }
0x33: {  	p0 =	seq.s32 s10, $0x1;
	s10 =	sld [smem:$0x3FB0];
	_ =	sdelay $0x3  }
0x34: {  	[smem:$0x3FB0] =	sst s10  }
0x35: {  	s10 =	sld [smem:$0x3FAF];
	_ =	sdelay $0x3  }
0x36: {  	p1 =	seq.s32 s10, $0x1;
	s10 =	sld [smem:$0x3FB0];
	_ =	sdelay $0x3  }
0x37: {  	[smem:$0x3FB0] =	sst s10  }
0x38: {  	s10 =	sld [smem:$0x3FB1]  }
0x39: {  	_ = 	snop;
	(pc) =	sbr.ind lr, $3  }
0x3a: {  	_ = 	snop  }
0x3b: {  	_ = 	snop  }
0x3c: {  	p2 =	seq.s32 s10, $0x1;
	s10 =	sld [smem:$0x3FB0]  }
0x3d: {  	_ =	shalt  }
0x3e: {  	_ =	shalt  }
0x3f: {  	_ =	shalt  }
0x40: {  	_ =	shalt  }
0x41: {  	_ =	shalt  }
0x42: {  	_ =	shalt  }
0x43: {  	_ =	shalt  }
0x44: {  	_ =	shalt  }
0x45: {  	_ =	shalt  }
0x46: {  	_ =	shalt  }
0x47: {  	_ =	shalt  }
0x48: {  	_ =	shalt  }
0x49: {  	_ =	shalt  }
0x4a: {  	_ =	shalt  }
0x4b: {  	_ =	shalt  }
0x4c: {  	_ =	shalt  }
0x4d: {  	_ =	shalt  }
0x4e: {  	_ =	shalt  }
0x4f: {  	_ =	shalt  }
0x50: {  	_ =	shalt  }
0x51: {  	_ =	shalt  }
0x52: {  	_ =	shalt  }
0x53: {  	_ =	shalt  }
0x54: {  	_ =	shalt  }
0x55: {  	_ =	shalt  }
0x56: {  	_ =	shalt  }
0x57: {  	_ =	shalt  }
0x58: {  	_ =	shalt  }
0x59: {  	_ =	shalt  }
0x5a: {  	_ =	shalt  }
0x5b: {  	_ =	shalt  }
0x5c: {  	_ =	shalt  }
0x5d: {  	_ =	shalt  }
0x5e: {  	_ =	shalt  }
0x5f: {  	_ =	shalt  }
0x60: {  	_ =	shalt  }
0x61: {  	_ =	shalt  }
0x62: {  	_ =	shalt  }
0x63: {  	_ =	shalt  }
0x64: {  	_ =	shalt  }
0x65: {  	_ =	shalt  }
0x66: {  	_ =	shalt  }
0x67: {  	_ =	shalt  }
0x68: {  	_ =	shalt  }
0x69: {  	_ =	shalt  }
0x6a: {  	_ =	shalt  }
0x6b: {  	_ =	shalt  }
0x6c: {  	_ =	shalt  }
0x6d: {  	_ =	shalt  }
0x6e: {  	_ =	shalt  }
0x6f: {  	_ =	shalt  }
0x70: {  	_ =	shalt  }
0x71: {  	_ =	shalt  }
0x72: {  	_ =	shalt  }
0x73: {  	_ =	shalt  }
0x74: {  	_ =	shalt  }
0x75: {  	_ =	shalt  }
0x76: {  	_ =	shalt  }
0x77: {  	_ =	shalt  }
0x78: {  	_ =	shalt  }
0x79: {  	_ =	shalt  }
0x7a: {  	_ =	shalt  }
0x7b: {  	_ =	shalt  }
0x7c: {  	_ =	shalt  }
0x7d: {  	_ =	shalt  }
0x7e: {  	_ =	shalt  }
0x7f: {  	_ =	shalt  }
0x80: {  	_ =	shalt  }
0x81: {  	_ =	shalt  }
0x82: {  	_ =	shalt  }
0x83: {  	_ =	shalt  }
0x84: {  	_ =	shalt  }
0x85: {  	_ =	shalt  }
0x86: {  	_ =	shalt  }
0x87: {  	_ =	shalt  }
.Lfunc_end0:
.L_simem_size_0:
called_computation.1_lowered:
.L_overlay_start_0:
0x88: {  	s2 =	sld [smem:$0x3FD9]  }
0x89: {  	s3 =	sld [smem:$0x3FFE];
	_ =	sdelay $0x1  }
0x8a: {  	s1 =	srdreg.scid  }
0x8b: {  	s0 =	sand.u32 $0x1, s1  }
0x8c: {  	s17 =	sshll.u32 s0, $0xA;
	s2 =	sadd.s32 s3, s2  }
0x8d: {  	s2 =	sadd.s32 s2, s17  }
0x8e: {  	[smem:$0x3FBC] =	sst s2  }
0x8f: {  	_ = 	snop  }
0x90: {  	s2 =	sld [smem:$0x3FD0];
	(tm) =	ssettm $0x1  }
0x91: {  	s18 =	sld [smem:$0x3FFB];
	_ =	sdelay $0x3  }
0x92: {  	_ =	strace s18  }
0x93: {  	s3 =	sld [smem:$0x3FFC];
	_ =	sdelay $0x3  }
0x94: {  	_ =	strace s3  }
0x95: {  	s3 =	sld [smem:$0x3FFD];
	_ =	sdelay $0x3  }
0x96: {  	_ =	strace s3  }
0x97: {  	_ =	strace $0x8FFFFFFF  }
0x98: {  	s19 =	sld [smem:$0x3FDB];
	_ =	sdelay $0x1  }
0x99: {  	s4 =	simm.s32 $_scs_section_size  }
0x9a: {  	s5 =	simm.s32 $_size__tile_overlayer_lowered;
	s6 =	simm.s32 $_tile_overlayer_lowered  }
0x9b: {  	s22 =	simm.s32 $0x1BFF;
	s21 =	sshll.u32 s6, $0x1;
	s3 =	sadd.s32 s4, s19  }
0x9c: {  	s7 =	simm.s32 $0x0;
	s20 =	sshll.u32 s5, $0x1;
	s5 =	sadd.s32 s21, s3  }
0x9d: {  	[timem:s7], [sflag:s22] =	dma.local [hbm:s5], s20  }
0x9e: {  	_ =	swait.ge [sflag:s22], s20  }
0x9f: {  	s4 =	ssub.s32 $0x0, s20;
	[sflag:s22] =	ssyncset.done $0x0  }
0xa0: {  	[sflag:s22] =	ssyncadd.s32 s4;
	_ =	sdelay $0x1  }
0xa1: {  	s23 =	simm.s32 $0x1B8B  }
0xa2: {  	_ =	swait.ge [sflag:s23], $0x1  }
0xa3: {  	[sflag:s23] =	ssyncset.done $0x0  }
0xa4: {  	s25 =	simm.s32 $0x1B8E;
	s24 =	sld [smem:$0x3FFE];
	[sflag:s23] =	ssyncadd.s32 $0xFFFFFFFF  }
0xa5: {  	s26 =	simm.s32 $execute0_lowered;
	[smem:$0x3FD2] =	sst s25  }
0xa6: {  	s5 =	sshll.u32 s26, $0x1;
	_ =	strace $0x80000049;
	[dreg:$0x1] =	wrdreg $0xFFFFFFFF  }
0xa7: {  	s28 =	simm.s32 $_size_execute0_lowered;
	s3 =	sadd.s32 s3, s5;
	[dreg:$0x0] =	wrdreg $0x0  }
0xa8: {  	s5 =	sshll.u32 s28, $0x1;
	[dreg:$0x2] =	wrdreg s3  }
0xa9: {  	[dreg:$0x3] =	wrdreg s5  }
0xaa: {  	[dreg:$0x4] =	wrdreg $0xC0  }
0xab: {  	_ =	task [dreg:s7], $0x5FFFF  }
0xac: {  	[dreg:$0x1] =	wrdreg $0xFFFFFFFF  }
0xad: {  	[dreg:$0x0] =	wrdreg $0x60  }
0xae: {  	[dreg:$0x2] =	wrdreg s24  }
0xaf: {  	[dreg:$0x3] =	wrdreg s2  }
0xb0: {  	[dreg:$0x4] =	wrdreg $0x0  }
0xb1: {  	[dreg:$0x5] =	wrdreg $0x9  }
0xb2: {  	_ =	task.clear_ibuf [dreg:s7], $0x6FFFF;
	_ =	strace $0x90000049  }
0xb3: {  	s29 =	simm.s32 $0x9;
	_ =	strace $0x8000004B  }
0xb4: {  	_ =	swait.ge [sflag:s29], $0x1  }
0xb5: {  	[sflag:s29] =	ssyncadd.s32 $0xFFFFFFFF  }
0xb6: {  	_ =	strace $0x9000004B  }
0xb7: {  	_ =	sfence  }
0xb8: {  	s30 =	sld [smem:$0x0];
	_ =	sdelay $0x2  }
0xb9: {  	s31 =	sshll.u32 s1, $0xD;
	s1 =	sshrl.u32 s1, $0x2  }
0xba: {  	s3 =	sand.u32 $0x4000, s31;
	s1 =	sadd.s32 s1, s30  }
0xbb: {  	s0 =	sor.u32 s3, s0;
	s1 =	sshll.u32 s1, $0x11  }
0xbc: {  	s0 =	sor.u32 s1, s0  }
0xbd: {  	s0 =	sadd.s32 $0x8F2B, s0  }
0xbe: {  	[sflag:s0] =	ssyncadd.remote.s32 $0x1  }
0xbf: {  	_ =	sfence.sel $0xFFFF  }
0xc0: {  	[dreg:$0x0] =	wrdreg $0xFFFFFFFF;
	(pc) =	sbr.abs _section_cstart, $3  }
0xc1: {  	[dreg:$0x1] =	wrdreg $0xFFFFFFFF  }
0xc2: {  	_ =	task.clear_ibuf [dreg:s7], $0x2FFFF;
	_ =	strace $0x9FFFFFFF  }
0xc3: {  	(tm) =	ssettm $0x7FFFFFFF  }
tec
execute0_lowered:
.L_overlay_start_1:
0x0: {  	(tag) =	ssettag $0x1  }
0x1: {  	s6 =	rddreg [dreg:$0x0];
	s20 =	stileid.u32  }
0x2: {  	s0 =	srdreg.scid;
	s9 =	smul.u32 $0x14000, s20  }
0x3: {  	s3 =	rddreg [dreg:$0x2];
	s4 =	simm.s32 $0x0;
	s11 =	smul.u32 $0x50000, s20  }
0x4: {  	s8 =	sand.u32 $0x1, s0;
	[smem:$0x7FF] =	sst s4;
	s18 =	smul.u32 $0x2700, s20  }
0x5: {  	s5 =	sadd.s32 $0x16800, s6;
	s14 =	sadd.s32 $0x2E00, s6;
	s7 =	smul.u32 $0x140000, s8  }
0x6: {  	s24 =	sshll.u32 s20, $0x6;
	_ =	strace $0x8000004A;
	s17 =	smul.u32 $0x27000, s8  }
0x7: {  	s21 =	ssub.s32 $0x2, s8;
	s12 =	sshll.u32 s8, $0x4;
	s19 =	smul.u32 $0x4E0, s8  }
0x8: {  	s10 =	sshrl.u32 s21, $0x1;
	s22 =	sor.u32 s20, s12;
	s23 =	sshrl.u32 s11, $0x2  }
0x9: {  	s20 =	smul.u32 $0x4E, s20;
	s11 =	simm.s32 $0x4E;
	s7 =	sadd.s32 s9, s7  }
0xa: {  	s15 =	ssub.s32 s21, s10;
	s25 =	smul.u32 $0x4E, s22;
	s16 =	sadd.s32 s23, s3  }
0xb: {  	s12 =	smin.u32 s22, $0x4;
	p0 =	slt.u32 s22, $0x4;
	s9 =	simm.s32 $0x4F  }
0xc: {  	s17 =	sadd.s32 s18, s17;
	s21 =	simm.s32 $0x2;
	s22 =	simm.s32 $0x80  }
0xd: {  	s23 =	simm.s32 $0x14400;
	s7 =	sshrl.u32 s7, $0x3;
	s9 =	simm.s32 @!p0 $0x4E  }
0xe: {  	s28 =	sshll.u32 s12, $0x7;
	s19 =	sadd.s32 s20, s19;
	s11 =	simm.s32 @!p0 $0x4D  }
0xf: {  	s16 =	sshrl.u32 s16, $0x3;
	s13 =	sadd.s32 s7, s6;
	s6 =	sor.u32 $0x1C05, s24  }
0x10: {  	s26 =	sadd.s32 s12, s25;
	[dreg:$0x4] =	wrdreg s9;
	s17 =	sadd.s32 s28, s17  }
0x11: {  	s29 =	sadd.s32 s12, s19;
	s24 =	simm.s32 $0x1;
	s25 =	simm.s32 $0x0  }
0x12: {  	s7 =	sshll.u32 s26, $0x4;
	s12 =	sadd.s32 $0x3DA00, s13;
	s17 =	sadd.s32 $0x4E300, s17  }
0x13: {  	s18 =	sshll.u32 s29, $0x4;
	s13 =	smax.u32 s15, $0x1;
	s7 =	sadd.s32 s14, s7  }
0x14: {  	s30 =	sshrl.u32 s17, $0x3;
	s31 =	sadd.s32 s14, s18;
	s17 =	simm.s32 $0x5  }
0x15: {  	s18 =	simm.s32 $0x14000;
	s8 =	sadd.s32 $0x9C40, s7;
	s9 =	sadd.s32 $0x10, s7  }
0x16: {  	s10 =	sadd.s32 $0x9C50, s7;
	s14 =	sadd.s32 s30, s14;
	s15 =	sadd.s32 $0x20, s31  }
.LBB2_1:
0x17: {  	s0 =	rddreg [dreg:$0x1]  }
0x18: {  	[spmem:s16], [sflag:s6] =	dma.local [hbm:s0], $0x2800  }
0x19: {  	_ =	swait.ge [sflag:s17], $0x2800  }
0x1a: {  	[sflag:s17] =	ssyncset.done $0x0  }
0x1b: {  	[sflag:s17] =	ssyncadd.s32 $0xFFFFD800  }
0x1c: {  	[bflag:$0x0] =	sbarrier.arrive $0xFFFF  }
0x1d: {  	[tilespmem:s18], [sflag:$0x2] =	stream.linear.gather [hbm4b:s7+s4], $0x80, $0x38;
	[tilespmem:$0x1C400] =	vst v63  }
0x1e: {  	s26 =	simm.s32 $0x14200  }
0x1f: {  	[tilespmem:s26], [sflag:$0x2] =	stream.linear.gather [hbm4b:s8+s4], $0x80, $0x38;
	[tilespmem:$0x1C400] =	vst v63  }
0x20: {  	s20 =	simm.s32 $0x14080  }
0x21: {  	[tilespmem:s20], [sflag:$0x3] =	stream.linear.gather [hbm4b:s9+s4], $0x80, $0x38;
	[tilespmem:$0x1C400] =	vst v63  }
0x22: {  	s31 =	simm.s32 $0x14280  }
0x23: {  	[tilespmem:s31], [sflag:$0x3] =	stream.linear.gather [hbm4b:s10+s4], $0x80, $0x38;
	[tilespmem:$0x1C400] =	vst v63  }
0x24: {  	_ =	swait.ge [sflag:s21], $0x80  }
0x25: {  	[sflag:s21] =	ssyncset.done $0x0  }
0x26: {  	[sflag:s21] =	ssyncadd.s32 $0xFFFFFF80  }
0x27: {  	_ =	swait.ge [sflag:s21], $0x80  }
0x28: {  	s28 =	smov.u32 s15;
	[sflag:s21] =	ssyncset.done $0x0  }
0x29: {  	s29 =	smov.u32 s14;
	s30 =	simm.s32 $0x0;
	[sflag:s21] =	ssyncadd.s32 $0xFFFFFF80  }
0x2a: {  	[tilespmem:s23], [sflag:$0x1] =	stream.indirect.gather [hbm4b:s5+s22], $0x80, s18, s22, $0xb8;
	[tilespmem:$0x1C400] =	vst v63  }
.LBB2_2:
0x2b: {  	s31 =	sadd.s32 $0x2, s30  }
0x2c: {  	p1 =	sgt.u32 s31, s11  }
0x2d: {  	s0 =	smul.u32 @!p1 $0xAB, s31;
	_ =	sdelay $0x1  }
0x2e: {  	s0 =	sshrl.u32 @!p1 s0, $0x9  }
0x2f: {  	s0 =	sand.u32 @!p1 $0x7F, s0  }
0x30: {  	s0 =	smul.u32 @!p1 $0x3, s0  }
0x31: {  	_ =	swait.ge [sflag:s24], $0x4000  }
0x32: {  	p0 =	sge.u32 s30, s11;
	[sflag:s24] =	ssyncset.done $0x0;
	s0 =	ssub.s32 @!p1 s31, s0  }
0x33: {  	[sflag:s24] =	ssyncadd.s32 $0xFFFFC000;
	s31 =	sadd.s32 $0x1, s30;
	s0 =	sand.u32 @!p1 $0xFF, s0  }
0x34: {  	s2 =	sand.u32 @!p0 $0xFF, s31;
	s1 =	sadd.s32 @!p1 $0x2, s0;
	s0 =	sshll.u32 @!p1 s0, $0x7  }
0x35: {  	s20 =	simm.s32 @!p1 $0x0;
	s2 =	smul.u32 @!p0 $0xAB, s2;
	s19 =	sor.u32 @!p1 $0x14000, s0  }
0x36: {  	[tilespmem:s19], [sflag:s1] =	stream.linear.gather @!p1 [hbm4b:s28+s20], $0x80, $0x38;
	[tilespmem:$0x1C400] =	vst v63  }
0x37: {  	s2 =	sshrl.u32 @!p0 s2, $0x9  }
0x38: {  	s0 =	sor.u32 @!p1 $0x14200, s0;
	s2 =	smul.u32 @!p0 $0x3, s2  }
0x39: {  	[tilespmem:s0], [sflag:s1] =	stream.linear.gather @!p1 [hbm4b:s29+s20], $0x80, $0x38;
	[tilespmem:$0x1C400] =	vst v63  }
0x3a: {  	s0 =	ssub.s32 @!p0 s31, s2  }
0x3b: {  	s0 =	sand.u32 @!p0 $0xFF, s0  }
0x3c: {  	s1 =	sadd.s32 @!p0 $0x2, s0  }
0x3d: {  	_ =	swait.ge @!p0 [sflag:s1], $0x80  }
0x3e: {  	s20 =	smulhi.u32 $0xAAAAAAAB, s30;
	[sflag:s1] =	ssyncset.done @!p0 $0x0  }
0x3f: {  	s19 =	sand.u32 $0x1, s30;
	[sflag:s1] =	ssyncadd.s32 @!p0 $0xFFFFFF80  }
0x40: {  	s2 =	sshrl.u32 s20, $0x1;
	s20 =	simm.s32 @!p0 $0x80;
	_ =	swait.ge @!p0 [sflag:s1], $0x80  }
0x41: {  	s2 =	smul.u32 $0xFFFFFA00, s2;
	s0 =	sshll.u32 @!p0 s0, $0x7;
	[sflag:s1] =	ssyncset.done @!p0 $0x0  }
0x42: {  	s0 =	sor.u32 @!p0 $0x14000, s0;
	[sflag:s1] =	ssyncadd.s32 @!p0 $0xFFFFFF80;
	s1 =	sshll.u32 @!p0 s19, $0xE  }
0x43: {  	s2 =	sshra.s32 s2, $0x2;
	s19 =	sshll.u32 s19, $0xE;
	s1 =	ssub.s32 @!p0 $0x18400, s1  }
0x44: {  	[tilespmem:s1], [sflag:$0x1] =	stream.indirect.gather @!p0 [hbm4b:s5+s20], $0x80, s0, s20, $0xb8;
	[tilespmem:$0x1C400] =	vst v63  }
0x45: {  	s0 =	sadd.s32 s2, s26;
	s1 =	sadd.s32 $0x14400, s19  }
0x46: {  	[spmem:s3] =	stream.indirect.scatter.add.f32 [tilespmem:s1], [sflag:$0x5], $0x80, s0, s22, $0xb8;
	[tilespmem:$0x1C400] =	vst v63  }
0x47: {  	_ =	swait.ge [sflag:s17], $0x4000  }
0x48: {  	s20 =	rddreg [dreg:$0x4]  }
0x49: {  	p0 =	sne.s32 s20, s31  }
.Ltmp0:
0x4a: {  	_ = 	snop;
	(pc) =	sbr.rel @p0 .LBB2_2-.Ltmp0, $3  }
0x4b: {  	_ =	sdelay $0x1  }
0x4c: {  	s28 =	sadd.s32 $0x10, s28;
	s29 =	sadd.s32 $0x10, s29;
	[sflag:s17] =	ssyncset.done $0x0  }
0x4d: {  	s30 =	smov.u32 s31;
	s26 =	sadd.s32 $0x80, s26;
	[sflag:s17] =	ssyncadd.s32 $0xFFFFC000  }
0x4e: {  	s25 =	sadd.s32 $0x1, s25  }
0x4f: {  	p0 =	sne.s32 s25, s13  }
.Ltmp1:
0x50: {  	[bflag:$0x0] =	sbarrier.arrive $0xFFFF;
	(pc) =	sbr.rel @p0 .LBB2_1-.Ltmp1, $4  }
0x51: {  	[hbm:s12], [sflag:s6] =	dma.local [spmem:s16], $0x2800  }
0x52: {  	_ =	swait.ge [sflag:s17], $0x2800  }
0x53: {  	[sflag:s17] =	ssyncset.done $0x0  }
0x54: {  	[sflag:s17] =	ssyncadd.s32 $0xFFFFD800  }
0x55: {  	_ =	sfence.sel $0x180000  }
0x56: {  	[bflag:$0x0] =	sbarrier.arrive $0xFFFF  }
0x57: {  	_ =	strace $0x9000004A  }
0x58: {  	s0 =	stileid.u32;
	[bflag:$0x2] =	sbarrier.arrive $0xFFFF  }
0x59: {  	p0 =	sne.s32 s0, $0x0;
	s0 =	rddreg [dreg:$0x3]  }
0x5a: {  	s0 =	sadd.s32 @!p0 $0x100000, s0  }
0x5b: {  	[sflag:s0] =	ssyncadd.tile.s32 @!p0 $0x1;
	_ =	shalt  }
.Lfunc_end2:
_tile_overlayer_lowered:
.L_overlay_start_2:
0x5c: {  	(tag) =	ssettag $0x2  }
0x5d: {  	s0 =	rddreg [dreg:$0x0];
	s2 =	stileid.u32  }
0x5e: {  	s1 =	rddreg [dreg:$0x1];
	p0 =	sne.s32 s2, $0x0  }
0x5f: {  	s3 =	rddreg [dreg:$0x2];
	[bflag:$0x3] =	sbarrier.arrive $0xFFFF;
	s2 =	simm.s32 @!p0 $0x1C05  }
0x60: {  	[timem:s3], [sflag:s2] =	dma.local @!p0 [hbm:s0], s1  }
0x61: {  	s0 =	simm.s32 @!p0 $0x5  }
0x62: {  	_ =	swait.ge @!p0 [sflag:s0], s1  }
0x63: {  	s1 =	ssub.s32 @!p0 $0x0, s1;
	[sflag:s0] =	ssyncset.done @!p0 $0x0  }
0x64: {  	[sflag:s0] =	ssyncadd.s32 @!p0 s1  }
0x65: {  	[bflag:$0x3] =	sbarrier.arrive $0xFFFF  }
0x66: {  	_ =	shalt  }

</sc_bundles>
